<compile_context>
chip_gen: v7x
topology: tpu7x:2x2x1
jax: 0.10.2.dev20260603
libtpu: 0.0.44.dev20260713+nightly
codegen_flags: <defaults>
</compile_context>

<pallas_src>
import functools

import jax
import jax.numpy as jnp
import numpy as np
from jax import lax
from jax.experimental import pallas as pl
from jax.experimental.pallas import tpu as pltpu
from jax.experimental.pallas import tpu_sc as plsc

_N_BINS = 20
_BN = 2048
_BOUNDS = [float(v) for v in np.linspace(0.0, 1.0, _N_BINS + 1,
                                         dtype=np.float32)[1:_N_BINS]]

_NW = 16
_LANES = 16


def _conf_acc_body(logits_ref, labels_ref, conf_ref, acc_ref):
    x = logits_ref[...]
    c = x.shape[0]
    m = jnp.max(x, axis=0, keepdims=True)
    rows = jax.lax.broadcasted_iota(jnp.int32, x.shape, 0)
    amax = jnp.min(jnp.where(x == m, rows, c), axis=0, keepdims=True)
    s = jnp.sum(jnp.exp(x - m), axis=0, keepdims=True)
    conf_ref[...] = (1.0 / s).reshape(conf_ref.shape)
    acc_ref[...] = (amax == labels_ref[...]).astype(jnp.float32).reshape(
        acc_ref.shape)


def _tc_conf_acc(logits, labels):
    n, c = logits.shape
    nsteps = n // _BN
    xt = logits.T
    labels2 = labels.astype(jnp.int32).reshape(1, n)
    return pl.pallas_call(
        _conf_acc_body,
        grid=(nsteps,),
        in_specs=[
            pl.BlockSpec((c, _BN), lambda i: (0, i)),
            pl.BlockSpec((1, _BN), lambda i: (0, i)),
        ],
        out_specs=[
            pl.BlockSpec((_BN,), lambda i: (i,)),
            pl.BlockSpec((_BN,), lambda i: (i,)),
        ],
        out_shape=[
            jax.ShapeDtypeStruct((n,), jnp.float32),
            jax.ShapeDtypeStruct((n,), jnp.float32),
        ],
    )(xt, labels2)


def _make_sc_hist(n):
    chunk = n // _NW
    niter = chunk // _LANES
    hist_slots = 512
    mesh = plsc.VectorSubcoreMesh(core_axis_name="c", subcore_axis_name="s",
                                  num_cores=1)

    @functools.partial(
        pl.kernel,
        mesh=mesh,
        out_type=jax.ShapeDtypeStruct((_LANES,), jnp.float32),
        compiler_params=pltpu.CompilerParams(needs_layout_passes=False),
        scratch_types=[
            pltpu.VMEM((chunk,), jnp.float32),
            pltpu.VMEM((chunk,), jnp.float32),
            pltpu.VMEM((hist_slots,), jnp.float32),
            pltpu.VMEM_SHARED((_NW, hist_slots), jnp.float32),
            pltpu.VMEM((_NW, hist_slots), jnp.float32),
            pltpu.VMEM((_LANES,), jnp.float32),
        ],
    )
    def sc_hist(conf_hbm, acc_hbm, out_hbm, conf_v, acc_v, hist_v, shared_v,
                all_v, res_v):
        wid = lax.axis_index("s")
        base = wid * chunk
        pltpu.sync_copy(conf_hbm.at[pl.ds(base, chunk)], conf_v)
        pltpu.sync_copy(acc_hbm.at[pl.ds(base, chunk)], acc_v)

        zero = jnp.zeros((_LANES,), jnp.float32)

        def body(j, carry):
            off = j * _LANES
            cv = conf_v[pl.ds(off, _LANES)]
            av = acc_v[pl.ds(off, _LANES)]
            d = cv - av
            out = [carry[0] + d]
            for k, bk in enumerate(_BOUNDS):
                m = cv > jnp.full((_LANES,), bk, jnp.float32)
                out.append(carry[k + 1] + jnp.where(m, d, zero))
            return tuple(out)

        s = lax.fori_loop(0, niter, body, tuple([zero] * _N_BINS))
        for b in range(hist_slots // _LANES):
            if b < _N_BINS:
                hi = s[b + 1] if b + 1 < _N_BINS else zero
                hist_v[pl.ds(b * _LANES, _LANES)] = s[b] - hi
            else:
                hist_v[pl.ds(b * _LANES, _LANES)] = zero

        pltpu.sync_copy(hist_v, shared_v.at[wid])
        plsc.subcore_barrier()

        @pl.when(wid == 0)
        def _():
            pltpu.sync_copy(shared_v, all_v)
            ece = jnp.float32(0.0)
            for t in range(_N_BINS):
                accum = jnp.zeros((_LANES,), jnp.float32)
                for w in range(_NW):
                    accum += all_v[w, pl.ds(t * _LANES, _LANES)]
                ece += jnp.abs(jnp.sum(accum))
            res_v[...] = jnp.full((_LANES,), ece * (1.0 / n), jnp.float32)
            pltpu.sync_copy(res_v, out_hbm)

    return sc_hist


def kernel(logits, labels):
    n, _ = logits.shape
    conf1d, acc1d = _tc_conf_acc(logits, labels)
    out16 = _make_sc_hist(n)(conf1d, acc1d)
    return out16[0:1]

# --- scband reference (transcript-rebuilt; emitter-appended) ---
"""Pipeline reference for scband-eceloss-34514357190669 (READ-ONLY COPY).

The authoritative reference and input builder live on the scoring server;
editing this copy changes nothing except your own understanding.
"""

import jax, jax.numpy as jnp
import numpy as np

N_BINS = 20
N = 65536
C = 1000


def setup_inputs(seed: int = 0) -> dict:
    key = jax.random.key(seed)
    k1, k2 = jax.random.split(key)
    logits = jax.random.normal(k1, (N, C), dtype=jnp.float32)
    labels = jax.random.randint(k2, (N,), 0, C)
    return {"logits": logits, "labels": labels}


def reference(logits, labels):
    # ECELoss.forward (histogram=False)
    softmaxes = jax.nn.softmax(logits, axis=1)
    confidences = jnp.max(softmaxes, axis=1)
    predictions = jnp.argmax(softmaxes, axis=1)
    accuracies = (predictions == labels).astype(jnp.float32)

    bin_boundaries = jnp.linspace(0.0, 1.0, N_BINS + 1)
    bin_lowers = bin_boundaries[:-1]
    bin_uppers = bin_boundaries[1:]

    # in_bin masks for all bins at once: [n_bins, N]
    in_bin = (confidences[None, :] > bin_lowers[:, None]) & (
        confidences[None, :] <= bin_uppers[:, None]
    )
    in_bin_f = in_bin.astype(jnp.float32)

    count_in_bin = jnp.sum(in_bin_f, axis=1)                       # [n_bins]
    prop_in_bin = count_in_bin / confidences.shape[0]              # mean over samples
    safe_count = jnp.maximum(count_in_bin, 1.0)
    accuracy_in_bin = jnp.sum(in_bin_f * accuracies[None, :], axis=1) / safe_count
    avg_confidence_in_bin = jnp.sum(in_bin_f * confidences[None, :], axis=1) / safe_count

    per_bin = jnp.where(
        count_in_bin > 0,
        jnp.abs(avg_confidence_in_bin - accuracy_in_bin) * prop_in_bin,
        0.0,
    )
    ece = jnp.sum(per_bin).reshape(1)
    return ece

if __name__ == "__main__":
    import jax
    _d = setup_inputs()
    print(jax.jit(kernel)(*tuple(_d.values())))

</pallas_src>

<mosaic_0001>
#map = affine_map<(d0, d1) -> (0)>
module attributes {stable_mosaic.version = 14 : i64} {
  func.func @sc_hist(%arg0: i32, %arg1: i32, %arg2: memref<65536xf32, #tpu.memory_space<hbm>>, %arg3: memref<65536xf32, #tpu.memory_space<hbm>>, %arg4: memref<16xf32, #tpu.memory_space<hbm>>, %arg5: memref<4096xf32, #tpu.memory_space<vmem>>, %arg6: memref<4096xf32, #tpu.memory_space<vmem>>, %arg7: memref<512xf32, #tpu.memory_space<vmem>>, %arg8: memref<16x512xf32, #tpu.memory_space<vmem_shared>>, %arg9: memref<16x512xf32, #tpu.memory_space<vmem>>, %arg10: memref<16xf32, #tpu.memory_space<vmem>>) attributes {dimension_semantics = [#tpu.dimension_semantics<core_parallel>, #tpu.dimension_semantics<subcore_parallel>], iteration_bounds = array<i64: 1, 16>, scalar_prefetch = 0 : i64, scratch_operands = 6 : i64, tpu.core_type = #tpu.core_type<sc_vector_subcore>, window_params = [{transform_indices = #map}, {transform_indices = #map}, {transform_indices = #map}]} {
    %mul3A = arith.constant 4096 : i32
    %mul3A_0 = arith.muli %arg1, %mul3A : i32
    "tpu.region"() ({
      %run_scoped3A = tpu.sem_alloc : memref<!tpu.dma_semaphore, #tpu.memory_space<semaphore_mem>>
      %dma_start3A = tpu.memref_slice %arg2[%mul3A_0] : memref<65536xf32, #tpu.memory_space<hbm>> -> memref<4096xf32, #tpu.memory_space<hbm>>
      %dma_start3A_91 = tpu.memref_slice %arg2[%mul3A_0] : memref<65536xf32, #tpu.memory_space<hbm>> -> memref<4096xf32, #tpu.memory_space<hbm>>
      tpu.enqueue_dma source(%dma_start3A_91 : memref<4096xf32, #tpu.memory_space<hbm>>) target(%arg5 : memref<4096xf32, #tpu.memory_space<vmem>>) target_semaphore(%run_scoped3A : memref<!tpu.dma_semaphore, #tpu.memory_space<semaphore_mem>>)
      %dma_wait3A = tpu.memref_slice %arg2[%mul3A_0] : memref<65536xf32, #tpu.memory_space<hbm>> -> memref<4096xf32, #tpu.memory_space<hbm>>
      %dma_wait3A_92 = tpu.memref_slice %arg2[%mul3A_0] : memref<65536xf32, #tpu.memory_space<hbm>> -> memref<4096xf32, #tpu.memory_space<hbm>>
      tpu.wait_dma2 semaphore(%run_scoped3A : memref<!tpu.dma_semaphore, #tpu.memory_space<semaphore_mem>>) src(%dma_wait3A_92 : memref<4096xf32, #tpu.memory_space<hbm>>) dst(%arg5 : memref<4096xf32, #tpu.memory_space<vmem>>)
      tpu.yield
    }) : () -> ()
    "tpu.region"() ({
      %run_scoped3A = tpu.sem_alloc : memref<!tpu.dma_semaphore, #tpu.memory_space<semaphore_mem>>
      %dma_start3A = tpu.memref_slice %arg3[%mul3A_0] : memref<65536xf32, #tpu.memory_space<hbm>> -> memref<4096xf32, #tpu.memory_space<hbm>>
      %dma_start3A_91 = tpu.memref_slice %arg3[%mul3A_0] : memref<65536xf32, #tpu.memory_space<hbm>> -> memref<4096xf32, #tpu.memory_space<hbm>>
      tpu.enqueue_dma source(%dma_start3A_91 : memref<4096xf32, #tpu.memory_space<hbm>>) target(%arg6 : memref<4096xf32, #tpu.memory_space<vmem>>) target_semaphore(%run_scoped3A : memref<!tpu.dma_semaphore, #tpu.memory_space<semaphore_mem>>)
      %dma_wait3A = tpu.memref_slice %arg3[%mul3A_0] : memref<65536xf32, #tpu.memory_space<hbm>> -> memref<4096xf32, #tpu.memory_space<hbm>>
      %dma_wait3A_92 = tpu.memref_slice %arg3[%mul3A_0] : memref<65536xf32, #tpu.memory_space<hbm>> -> memref<4096xf32, #tpu.memory_space<hbm>>
      tpu.wait_dma2 semaphore(%run_scoped3A : memref<!tpu.dma_semaphore, #tpu.memory_space<semaphore_mem>>) src(%dma_wait3A_92 : memref<4096xf32, #tpu.memory_space<hbm>>) dst(%arg6 : memref<4096xf32, #tpu.memory_space<vmem>>)
      tpu.yield
    }) : () -> ()
    %broadcast_in_dim3A = arith.constant 0.000000e+00 : f32
    %broadcast_in_dim3A_1 = vector.broadcast %broadcast_in_dim3A : f32 to vector<16xf32>
    %scan3A = arith.constant 0 : i32
    %scan3A_2 = arith.constant 256 : i32
    %scan3A_3 = arith.addi %scan3A, %scan3A_2 : i32
    %scan3A_4 = arith.constant 1 : i32
    %scan3A_5:20 = scf.for %scan3A_91 = %scan3A to %scan3A_3 step %scan3A_4 iter_args(%scan3A_92 = %broadcast_in_dim3A_1, %scan3A_93 = %broadcast_in_dim3A_1, %scan3A_94 = %broadcast_in_dim3A_1, %scan3A_95 = %broadcast_in_dim3A_1, %scan3A_96 = %broadcast_in_dim3A_1, %scan3A_97 = %broadcast_in_dim3A_1, %scan3A_98 = %broadcast_in_dim3A_1, %scan3A_99 = %broadcast_in_dim3A_1, %scan3A_100 = %broadcast_in_dim3A_1, %scan3A_101 = %broadcast_in_dim3A_1, %scan3A_102 = %broadcast_in_dim3A_1, %scan3A_103 = %broadcast_in_dim3A_1, %scan3A_104 = %broadcast_in_dim3A_1, %scan3A_105 = %broadcast_in_dim3A_1, %scan3A_106 = %broadcast_in_dim3A_1, %scan3A_107 = %broadcast_in_dim3A_1, %scan3A_108 = %broadcast_in_dim3A_1, %scan3A_109 = %broadcast_in_dim3A_1, %scan3A_110 = %broadcast_in_dim3A_1, %scan3A_111 = %broadcast_in_dim3A_1) -> (vector<16xf32>, vector<16xf32>, vector<16xf32>, vector<16xf32>, vector<16xf32>, vector<16xf32>, vector<16xf32>, vector<16xf32>, vector<16xf32>, vector<16xf32>, vector<16xf32>, vector<16xf32>, vector<16xf32>, vector<16xf32>, vector<16xf32>, vector<16xf32>, vector<16xf32>, vector<16xf32>, vector<16xf32>, vector<16xf32>)  : i32 {
      %mul3A_112 = arith.constant 16 : i32
      %mul3A_113 = arith.muli %scan3A_91, %mul3A_112 : i32
      %get3A = arith.index_cast %mul3A_113 : i32 to index
      %get3A_114 = tpu.vector_load %arg5[%get3A] {strides = array<i32>} : memref<4096xf32, #tpu.memory_space<vmem>>, vector<16xf32>,
      %get3A_115 = arith.index_cast %mul3A_113 : i32 to index
      %get3A_116 = tpu.vector_load %arg6[%get3A_115] {strides = array<i32>} : memref<4096xf32, #tpu.memory_space<vmem>>, vector<16xf32>,
      %sub3A_117 = arith.subf %get3A_114, %get3A_116 : vector<16xf32>
      %add3A = arith.addf %scan3A_92, %sub3A_117 : vector<16xf32>
      %broadcast_in_dim3A_118 = arith.constant 5.000000e-02 : f32
      %broadcast_in_dim3A_119 = vector.broadcast %broadcast_in_dim3A_118 : f32 to vector<16xf32>
      %gt3A = arith.cmpf ogt, %get3A_114, %broadcast_in_dim3A_119 : vector<16xf32>
      %select_n3A = arith.select %gt3A, %sub3A_117, %broadcast_in_dim3A_1 : vector<16xi1>, vector<16xf32>
      %add3A_120 = arith.addf %scan3A_93, %select_n3A : vector<16xf32>
      %broadcast_in_dim3A_121 = arith.constant 1.000000e-01 : f32
      %broadcast_in_dim3A_122 = vector.broadcast %broadcast_in_dim3A_121 : f32 to vector<16xf32>
      %gt3A_123 = arith.cmpf ogt, %get3A_114, %broadcast_in_dim3A_122 : vector<16xf32>
      %select_n3A_124 = arith.select %gt3A_123, %sub3A_117, %broadcast_in_dim3A_1 : vector<16xi1>, vector<16xf32>
      %add3A_125 = arith.addf %scan3A_94, %select_n3A_124 : vector<16xf32>
      %broadcast_in_dim3A_126 = arith.constant 1.500000e-01 : f32
      %broadcast_in_dim3A_127 = vector.broadcast %broadcast_in_dim3A_126 : f32 to vector<16xf32>
      %gt3A_128 = arith.cmpf ogt, %get3A_114, %broadcast_in_dim3A_127 : vector<16xf32>
      %select_n3A_129 = arith.select %gt3A_128, %sub3A_117, %broadcast_in_dim3A_1 : vector<16xi1>, vector<16xf32>
      %add3A_130 = arith.addf %scan3A_95, %select_n3A_129 : vector<16xf32>
      %broadcast_in_dim3A_131 = arith.constant 2.000000e-01 : f32
      %broadcast_in_dim3A_132 = vector.broadcast %broadcast_in_dim3A_131 : f32 to vector<16xf32>
      %gt3A_133 = arith.cmpf ogt, %get3A_114, %broadcast_in_dim3A_132 : vector<16xf32>
      %select_n3A_134 = arith.select %gt3A_133, %sub3A_117, %broadcast_in_dim3A_1 : vector<16xi1>, vector<16xf32>
      %add3A_135 = arith.addf %scan3A_96, %select_n3A_134 : vector<16xf32>
      %broadcast_in_dim3A_136 = arith.constant 2.500000e-01 : f32
      %broadcast_in_dim3A_137 = vector.broadcast %broadcast_in_dim3A_136 : f32 to vector<16xf32>
      %gt3A_138 = arith.cmpf ogt, %get3A_114, %broadcast_in_dim3A_137 : vector<16xf32>
      %select_n3A_139 = arith.select %gt3A_138, %sub3A_117, %broadcast_in_dim3A_1 : vector<16xi1>, vector<16xf32>
      %add3A_140 = arith.addf %scan3A_97, %select_n3A_139 : vector<16xf32>
      %broadcast_in_dim3A_141 = arith.constant 3.000000e-01 : f32
      %broadcast_in_dim3A_142 = vector.broadcast %broadcast_in_dim3A_141 : f32 to vector<16xf32>
      %gt3A_143 = arith.cmpf ogt, %get3A_114, %broadcast_in_dim3A_142 : vector<16xf32>
      %select_n3A_144 = arith.select %gt3A_143, %sub3A_117, %broadcast_in_dim3A_1 : vector<16xi1>, vector<16xf32>
      %add3A_145 = arith.addf %scan3A_98, %select_n3A_144 : vector<16xf32>
      %broadcast_in_dim3A_146 = arith.constant 3.500000e-01 : f32
      %broadcast_in_dim3A_147 = vector.broadcast %broadcast_in_dim3A_146 : f32 to vector<16xf32>
      %gt3A_148 = arith.cmpf ogt, %get3A_114, %broadcast_in_dim3A_147 : vector<16xf32>
      %select_n3A_149 = arith.select %gt3A_148, %sub3A_117, %broadcast_in_dim3A_1 : vector<16xi1>, vector<16xf32>
      %add3A_150 = arith.addf %scan3A_99, %select_n3A_149 : vector<16xf32>
      %broadcast_in_dim3A_151 = arith.constant 4.000000e-01 : f32
      %broadcast_in_dim3A_152 = vector.broadcast %broadcast_in_dim3A_151 : f32 to vector<16xf32>
      %gt3A_153 = arith.cmpf ogt, %get3A_114, %broadcast_in_dim3A_152 : vector<16xf32>
      %select_n3A_154 = arith.select %gt3A_153, %sub3A_117, %broadcast_in_dim3A_1 : vector<16xi1>, vector<16xf32>
      %add3A_155 = arith.addf %scan3A_100, %select_n3A_154 : vector<16xf32>
      %broadcast_in_dim3A_156 = arith.constant 4.500000e-01 : f32
      %broadcast_in_dim3A_157 = vector.broadcast %broadcast_in_dim3A_156 : f32 to vector<16xf32>
      %gt3A_158 = arith.cmpf ogt, %get3A_114, %broadcast_in_dim3A_157 : vector<16xf32>
      %select_n3A_159 = arith.select %gt3A_158, %sub3A_117, %broadcast_in_dim3A_1 : vector<16xi1>, vector<16xf32>
      %add3A_160 = arith.addf %scan3A_101, %select_n3A_159 : vector<16xf32>
      %broadcast_in_dim3A_161 = arith.constant 5.000000e-01 : f32
      %broadcast_in_dim3A_162 = vector.broadcast %broadcast_in_dim3A_161 : f32 to vector<16xf32>
      %gt3A_163 = arith.cmpf ogt, %get3A_114, %broadcast_in_dim3A_162 : vector<16xf32>
      %select_n3A_164 = arith.select %gt3A_163, %sub3A_117, %broadcast_in_dim3A_1 : vector<16xi1>, vector<16xf32>
      %add3A_165 = arith.addf %scan3A_102, %select_n3A_164 : vector<16xf32>
      %broadcast_in_dim3A_166 = arith.constant 5.500000e-01 : f32
      %broadcast_in_dim3A_167 = vector.broadcast %broadcast_in_dim3A_166 : f32 to vector<16xf32>
      %gt3A_168 = arith.cmpf ogt, %get3A_114, %broadcast_in_dim3A_167 : vector<16xf32>
      %select_n3A_169 = arith.select %gt3A_168, %sub3A_117, %broadcast_in_dim3A_1 : vector<16xi1>, vector<16xf32>
      %add3A_170 = arith.addf %scan3A_103, %select_n3A_169 : vector<16xf32>
      %broadcast_in_dim3A_171 = arith.constant 6.000000e-01 : f32
      %broadcast_in_dim3A_172 = vector.broadcast %broadcast_in_dim3A_171 : f32 to vector<16xf32>
      %gt3A_173 = arith.cmpf ogt, %get3A_114, %broadcast_in_dim3A_172 : vector<16xf32>
      %select_n3A_174 = arith.select %gt3A_173, %sub3A_117, %broadcast_in_dim3A_1 : vector<16xi1>, vector<16xf32>
      %add3A_175 = arith.addf %scan3A_104, %select_n3A_174 : vector<16xf32>
      %broadcast_in_dim3A_176 = arith.constant 6.500000e-01 : f32
      %broadcast_in_dim3A_177 = vector.broadcast %broadcast_in_dim3A_176 : f32 to vector<16xf32>
      %gt3A_178 = arith.cmpf ogt, %get3A_114, %broadcast_in_dim3A_177 : vector<16xf32>
      %select_n3A_179 = arith.select %gt3A_178, %sub3A_117, %broadcast_in_dim3A_1 : vector<16xi1>, vector<16xf32>
      %add3A_180 = arith.addf %scan3A_105, %select_n3A_179 : vector<16xf32>
      %broadcast_in_dim3A_181 = arith.constant 0.699999988 : f32
      %broadcast_in_dim3A_182 = vector.broadcast %broadcast_in_dim3A_181 : f32 to vector<16xf32>
      %gt3A_183 = arith.cmpf ogt, %get3A_114, %broadcast_in_dim3A_182 : vector<16xf32>
      %select_n3A_184 = arith.select %gt3A_183, %sub3A_117, %broadcast_in_dim3A_1 : vector<16xi1>, vector<16xf32>
      %add3A_185 = arith.addf %scan3A_106, %select_n3A_184 : vector<16xf32>
      %broadcast_in_dim3A_186 = arith.constant 7.500000e-01 : f32
      %broadcast_in_dim3A_187 = vector.broadcast %broadcast_in_dim3A_186 : f32 to vector<16xf32>
      %gt3A_188 = arith.cmpf ogt, %get3A_114, %broadcast_in_dim3A_187 : vector<16xf32>
      %select_n3A_189 = arith.select %gt3A_188, %sub3A_117, %broadcast_in_dim3A_1 : vector<16xi1>, vector<16xf32>
      %add3A_190 = arith.addf %scan3A_107, %select_n3A_189 : vector<16xf32>
      %broadcast_in_dim3A_191 = arith.constant 8.000000e-01 : f32
      %broadcast_in_dim3A_192 = vector.broadcast %broadcast_in_dim3A_191 : f32 to vector<16xf32>
      %gt3A_193 = arith.cmpf ogt, %get3A_114, %broadcast_in_dim3A_192 : vector<16xf32>
      %select_n3A_194 = arith.select %gt3A_193, %sub3A_117, %broadcast_in_dim3A_1 : vector<16xi1>, vector<16xf32>
      %add3A_195 = arith.addf %scan3A_108, %select_n3A_194 : vector<16xf32>
      %broadcast_in_dim3A_196 = arith.constant 8.500000e-01 : f32
      %broadcast_in_dim3A_197 = vector.broadcast %broadcast_in_dim3A_196 : f32 to vector<16xf32>
      %gt3A_198 = arith.cmpf ogt, %get3A_114, %broadcast_in_dim3A_197 : vector<16xf32>
      %select_n3A_199 = arith.select %gt3A_198, %sub3A_117, %broadcast_in_dim3A_1 : vector<16xi1>, vector<16xf32>
      %add3A_200 = arith.addf %scan3A_109, %select_n3A_199 : vector<16xf32>
      %broadcast_in_dim3A_201 = arith.constant 0.899999976 : f32
      %broadcast_in_dim3A_202 = vector.broadcast %broadcast_in_dim3A_201 : f32 to vector<16xf32>
      %gt3A_203 = arith.cmpf ogt, %get3A_114, %broadcast_in_dim3A_202 : vector<16xf32>
      %select_n3A_204 = arith.select %gt3A_203, %sub3A_117, %broadcast_in_dim3A_1 : vector<16xi1>, vector<16xf32>
      %add3A_205 = arith.addf %scan3A_110, %select_n3A_204 : vector<16xf32>
      %broadcast_in_dim3A_206 = arith.constant 0.949999988 : f32
      %broadcast_in_dim3A_207 = vector.broadcast %broadcast_in_dim3A_206 : f32 to vector<16xf32>
      %gt3A_208 = arith.cmpf ogt, %get3A_114, %broadcast_in_dim3A_207 : vector<16xf32>
      %select_n3A_209 = arith.select %gt3A_208, %sub3A_117, %broadcast_in_dim3A_1 : vector<16xi1>, vector<16xf32>
      %add3A_210 = arith.addf %scan3A_111, %select_n3A_209 : vector<16xf32>
      scf.yield %add3A, %add3A_120, %add3A_125, %add3A_130, %add3A_135, %add3A_140, %add3A_145, %add3A_150, %add3A_155, %add3A_160, %add3A_165, %add3A_170, %add3A_175, %add3A_180, %add3A_185, %add3A_190, %add3A_195, %add3A_200, %add3A_205, %add3A_210 : vector<16xf32>, vector<16xf32>, vector<16xf32>, vector<16xf32>, vector<16xf32>, vector<16xf32>, vector<16xf32>, vector<16xf32>, vector<16xf32>, vector<16xf32>, vector<16xf32>, vector<16xf32>, vector<16xf32>, vector<16xf32>, vector<16xf32>, vector<16xf32>, vector<16xf32>, vector<16xf32>, vector<16xf32>, vector<16xf32>
    }
    %scan3A_6 = arith.constant 256 : i32
    %sub3A = arith.subf %scan3A_5#0, %scan3A_5#1 : vector<16xf32>
    %swap3A = arith.constant 0 : index
    %swap3A_7 = tpu.vector_load %arg7[%swap3A] {strides = array<i32>} : memref<512xf32, #tpu.memory_space<vmem>>, vector<16xf32>,
    tpu.vector_store %arg7[%swap3A], %sub3A {strides = array<i32>} : memref<512xf32, #tpu.memory_space<vmem>>, vector<16xf32>,
    %sub3A_8 = arith.subf %scan3A_5#1, %scan3A_5#2 : vector<16xf32>
    %swap3A_9 = arith.constant 16 : index
    %swap3A_10 = tpu.vector_load %arg7[%swap3A_9] {strides = array<i32>} : memref<512xf32, #tpu.memory_space<vmem>>, vector<16xf32>,
    tpu.vector_store %arg7[%swap3A_9], %sub3A_8 {strides = array<i32>} : memref<512xf32, #tpu.memory_space<vmem>>, vector<16xf32>,
    %sub3A_11 = arith.subf %scan3A_5#2, %scan3A_5#3 : vector<16xf32>
    %swap3A_12 = arith.constant 32 : index
    %swap3A_13 = tpu.vector_load %arg7[%swap3A_12] {strides = array<i32>} : memref<512xf32, #tpu.memory_space<vmem>>, vector<16xf32>,
    tpu.vector_store %arg7[%swap3A_12], %sub3A_11 {strides = array<i32>} : memref<512xf32, #tpu.memory_space<vmem>>, vector<16xf32>,
    %sub3A_14 = arith.subf %scan3A_5#3, %scan3A_5#4 : vector<16xf32>
    %swap3A_15 = arith.constant 48 : index
    %swap3A_16 = tpu.vector_load %arg7[%swap3A_15] {strides = array<i32>} : memref<512xf32, #tpu.memory_space<vmem>>, vector<16xf32>,
    tpu.vector_store %arg7[%swap3A_15], %sub3A_14 {strides = array<i32>} : memref<512xf32, #tpu.memory_space<vmem>>, vector<16xf32>,
    %sub3A_17 = arith.subf %scan3A_5#4, %scan3A_5#5 : vector<16xf32>
    %swap3A_18 = arith.constant 64 : index
    %swap3A_19 = tpu.vector_load %arg7[%swap3A_18] {strides = array<i32>} : memref<512xf32, #tpu.memory_space<vmem>>, vector<16xf32>,
    tpu.vector_store %arg7[%swap3A_18], %sub3A_17 {strides = array<i32>} : memref<512xf32, #tpu.memory_space<vmem>>, vector<16xf32>,
    %sub3A_20 = arith.subf %scan3A_5#5, %scan3A_5#6 : vector<16xf32>
    %swap3A_21 = arith.constant 80 : index
    %swap3A_22 = tpu.vector_load %arg7[%swap3A_21] {strides = array<i32>} : memref<512xf32, #tpu.memory_space<vmem>>, vector<16xf32>,
    tpu.vector_store %arg7[%swap3A_21], %sub3A_20 {strides = array<i32>} : memref<512xf32, #tpu.memory_space<vmem>>, vector<16xf32>,
    %sub3A_23 = arith.subf %scan3A_5#6, %scan3A_5#7 : vector<16xf32>
    %swap3A_24 = arith.constant 96 : index
    %swap3A_25 = tpu.vector_load %arg7[%swap3A_24] {strides = array<i32>} : memref<512xf32, #tpu.memory_space<vmem>>, vector<16xf32>,
    tpu.vector_store %arg7[%swap3A_24], %sub3A_23 {strides = array<i32>} : memref<512xf32, #tpu.memory_space<vmem>>, vector<16xf32>,
    %sub3A_26 = arith.subf %scan3A_5#7, %scan3A_5#8 : vector<16xf32>
    %swap3A_27 = arith.constant 112 : index
    %swap3A_28 = tpu.vector_load %arg7[%swap3A_27] {strides = array<i32>} : memref<512xf32, #tpu.memory_space<vmem>>, vector<16xf32>,
    tpu.vector_store %arg7[%swap3A_27], %sub3A_26 {strides = array<i32>} : memref<512xf32, #tpu.memory_space<vmem>>, vector<16xf32>,
    %sub3A_29 = arith.subf %scan3A_5#8, %scan3A_5#9 : vector<16xf32>
    %swap3A_30 = arith.constant 128 : index
    %swap3A_31 = tpu.vector_load %arg7[%swap3A_30] {strides = array<i32>} : memref<512xf32, #tpu.memory_space<vmem>>, vector<16xf32>,
    tpu.vector_store %arg7[%swap3A_30], %sub3A_29 {strides = array<i32>} : memref<512xf32, #tpu.memory_space<vmem>>, vector<16xf32>,
    %sub3A_32 = arith.subf %scan3A_5#9, %scan3A_5#10 : vector<16xf32>
    %swap3A_33 = arith.constant 144 : index
    %swap3A_34 = tpu.vector_load %arg7[%swap3A_33] {strides = array<i32>} : memref<512xf32, #tpu.memory_space<vmem>>, vector<16xf32>,
    tpu.vector_store %arg7[%swap3A_33], %sub3A_32 {strides = array<i32>} : memref<512xf32, #tpu.memory_space<vmem>>, vector<16xf32>,
    %sub3A_35 = arith.subf %scan3A_5#10, %scan3A_5#11 : vector<16xf32>
    %swap3A_36 = arith.constant 160 : index
    %swap3A_37 = tpu.vector_load %arg7[%swap3A_36] {strides = array<i32>} : memref<512xf32, #tpu.memory_space<vmem>>, vector<16xf32>,
    tpu.vector_store %arg7[%swap3A_36], %sub3A_35 {strides = array<i32>} : memref<512xf32, #tpu.memory_space<vmem>>, vector<16xf32>,
    %sub3A_38 = arith.subf %scan3A_5#11, %scan3A_5#12 : vector<16xf32>
    %swap3A_39 = arith.constant 176 : index
    %swap3A_40 = tpu.vector_load %arg7[%swap3A_39] {strides = array<i32>} : memref<512xf32, #tpu.memory_space<vmem>>, vector<16xf32>,
    tpu.vector_store %arg7[%swap3A_39], %sub3A_38 {strides = array<i32>} : memref<512xf32, #tpu.memory_space<vmem>>, vector<16xf32>,
    %sub3A_41 = arith.subf %scan3A_5#12, %scan3A_5#13 : vector<16xf32>
    %swap3A_42 = arith.constant 192 : index
    %swap3A_43 = tpu.vector_load %arg7[%swap3A_42] {strides = array<i32>} : memref<512xf32, #tpu.memory_space<vmem>>, vector<16xf32>,
    tpu.vector_store %arg7[%swap3A_42], %sub3A_41 {strides = array<i32>} : memref<512xf32, #tpu.memory_space<vmem>>, vector<16xf32>,
    %sub3A_44 = arith.subf %scan3A_5#13, %scan3A_5#14 : vector<16xf32>
    %swap3A_45 = arith.constant 208 : index
    %swap3A_46 = tpu.vector_load %arg7[%swap3A_45] {strides = array<i32>} : memref<512xf32, #tpu.memory_space<vmem>>, vector<16xf32>,
    tpu.vector_store %arg7[%swap3A_45], %sub3A_44 {strides = array<i32>} : memref<512xf32, #tpu.memory_space<vmem>>, vector<16xf32>,
    %sub3A_47 = arith.subf %scan3A_5#14, %scan3A_5#15 : vector<16xf32>
    %swap3A_48 = arith.constant 224 : index
    %swap3A_49 = tpu.vector_load %arg7[%swap3A_48] {strides = array<i32>} : memref<512xf32, #tpu.memory_space<vmem>>, vector<16xf32>,
    tpu.vector_store %arg7[%swap3A_48], %sub3A_47 {strides = array<i32>} : memref<512xf32, #tpu.memory_space<vmem>>, vector<16xf32>,
    %sub3A_50 = arith.subf %scan3A_5#15, %scan3A_5#16 : vector<16xf32>
    %swap3A_51 = arith.constant 240 : index
    %swap3A_52 = tpu.vector_load %arg7[%swap3A_51] {strides = array<i32>} : memref<512xf32, #tpu.memory_space<vmem>>, vector<16xf32>,
    tpu.vector_store %arg7[%swap3A_51], %sub3A_50 {strides = array<i32>} : memref<512xf32, #tpu.memory_space<vmem>>, vector<16xf32>,
    %sub3A_53 = arith.subf %scan3A_5#16, %scan3A_5#17 : vector<16xf32>
    %swap3A_54 = arith.constant 256 : index
    %swap3A_55 = tpu.vector_load %arg7[%swap3A_54] {strides = array<i32>} : memref<512xf32, #tpu.memory_space<vmem>>, vector<16xf32>,
    tpu.vector_store %arg7[%swap3A_54], %sub3A_53 {strides = array<i32>} : memref<512xf32, #tpu.memory_space<vmem>>, vector<16xf32>,
    %sub3A_56 = arith.subf %scan3A_5#17, %scan3A_5#18 : vector<16xf32>
    %swap3A_57 = arith.constant 272 : index
    %swap3A_58 = tpu.vector_load %arg7[%swap3A_57] {strides = array<i32>} : memref<512xf32, #tpu.memory_space<vmem>>, vector<16xf32>,
    tpu.vector_store %arg7[%swap3A_57], %sub3A_56 {strides = array<i32>} : memref<512xf32, #tpu.memory_space<vmem>>, vector<16xf32>,
    %sub3A_59 = arith.subf %scan3A_5#18, %scan3A_5#19 : vector<16xf32>
    %swap3A_60 = arith.constant 288 : index
    %swap3A_61 = tpu.vector_load %arg7[%swap3A_60] {strides = array<i32>} : memref<512xf32, #tpu.memory_space<vmem>>, vector<16xf32>,
    tpu.vector_store %arg7[%swap3A_60], %sub3A_59 {strides = array<i32>} : memref<512xf32, #tpu.memory_space<vmem>>, vector<16xf32>,
    %sub3A_62 = arith.subf %scan3A_5#19, %broadcast_in_dim3A_1 : vector<16xf32>
    %swap3A_63 = arith.constant 304 : index
    %swap3A_64 = tpu.vector_load %arg7[%swap3A_63] {strides = array<i32>} : memref<512xf32, #tpu.memory_space<vmem>>, vector<16xf32>,
    tpu.vector_store %arg7[%swap3A_63], %sub3A_62 {strides = array<i32>} : memref<512xf32, #tpu.memory_space<vmem>>, vector<16xf32>,
    %swap3A_65 = arith.constant 320 : index
    %swap3A_66 = tpu.vector_load %arg7[%swap3A_65] {strides = array<i32>} : memref<512xf32, #tpu.memory_space<vmem>>, vector<16xf32>,
    tpu.vector_store %arg7[%swap3A_65], %broadcast_in_dim3A_1 {strides = array<i32>} : memref<512xf32, #tpu.memory_space<vmem>>, vector<16xf32>,
    %swap3A_67 = arith.constant 336 : index
    %swap3A_68 = tpu.vector_load %arg7[%swap3A_67] {strides = array<i32>} : memref<512xf32, #tpu.memory_space<vmem>>, vector<16xf32>,
    tpu.vector_store %arg7[%swap3A_67], %broadcast_in_dim3A_1 {strides = array<i32>} : memref<512xf32, #tpu.memory_space<vmem>>, vector<16xf32>,
    %swap3A_69 = arith.constant 352 : index
    %swap3A_70 = tpu.vector_load %arg7[%swap3A_69] {strides = array<i32>} : memref<512xf32, #tpu.memory_space<vmem>>, vector<16xf32>,
    tpu.vector_store %arg7[%swap3A_69], %broadcast_in_dim3A_1 {strides = array<i32>} : memref<512xf32, #tpu.memory_space<vmem>>, vector<16xf32>,
    %swap3A_71 = arith.constant 368 : index
    %swap3A_72 = tpu.vector_load %arg7[%swap3A_71] {strides = array<i32>} : memref<512xf32, #tpu.memory_space<vmem>>, vector<16xf32>,
    tpu.vector_store %arg7[%swap3A_71], %broadcast_in_dim3A_1 {strides = array<i32>} : memref<512xf32, #tpu.memory_space<vmem>>, vector<16xf32>,
    %swap3A_73 = arith.constant 384 : index
    %swap3A_74 = tpu.vector_load %arg7[%swap3A_73] {strides = array<i32>} : memref<512xf32, #tpu.memory_space<vmem>>, vector<16xf32>,
    tpu.vector_store %arg7[%swap3A_73], %broadcast_in_dim3A_1 {strides = array<i32>} : memref<512xf32, #tpu.memory_space<vmem>>, vector<16xf32>,
    %swap3A_75 = arith.constant 400 : index
    %swap3A_76 = tpu.vector_load %arg7[%swap3A_75] {strides = array<i32>} : memref<512xf32, #tpu.memory_space<vmem>>, vector<16xf32>,
    tpu.vector_store %arg7[%swap3A_75], %broadcast_in_dim3A_1 {strides = array<i32>} : memref<512xf32, #tpu.memory_space<vmem>>, vector<16xf32>,
    %swap3A_77 = arith.constant 416 : index
    %swap3A_78 = tpu.vector_load %arg7[%swap3A_77] {strides = array<i32>} : memref<512xf32, #tpu.memory_space<vmem>>, vector<16xf32>,
    tpu.vector_store %arg7[%swap3A_77], %broadcast_in_dim3A_1 {strides = array<i32>} : memref<512xf32, #tpu.memory_space<vmem>>, vector<16xf32>,
    %swap3A_79 = arith.constant 432 : index
    %swap3A_80 = tpu.vector_load %arg7[%swap3A_79] {strides = array<i32>} : memref<512xf32, #tpu.memory_space<vmem>>, vector<16xf32>,
    tpu.vector_store %arg7[%swap3A_79], %broadcast_in_dim3A_1 {strides = array<i32>} : memref<512xf32, #tpu.memory_space<vmem>>, vector<16xf32>,
    %swap3A_81 = arith.constant 448 : index
    %swap3A_82 = tpu.vector_load %arg7[%swap3A_81] {strides = array<i32>} : memref<512xf32, #tpu.memory_space<vmem>>, vector<16xf32>,
    tpu.vector_store %arg7[%swap3A_81], %broadcast_in_dim3A_1 {strides = array<i32>} : memref<512xf32, #tpu.memory_space<vmem>>, vector<16xf32>,
    %swap3A_83 = arith.constant 464 : index
    %swap3A_84 = tpu.vector_load %arg7[%swap3A_83] {strides = array<i32>} : memref<512xf32, #tpu.memory_space<vmem>>, vector<16xf32>,
    tpu.vector_store %arg7[%swap3A_83], %broadcast_in_dim3A_1 {strides = array<i32>} : memref<512xf32, #tpu.memory_space<vmem>>, vector<16xf32>,
    %swap3A_85 = arith.constant 480 : index
    %swap3A_86 = tpu.vector_load %arg7[%swap3A_85] {strides = array<i32>} : memref<512xf32, #tpu.memory_space<vmem>>, vector<16xf32>,
    tpu.vector_store %arg7[%swap3A_85], %broadcast_in_dim3A_1 {strides = array<i32>} : memref<512xf32, #tpu.memory_space<vmem>>, vector<16xf32>,
    %swap3A_87 = arith.constant 496 : index
    %swap3A_88 = tpu.vector_load %arg7[%swap3A_87] {strides = array<i32>} : memref<512xf32, #tpu.memory_space<vmem>>, vector<16xf32>,
    tpu.vector_store %arg7[%swap3A_87], %broadcast_in_dim3A_1 {strides = array<i32>} : memref<512xf32, #tpu.memory_space<vmem>>, vector<16xf32>,
    "tpu.region"() ({
      %run_scoped3A = tpu.sem_alloc : memref<!tpu.dma_semaphore, #tpu.memory_space<semaphore_mem>>
      %dma_start3A = arith.constant 0 : i32
      %dma_start3A_91 = tpu.memref_slice %arg8[%arg1, %dma_start3A] : memref<16x512xf32, #tpu.memory_space<vmem_shared>> -> memref<1x512xf32, #tpu.memory_space<vmem_shared>>
      %dma_start3A_92 = tpu.memref_squeeze %dma_start3A_91 : memref<1x512xf32, #tpu.memory_space<vmem_shared>> -> memref<512xf32, #tpu.memory_space<vmem_shared>>
      %dma_start3A_93 = arith.constant 0 : i32
      %dma_start3A_94 = tpu.memref_slice %arg8[%arg1, %dma_start3A_93] : memref<16x512xf32, #tpu.memory_space<vmem_shared>> -> memref<1x512xf32, #tpu.memory_space<vmem_shared>>
      %dma_start3A_95 = tpu.memref_squeeze %dma_start3A_94 : memref<1x512xf32, #tpu.memory_space<vmem_shared>> -> memref<512xf32, #tpu.memory_space<vmem_shared>>
      tpu.enqueue_dma source(%arg7 : memref<512xf32, #tpu.memory_space<vmem>>) target(%dma_start3A_95 : memref<512xf32, #tpu.memory_space<vmem_shared>>) target_semaphore(%run_scoped3A : memref<!tpu.dma_semaphore, #tpu.memory_space<semaphore_mem>>)
      %dma_wait3A = arith.constant 0 : i32
      %dma_wait3A_96 = tpu.memref_slice %arg8[%arg1, %dma_wait3A] : memref<16x512xf32, #tpu.memory_space<vmem_shared>> -> memref<1x512xf32, #tpu.memory_space<vmem_shared>>
      %dma_wait3A_97 = tpu.memref_squeeze %dma_wait3A_96 : memref<1x512xf32, #tpu.memory_space<vmem_shared>> -> memref<512xf32, #tpu.memory_space<vmem_shared>>
      %dma_wait3A_98 = arith.constant 0 : i32
      %dma_wait3A_99 = tpu.memref_slice %arg8[%arg1, %dma_wait3A_98] : memref<16x512xf32, #tpu.memory_space<vmem_shared>> -> memref<1x512xf32, #tpu.memory_space<vmem_shared>>
      %dma_wait3A_100 = tpu.memref_squeeze %dma_wait3A_99 : memref<1x512xf32, #tpu.memory_space<vmem_shared>> -> memref<512xf32, #tpu.memory_space<vmem_shared>>
      tpu.wait_dma2 semaphore(%run_scoped3A : memref<!tpu.dma_semaphore, #tpu.memory_space<semaphore_mem>>) src(%arg7 : memref<512xf32, #tpu.memory_space<vmem>>) dst(%dma_wait3A_100 : memref<512xf32, #tpu.memory_space<vmem_shared>>)
      tpu.yield
    }) : () -> ()
    %barrier3A = arith.constant 0 : index
    tpu.barrier barrier_id(%barrier3A)
    %eq3A = arith.constant 0 : i32
    %eq3A_89 = arith.cmpi eq, %arg1, %eq3A : i32
    %convert_element_type3A = arith.extui %eq3A_89 : i1 to i32
    %cond3A = arith.constant 0 : i32
    %cond3A_90 = arith.cmpi ne, %convert_element_type3A, %cond3A : i32
    scf.if %cond3A_90 {
      "tpu.region"() ({
        %run_scoped3A = tpu.sem_alloc : memref<!tpu.dma_semaphore, #tpu.memory_space<semaphore_mem>>
        tpu.enqueue_dma source(%arg8 : memref<16x512xf32, #tpu.memory_space<vmem_shared>>) target(%arg9 : memref<16x512xf32, #tpu.memory_space<vmem>>) target_semaphore(%run_scoped3A : memref<!tpu.dma_semaphore, #tpu.memory_space<semaphore_mem>>)
        tpu.wait_dma2 semaphore(%run_scoped3A : memref<!tpu.dma_semaphore, #tpu.memory_space<semaphore_mem>>) src(%arg8 : memref<16x512xf32, #tpu.memory_space<vmem_shared>>) dst(%arg9 : memref<16x512xf32, #tpu.memory_space<vmem>>)
        tpu.yield
      }) : () -> ()
      %broadcast_in_dim3A_91 = arith.constant 0.000000e+00 : f32
      %broadcast_in_dim3A_92 = vector.broadcast %broadcast_in_dim3A_91 : f32 to vector<16xf32>
      %get3A = arith.constant 0 : i32
      %get3A_93 = arith.index_cast %get3A : i32 to index
      %get3A_94 = arith.constant 0 : index
      %get3A_95 = tpu.vector_load %arg9[%get3A_93, %get3A_94] {strides = array<i32>} : memref<16x512xf32, #tpu.memory_space<vmem>>, vector<16xf32>,
      %add3A = arith.addf %broadcast_in_dim3A_92, %get3A_95 : vector<16xf32>
      %get3A_96 = arith.constant 1 : i32
      %get3A_97 = arith.index_cast %get3A_96 : i32 to index
      %get3A_98 = arith.constant 0 : index
      %get3A_99 = tpu.vector_load %arg9[%get3A_97, %get3A_98] {strides = array<i32>} : memref<16x512xf32, #tpu.memory_space<vmem>>, vector<16xf32>,
      %add3A_100 = arith.addf %add3A, %get3A_99 : vector<16xf32>
      %get3A_101 = arith.constant 2 : i32
      %get3A_102 = arith.index_cast %get3A_101 : i32 to index
      %get3A_103 = arith.constant 0 : index
      %get3A_104 = tpu.vector_load %arg9[%get3A_102, %get3A_103] {strides = array<i32>} : memref<16x512xf32, #tpu.memory_space<vmem>>, vector<16xf32>,
      %add3A_105 = arith.addf %add3A_100, %get3A_104 : vector<16xf32>
      %get3A_106 = arith.constant 3 : i32
      %get3A_107 = arith.index_cast %get3A_106 : i32 to index
      %get3A_108 = arith.constant 0 : index
      %get3A_109 = tpu.vector_load %arg9[%get3A_107, %get3A_108] {strides = array<i32>} : memref<16x512xf32, #tpu.memory_space<vmem>>, vector<16xf32>,
      %add3A_110 = arith.addf %add3A_105, %get3A_109 : vector<16xf32>
      %get3A_111 = arith.constant 4 : i32
      %get3A_112 = arith.index_cast %get3A_111 : i32 to index
      %get3A_113 = arith.constant 0 : index
      %get3A_114 = tpu.vector_load %arg9[%get3A_112, %get3A_113] {strides = array<i32>} : memref<16x512xf32, #tpu.memory_space<vmem>>, vector<16xf32>,
      %add3A_115 = arith.addf %add3A_110, %get3A_114 : vector<16xf32>
      %get3A_116 = arith.constant 5 : i32
      %get3A_117 = arith.index_cast %get3A_116 : i32 to index
      %get3A_118 = arith.constant 0 : index
      %get3A_119 = tpu.vector_load %arg9[%get3A_117, %get3A_118] {strides = array<i32>} : memref<16x512xf32, #tpu.memory_space<vmem>>, vector<16xf32>,
      %add3A_120 = arith.addf %add3A_115, %get3A_119 : vector<16xf32>
      %get3A_121 = arith.constant 6 : i32
      %get3A_122 = arith.index_cast %get3A_121 : i32 to index
      %get3A_123 = arith.constant 0 : index
      %get3A_124 = tpu.vector_load %arg9[%get3A_122, %get3A_123] {strides = array<i32>} : memref<16x512xf32, #tpu.memory_space<vmem>>, vector<16xf32>,
      %add3A_125 = arith.addf %add3A_120, %get3A_124 : vector<16xf32>
      %get3A_126 = arith.constant 7 : i32
      %get3A_127 = arith.index_cast %get3A_126 : i32 to index
      %get3A_128 = arith.constant 0 : index
      %get3A_129 = tpu.vector_load %arg9[%get3A_127, %get3A_128] {strides = array<i32>} : memref<16x512xf32, #tpu.memory_space<vmem>>, vector<16xf32>,
      %add3A_130 = arith.addf %add3A_125, %get3A_129 : vector<16xf32>
      %get3A_131 = arith.constant 8 : i32
      %get3A_132 = arith.index_cast %get3A_131 : i32 to index
      %get3A_133 = arith.constant 0 : index
      %get3A_134 = tpu.vector_load %arg9[%get3A_132, %get3A_133] {strides = array<i32>} : memref<16x512xf32, #tpu.memory_space<vmem>>, vector<16xf32>,
      %add3A_135 = arith.addf %add3A_130, %get3A_134 : vector<16xf32>
      %get3A_136 = arith.constant 9 : i32
      %get3A_137 = arith.index_cast %get3A_136 : i32 to index
      %get3A_138 = arith.constant 0 : index
      %get3A_139 = tpu.vector_load %arg9[%get3A_137, %get3A_138] {strides = array<i32>} : memref<16x512xf32, #tpu.memory_space<vmem>>, vector<16xf32>,
      %add3A_140 = arith.addf %add3A_135, %get3A_139 : vector<16xf32>
      %get3A_141 = arith.constant 10 : i32
      %get3A_142 = arith.index_cast %get3A_141 : i32 to index
      %get3A_143 = arith.constant 0 : index
      %get3A_144 = tpu.vector_load %arg9[%get3A_142, %get3A_143] {strides = array<i32>} : memref<16x512xf32, #tpu.memory_space<vmem>>, vector<16xf32>,
      %add3A_145 = arith.addf %add3A_140, %get3A_144 : vector<16xf32>
      %get3A_146 = arith.constant 11 : i32
      %get3A_147 = arith.index_cast %get3A_146 : i32 to index
      %get3A_148 = arith.constant 0 : index
      %get3A_149 = tpu.vector_load %arg9[%get3A_147, %get3A_148] {strides = array<i32>} : memref<16x512xf32, #tpu.memory_space<vmem>>, vector<16xf32>,
      %add3A_150 = arith.addf %add3A_145, %get3A_149 : vector<16xf32>
      %get3A_151 = arith.constant 12 : i32
      %get3A_152 = arith.index_cast %get3A_151 : i32 to index
      %get3A_153 = arith.constant 0 : index
      %get3A_154 = tpu.vector_load %arg9[%get3A_152, %get3A_153] {strides = array<i32>} : memref<16x512xf32, #tpu.memory_space<vmem>>, vector<16xf32>,
      %add3A_155 = arith.addf %add3A_150, %get3A_154 : vector<16xf32>
      %get3A_156 = arith.constant 13 : i32
      %get3A_157 = arith.index_cast %get3A_156 : i32 to index
      %get3A_158 = arith.constant 0 : index
      %get3A_159 = tpu.vector_load %arg9[%get3A_157, %get3A_158] {strides = array<i32>} : memref<16x512xf32, #tpu.memory_space<vmem>>, vector<16xf32>,
      %add3A_160 = arith.addf %add3A_155, %get3A_159 : vector<16xf32>
      %get3A_161 = arith.constant 14 : i32
      %get3A_162 = arith.index_cast %get3A_161 : i32 to index
      %get3A_163 = arith.constant 0 : index
      %get3A_164 = tpu.vector_load %arg9[%get3A_162, %get3A_163] {strides = array<i32>} : memref<16x512xf32, #tpu.memory_space<vmem>>, vector<16xf32>,
      %add3A_165 = arith.addf %add3A_160, %get3A_164 : vector<16xf32>
      %get3A_166 = arith.constant 15 : i32
      %get3A_167 = arith.index_cast %get3A_166 : i32 to index
      %get3A_168 = arith.constant 0 : index
      %get3A_169 = tpu.vector_load %arg9[%get3A_167, %get3A_168] {strides = array<i32>} : memref<16x512xf32, #tpu.memory_space<vmem>>, vector<16xf32>,
      %add3A_170 = arith.addf %add3A_165, %get3A_169 : vector<16xf32>
      %reduce_sum3A = arith.constant true
      %reduce_sum3A_171 = vector.broadcast %reduce_sum3A : i1 to vector<16xi1>
      %reduce_sum3A_172 = tpu.scan <sum>, %add3A_170 masked %reduce_sum3A_171 : vector<16xf32>, vector<16xi1> -> vector<16xf32>
      %reduce_sum3A_173 = vector.extract %reduce_sum3A_172[15] : f32 from vector<16xf32>
      %abs3A = math.absf %reduce_sum3A_173 : f32
      %add3A_174 = arith.constant 0.000000e+00 : f32
      %add3A_175 = arith.addf %add3A_174, %abs3A : f32
      %broadcast_in_dim3A_176 = arith.constant 0.000000e+00 : f32
      %broadcast_in_dim3A_177 = vector.broadcast %broadcast_in_dim3A_176 : f32 to vector<16xf32>
      %get3A_178 = arith.constant 0 : i32
      %get3A_179 = arith.index_cast %get3A_178 : i32 to index
      %get3A_180 = arith.constant 16 : index
      %get3A_181 = tpu.vector_load %arg9[%get3A_179, %get3A_180] {strides = array<i32>} : memref<16x512xf32, #tpu.memory_space<vmem>>, vector<16xf32>,
      %add3A_182 = arith.addf %broadcast_in_dim3A_177, %get3A_181 : vector<16xf32>
      %get3A_183 = arith.constant 1 : i32
      %get3A_184 = arith.index_cast %get3A_183 : i32 to index
      %get3A_185 = arith.constant 16 : index
      %get3A_186 = tpu.vector_load %arg9[%get3A_184, %get3A_185] {strides = array<i32>} : memref<16x512xf32, #tpu.memory_space<vmem>>, vector<16xf32>,
      %add3A_187 = arith.addf %add3A_182, %get3A_186 : vector<16xf32>
      %get3A_188 = arith.constant 2 : i32
      %get3A_189 = arith.index_cast %get3A_188 : i32 to index
      %get3A_190 = arith.constant 16 : index
      %get3A_191 = tpu.vector_load %arg9[%get3A_189, %get3A_190] {strides = array<i32>} : memref<16x512xf32, #tpu.memory_space<vmem>>, vector<16xf32>,
      %add3A_192 = arith.addf %add3A_187, %get3A_191 : vector<16xf32>
      %get3A_193 = arith.constant 3 : i32
      %get3A_194 = arith.index_cast %get3A_193 : i32 to index
      %get3A_195 = arith.constant 16 : index
      %get3A_196 = tpu.vector_load %arg9[%get3A_194, %get3A_195] {strides = array<i32>} : memref<16x512xf32, #tpu.memory_space<vmem>>, vector<16xf32>,
      %add3A_197 = arith.addf %add3A_192, %get3A_196 : vector<16xf32>
      %get3A_198 = arith.constant 4 : i32
      %get3A_199 = arith.index_cast %get3A_198 : i32 to index
      %get3A_200 = arith.constant 16 : index
      %get3A_201 = tpu.vector_load %arg9[%get3A_199, %get3A_200] {strides = array<i32>} : memref<16x512xf32, #tpu.memory_space<vmem>>, vector<16xf32>,
      %add3A_202 = arith.addf %add3A_197, %get3A_201 : vector<16xf32>
      %get3A_203 = arith.constant 5 : i32
      %get3A_204 = arith.index_cast %get3A_203 : i32 to index
      %get3A_205 = arith.constant 16 : index
      %get3A_206 = tpu.vector_load %arg9[%get3A_204, %get3A_205] {strides = array<i32>} : memref<16x512xf32, #tpu.memory_space<vmem>>, vector<16xf32>,
      %add3A_207 = arith.addf %add3A_202, %get3A_206 : vector<16xf32>
      %get3A_208 = arith.constant 6 : i32
      %get3A_209 = arith.index_cast %get3A_208 : i32 to index
      %get3A_210 = arith.constant 16 : index
      %get3A_211 = tpu.vector_load %arg9[%get3A_209, %get3A_210] {strides = array<i32>} : memref<16x512xf32, #tpu.memory_space<vmem>>, vector<16xf32>,
      %add3A_212 = arith.addf %add3A_207, %get3A_211 : vector<16xf32>
      %get3A_213 = arith.constant 7 : i32
      %get3A_214 = arith.index_cast %get3A_213 : i32 to index
      %get3A_215 = arith.constant 16 : index
      %get3A_216 = tpu.vector_load %arg9[%get3A_214, %get3A_215] {strides = array<i32>} : memref<16x512xf32, #tpu.memory_space<vmem>>, vector<16xf32>,
      %add3A_217 = arith.addf %add3A_212, %get3A_216 : vector<16xf32>
      %get3A_218 = arith.constant 8 : i32
      %get3A_219 = arith.index_cast %get3A_218 : i32 to index
      %get3A_220 = arith.constant 16 : index
      %get3A_221 = tpu.vector_load %arg9[%get3A_219, %get3A_220] {strides = array<i32>} : memref<16x512xf32, #tpu.memory_space<vmem>>, vector<16xf32>,
      %add3A_222 = arith.addf %add3A_217, %get3A_221 : vector<16xf32>
      %get3A_223 = arith.constant 9 : i32
      %get3A_224 = arith.index_cast %get3A_223 : i32 to index
      %get3A_225 = arith.constant 16 : index
      %get3A_226 = tpu.vector_load %arg9[%get3A_224, %get3A_225] {strides = array<i32>} : memref<16x512xf32, #tpu.memory_space<vmem>>, vector<16xf32>,
      %add3A_227 = arith.addf %add3A_222, %get3A_226 : vector<16xf32>
      %get3A_228 = arith.constant 10 : i32
      %get3A_229 = arith.index_cast %get3A_228 : i32 to index
      %get3A_230 = arith.constant 16 : index
      %get3A_231 = tpu.vector_load %arg9[%get3A_229, %get3A_230] {strides = array<i32>} : memref<16x512xf32, #tpu.memory_space<vmem>>, vector<16xf32>,
      %add3A_232 = arith.addf %add3A_227, %get3A_231 : vector<16xf32>
      %get3A_233 = arith.constant 11 : i32
      %get3A_234 = arith.index_cast %get3A_233 : i32 to index
      %get3A_235 = arith.constant 16 : index
      %get3A_236 = tpu.vector_load %arg9[%get3A_234, %get3A_235] {strides = array<i32>} : memref<16x512xf32, #tpu.memory_space<vmem>>, vector<16xf32>,
      %add3A_237 = arith.addf %add3A_232, %get3A_236 : vector<16xf32>
      %get3A_238 = arith.constant 12 : i32
      %get3A_239 = arith.index_cast %get3A_238 : i32 to index
      %get3A_240 = arith.constant 16 : index
      %get3A_241 = tpu.vector_load %arg9[%get3A_239, %get3A_240] {strides = array<i32>} : memref<16x512xf32, #tpu.memory_space<vmem>>, vector<16xf32>,
      %add3A_242 = arith.addf %add3A_237, %get3A_241 : vector<16xf32>
      %get3A_243 = arith.constant 13 : i32
      %get3A_244 = arith.index_cast %get3A_243 : i32 to index
      %get3A_245 = arith.constant 16 : index
      %get3A_246 = tpu.vector_load %arg9[%get3A_244, %get3A_245] {strides = array<i32>} : memref<16x512xf32, #tpu.memory_space<vmem>>, vector<16xf32>,
      %add3A_247 = arith.addf %add3A_242, %get3A_246 : vector<16xf32>
      %get3A_248 = arith.constant 14 : i32
      %get3A_249 = arith.index_cast %get3A_248 : i32 to index
      %get3A_250 = arith.constant 16 : index
      %get3A_251 = tpu.vector_load %arg9[%get3A_249, %get3A_250] {strides = array<i32>} : memref<16x512xf32, #tpu.memory_space<vmem>>, vector<16xf32>,
      %add3A_252 = arith.addf %add3A_247, %get3A_251 : vector<16xf32>
      %get3A_253 = arith.constant 15 : i32
      %get3A_254 = arith.index_cast %get3A_253 : i32 to index
      %get3A_255 = arith.constant 16 : index
      %get3A_256 = tpu.vector_load %arg9[%get3A_254, %get3A_255] {strides = array<i32>} : memref<16x512xf32, #tpu.memory_space<vmem>>, vector<16xf32>,
      %add3A_257 = arith.addf %add3A_252, %get3A_256 : vector<16xf32>
      %reduce_sum3A_258 = arith.constant true
      %reduce_sum3A_259 = vector.broadcast %reduce_sum3A_258 : i1 to vector<16xi1>
      %reduce_sum3A_260 = tpu.scan <sum>, %add3A_257 masked %reduce_sum3A_259 : vector<16xf32>, vector<16xi1> -> vector<16xf32>
      %reduce_sum3A_261 = vector.extract %reduce_sum3A_260[15] : f32 from vector<16xf32>
      %abs3A_262 = math.absf %reduce_sum3A_261 : f32
      %add3A_263 = arith.addf %add3A_175, %abs3A_262 : f32
      %broadcast_in_dim3A_264 = arith.constant 0.000000e+00 : f32
      %broadcast_in_dim3A_265 = vector.broadcast %broadcast_in_dim3A_264 : f32 to vector<16xf32>
      %get3A_266 = arith.constant 0 : i32
      %get3A_267 = arith.index_cast %get3A_266 : i32 to index
      %get3A_268 = arith.constant 32 : index
      %get3A_269 = tpu.vector_load %arg9[%get3A_267, %get3A_268] {strides = array<i32>} : memref<16x512xf32, #tpu.memory_space<vmem>>, vector<16xf32>,
      %add3A_270 = arith.addf %broadcast_in_dim3A_265, %get3A_269 : vector<16xf32>
      %get3A_271 = arith.constant 1 : i32
      %get3A_272 = arith.index_cast %get3A_271 : i32 to index
      %get3A_273 = arith.constant 32 : index
      %get3A_274 = tpu.vector_load %arg9[%get3A_272, %get3A_273] {strides = array<i32>} : memref<16x512xf32, #tpu.memory_space<vmem>>, vector<16xf32>,
      %add3A_275 = arith.addf %add3A_270, %get3A_274 : vector<16xf32>
      %get3A_276 = arith.constant 2 : i32
      %get3A_277 = arith.index_cast %get3A_276 : i32 to index
      %get3A_278 = arith.constant 32 : index
      %get3A_279 = tpu.vector_load %arg9[%get3A_277, %get3A_278] {strides = array<i32>} : memref<16x512xf32, #tpu.memory_space<vmem>>, vector<16xf32>,
      %add3A_280 = arith.addf %add3A_275, %get3A_279 : vector<16xf32>
      %get3A_281 = arith.constant 3 : i32
      %get3A_282 = arith.index_cast %get3A_281 : i32 to index
      %get3A_283 = arith.constant 32 : index
      %get3A_284 = tpu.vector_load %arg9[%get3A_282, %get3A_283] {strides = array<i32>} : memref<16x512xf32, #tpu.memory_space<vmem>>, vector<16xf32>,
      %add3A_285 = arith.addf %add3A_280, %get3A_284 : vector<16xf32>
      %get3A_286 = arith.constant 4 : i32
      %get3A_287 = arith.index_cast %get3A_286 : i32 to index
      %get3A_288 = arith.constant 32 : index
      %get3A_289 = tpu.vector_load %arg9[%get3A_287, %get3A_288] {strides = array<i32>} : memref<16x512xf32, #tpu.memory_space<vmem>>, vector<16xf32>,
      %add3A_290 = arith.addf %add3A_285, %get3A_289 : vector<16xf32>
      %get3A_291 = arith.constant 5 : i32
      %get3A_292 = arith.index_cast %get3A_291 : i32 to index
      %get3A_293 = arith.constant 32 : index
      %get3A_294 = tpu.vector_load %arg9[%get3A_292, %get3A_293] {strides = array<i32>} : memref<16x512xf32, #tpu.memory_space<vmem>>, vector<16xf32>,
      %add3A_295 = arith.addf %add3A_290, %get3A_294 : vector<16xf32>
      %get3A_296 = arith.constant 6 : i32
      %get3A_297 = arith.index_cast %get3A_296 : i32 to index
      %get3A_298 = arith.constant 32 : index
      %get3A_299 = tpu.vector_load %arg9[%get3A_297, %get3A_298] {strides = array<i32>} : memref<16x512xf32, #tpu.memory_space<vmem>>, vector<16xf32>,
      %add3A_300 = arith.addf %add3A_295, %get3A_299 : vector<16xf32>
      %get3A_301 = arith.constant 7 : i32
      %get3A_302 = arith.index_cast %get3A_301 : i32 to index
      %get3A_303 = arith.constant 32 : index
      %get3A_304 = tpu.vector_load %arg9[%get3A_302, %get3A_303] {strides = array<i32>} : memref<16x512xf32, #tpu.memory_space<vmem>>, vector<16xf32>,
      %add3A_305 = arith.addf %add3A_300, %get3A_304 : vector<16xf32>
      %get3A_306 = arith.constant 8 : i32
      %get3A_307 = arith.index_cast %get3A_306 : i32 to index
      %get3A_308 = arith.constant 32 : index
      %get3A_309 = tpu.vector_load %arg9[%get3A_307, %get3A_308] {strides = array<i32>} : memref<16x512xf32, #tpu.memory_space<vmem>>, vector<16xf32>,
      %add3A_310 = arith.addf %add3A_305, %get3A_309 : vector<16xf32>
      %get3A_311 = arith.constant 9 : i32
      %get3A_312 = arith.index_cast %get3A_311 : i32 to index
      %get3A_313 = arith.constant 32 : index
      %get3A_314 = tpu.vector_load %arg9[%get3A_312, %get3A_313] {strides = array<i32>} : memref<16x512xf32, #tpu.memory_space<vmem>>, vector<16xf32>,
      %add3A_315 = arith.addf %add3A_310, %get3A_314 : vector<16xf32>
      %get3A_316 = arith.constant 10 : i32
      %get3A_317 = arith.index_cast %get3A_316 : i32 to index
      %get3A_318 = arith.constant 32 : index
      %get3A_319 = tpu.vector_load %arg9[%get3A_317, %get3A_318] {strides = array<i32>} : memref<16x512xf32, #tpu.memory_space<vmem>>, vector<16xf32>,
      %add3A_320 = arith.addf %add3A_315, %get3A_319 : vector<16xf32>
      %get3A_321 = arith.constant 11 : i32
      %get3A_322 = arith.index_cast %get3A_321 : i32 to index
      %get3A_323 = arith.constant 32 : index
      %get3A_324 = tpu.vector_load %arg9[%get3A_322, %get3A_323] {strides = array<i32>} : memref<16x512xf32, #tpu.memory_space<vmem>>, vector<16xf32>,
      %add3A_325 = arith.addf %add3A_320, %get3A_324 : vector<16xf32>
      %get3A_326 = arith.constant 12 : i32
      %get3A_327 = arith.index_cast %get3A_326 : i32 to index
      %get3A_328 = arith.constant 32 : index
      %get3A_329 = tpu.vector_load %arg9[%get3A_327, %get3A_328] {strides = array<i32>} : memref<16x512xf32, #tpu.memory_space<vmem>>, vector<16xf32>,
      %add3A_330 = arith.addf %add3A_325, %get3A_329 : vector<16xf32>
      %get3A_331 = arith.constant 13 : i32
      %get3A_332 = arith.index_cast %get3A_331 : i32 to index
      %get3A_333 = arith.constant 32 : index
      %get3A_334 = tpu.vector_load %arg9[%get3A_332, %get3A_333] {strides = array<i32>} : memref<16x512xf32, #tpu.memory_space<vmem>>, vector<16xf32>,
      %add3A_335 = arith.addf %add3A_330, %get3A_334 : vector<16xf32>
      %get3A_336 = arith.constant 14 : i32
      %get3A_337 = arith.index_cast %get3A_336 : i32 to index
      %get3A_338 = arith.constant 32 : index
      %get3A_339 = tpu.vector_load %arg9[%get3A_337, %get3A_338] {strides = array<i32>} : memref<16x512xf32, #tpu.memory_space<vmem>>, vector<16xf32>,
      %add3A_340 = arith.addf %add3A_335, %get3A_339 : vector<16xf32>
      %get3A_341 = arith.constant 15 : i32
      %get3A_342 = arith.index_cast %get3A_341 : i32 to index
      %get3A_343 = arith.constant 32 : index
      %get3A_344 = tpu.vector_load %arg9[%get3A_342, %get3A_343] {strides = array<i32>} : memref<16x512xf32, #tpu.memory_space<vmem>>, vector<16xf32>,
      %add3A_345 = arith.addf %add3A_340, %get3A_344 : vector<16xf32>
      %reduce_sum3A_346 = arith.constant true
      %reduce_sum3A_347 = vector.broadcast %reduce_sum3A_346 : i1 to vector<16xi1>
      %reduce_sum3A_348 = tpu.scan <sum>, %add3A_345 masked %reduce_sum3A_347 : vector<16xf32>, vector<16xi1> -> vector<16xf32>
      %reduce_sum3A_349 = vector.extract %reduce_sum3A_348[15] : f32 from vector<16xf32>
      %abs3A_350 = math.absf %reduce_sum3A_349 : f32
      %add3A_351 = arith.addf %add3A_263, %abs3A_350 : f32
      %broadcast_in_dim3A_352 = arith.constant 0.000000e+00 : f32
      %broadcast_in_dim3A_353 = vector.broadcast %broadcast_in_dim3A_352 : f32 to vector<16xf32>
      %get3A_354 = arith.constant 0 : i32
      %get3A_355 = arith.index_cast %get3A_354 : i32 to index
      %get3A_356 = arith.constant 48 : index
      %get3A_357 = tpu.vector_load %arg9[%get3A_355, %get3A_356] {strides = array<i32>} : memref<16x512xf32, #tpu.memory_space<vmem>>, vector<16xf32>,
      %add3A_358 = arith.addf %broadcast_in_dim3A_353, %get3A_357 : vector<16xf32>
      %get3A_359 = arith.constant 1 : i32
      %get3A_360 = arith.index_cast %get3A_359 : i32 to index
      %get3A_361 = arith.constant 48 : index
      %get3A_362 = tpu.vector_load %arg9[%get3A_360, %get3A_361] {strides = array<i32>} : memref<16x512xf32, #tpu.memory_space<vmem>>, vector<16xf32>,
      %add3A_363 = arith.addf %add3A_358, %get3A_362 : vector<16xf32>
      %get3A_364 = arith.constant 2 : i32
      %get3A_365 = arith.index_cast %get3A_364 : i32 to index
      %get3A_366 = arith.constant 48 : index
      %get3A_367 = tpu.vector_load %arg9[%get3A_365, %get3A_366] {strides = array<i32>} : memref<16x512xf32, #tpu.memory_space<vmem>>, vector<16xf32>,
      %add3A_368 = arith.addf %add3A_363, %get3A_367 : vector<16xf32>
      %get3A_369 = arith.constant 3 : i32
      %get3A_370 = arith.index_cast %get3A_369 : i32 to index
      %get3A_371 = arith.constant 48 : index
      %get3A_372 = tpu.vector_load %arg9[%get3A_370, %get3A_371] {strides = array<i32>} : memref<16x512xf32, #tpu.memory_space<vmem>>, vector<16xf32>,
      %add3A_373 = arith.addf %add3A_368, %get3A_372 : vector<16xf32>
      %get3A_374 = arith.constant 4 : i32
      %get3A_375 = arith.index_cast %get3A_374 : i32 to index
      %get3A_376 = arith.constant 48 : index
      %get3A_377 = tpu.vector_load %arg9[%get3A_375, %get3A_376] {strides = array<i32>} : memref<16x512xf32, #tpu.memory_space<vmem>>, vector<16xf32>,
      %add3A_378 = arith.addf %add3A_373, %get3A_377 : vector<16xf32>
      %get3A_379 = arith.constant 5 : i32
      %get3A_380 = arith.index_cast %get3A_379 : i32 to index
      %get3A_381 = arith.constant 48 : index
      %get3A_382 = tpu.vector_load %arg9[%get3A_380, %get3A_381] {strides = array<i32>} : memref<16x512xf32, #tpu.memory_space<vmem>>, vector<16xf32>,
      %add3A_383 = arith.addf %add3A_378, %get3A_382 : vector<16xf32>
      %get3A_384 = arith.constant 6 : i32
      %get3A_385 = arith.index_cast %get3A_384 : i32 to index
      %get3A_386 = arith.constant 48 : index
      %get3A_387 = tpu.vector_load %arg9[%get3A_385, %get3A_386] {strides = array<i32>} : memref<16x512xf32, #tpu.memory_space<vmem>>, vector<16xf32>,
      %add3A_388 = arith.addf %add3A_383, %get3A_387 : vector<16xf32>
      %get3A_389 = arith.constant 7 : i32
      %get3A_390 = arith.index_cast %get3A_389 : i32 to index
      %get3A_391 = arith.constant 48 : index
      %get3A_392 = tpu.vector_load %arg9[%get3A_390, %get3A_391] {strides = array<i32>} : memref<16x512xf32, #tpu.memory_space<vmem>>, vector<16xf32>,
      %add3A_393 = arith.addf %add3A_388, %get3A_392 : vector<16xf32>
      %get3A_394 = arith.constant 8 : i32
      %get3A_395 = arith.index_cast %get3A_394 : i32 to index
      %get3A_396 = arith.constant 48 : index
      %get3A_397 = tpu.vector_load %arg9[%get3A_395, %get3A_396] {strides = array<i32>} : memref<16x512xf32, #tpu.memory_space<vmem>>, vector<16xf32>,
      %add3A_398 = arith.addf %add3A_393, %get3A_397 : vector<16xf32>
      %get3A_399 = arith.constant 9 : i32
      %get3A_400 = arith.index_cast %get3A_399 : i32 to index
      %get3A_401 = arith.constant 48 : index
      %get3A_402 = tpu.vector_load %arg9[%get3A_400, %get3A_401] {strides = array<i32>} : memref<16x512xf32, #tpu.memory_space<vmem>>, vector<16xf32>,
      %add3A_403 = arith.addf %add3A_398, %get3A_402 : vector<16xf32>
      %get3A_404 = arith.constant 10 : i32
      %get3A_405 = arith.index_cast %get3A_404 : i32 to index
      %get3A_406 = arith.constant 48 : index
      %get3A_407 = tpu.vector_load %arg9[%get3A_405, %get3A_406] {strides = array<i32>} : memref<16x512xf32, #tpu.memory_space<vmem>>, vector<16xf32>,
      %add3A_408 = arith.addf %add3A_403, %get3A_407 : vector<16xf32>
      %get3A_409 = arith.constant 11 : i32
      %get3A_410 = arith.index_cast %get3A_409 : i32 to index
      %get3A_411 = arith.constant 48 : index
      %get3A_412 = tpu.vector_load %arg9[%get3A_410, %get3A_411] {strides = array<i32>} : memref<16x512xf32, #tpu.memory_space<vmem>>, vector<16xf32>,
      %add3A_413 = arith.addf %add3A_408, %get3A_412 : vector<16xf32>
      %get3A_414 = arith.constant 12 : i32
      %get3A_415 = arith.index_cast %get3A_414 : i32 to index
      %get3A_416 = arith.constant 48 : index
      %get3A_417 = tpu.vector_load %arg9[%get3A_415, %get3A_416] {strides = array<i32>} : memref<16x512xf32, #tpu.memory_space<vmem>>, vector<16xf32>,
      %add3A_418 = arith.addf %add3A_413, %get3A_417 : vector<16xf32>
      %get3A_419 = arith.constant 13 : i32
      %get3A_420 = arith.index_cast %get3A_419 : i32 to index
      %get3A_421 = arith.constant 48 : index
      %get3A_422 = tpu.vector_load %arg9[%get3A_420, %get3A_421] {strides = array<i32>} : memref<16x512xf32, #tpu.memory_space<vmem>>, vector<16xf32>,
      %add3A_423 = arith.addf %add3A_418, %get3A_422 : vector<16xf32>
      %get3A_424 = arith.constant 14 : i32
      %get3A_425 = arith.index_cast %get3A_424 : i32 to index
      %get3A_426 = arith.constant 48 : index
      %get3A_427 = tpu.vector_load %arg9[%get3A_425, %get3A_426] {strides = array<i32>} : memref<16x512xf32, #tpu.memory_space<vmem>>, vector<16xf32>,
      %add3A_428 = arith.addf %add3A_423, %get3A_427 : vector<16xf32>
      %get3A_429 = arith.constant 15 : i32
      %get3A_430 = arith.index_cast %get3A_429 : i32 to index
      %get3A_431 = arith.constant 48 : index
      %get3A_432 = tpu.vector_load %arg9[%get3A_430, %get3A_431] {strides = array<i32>} : memref<16x512xf32, #tpu.memory_space<vmem>>, vector<16xf32>,
      %add3A_433 = arith.addf %add3A_428, %get3A_432 : vector<16xf32>
      %reduce_sum3A_434 = arith.constant true
      %reduce_sum3A_435 = vector.broadcast %reduce_sum3A_434 : i1 to vector<16xi1>
      %reduce_sum3A_436 = tpu.scan <sum>, %add3A_433 masked %reduce_sum3A_435 : vector<16xf32>, vector<16xi1> -> vector<16xf32>
      %reduce_sum3A_437 = vector.extract %reduce_sum3A_436[15] : f32 from vector<16xf32>
      %abs3A_438 = math.absf %reduce_sum3A_437 : f32
      %add3A_439 = arith.addf %add3A_351, %abs3A_438 : f32
      %broadcast_in_dim3A_440 = arith.constant 0.000000e+00 : f32
      %broadcast_in_dim3A_441 = vector.broadcast %broadcast_in_dim3A_440 : f32 to vector<16xf32>
      %get3A_442 = arith.constant 0 : i32
      %get3A_443 = arith.index_cast %get3A_442 : i32 to index
      %get3A_444 = arith.constant 64 : index
      %get3A_445 = tpu.vector_load %arg9[%get3A_443, %get3A_444] {strides = array<i32>} : memref<16x512xf32, #tpu.memory_space<vmem>>, vector<16xf32>,
      %add3A_446 = arith.addf %broadcast_in_dim3A_441, %get3A_445 : vector<16xf32>
      %get3A_447 = arith.constant 1 : i32
      %get3A_448 = arith.index_cast %get3A_447 : i32 to index
      %get3A_449 = arith.constant 64 : index
      %get3A_450 = tpu.vector_load %arg9[%get3A_448, %get3A_449] {strides = array<i32>} : memref<16x512xf32, #tpu.memory_space<vmem>>, vector<16xf32>,
      %add3A_451 = arith.addf %add3A_446, %get3A_450 : vector<16xf32>
      %get3A_452 = arith.constant 2 : i32
      %get3A_453 = arith.index_cast %get3A_452 : i32 to index
      %get3A_454 = arith.constant 64 : index
      %get3A_455 = tpu.vector_load %arg9[%get3A_453, %get3A_454] {strides = array<i32>} : memref<16x512xf32, #tpu.memory_space<vmem>>, vector<16xf32>,
      %add3A_456 = arith.addf %add3A_451, %get3A_455 : vector<16xf32>
      %get3A_457 = arith.constant 3 : i32
      %get3A_458 = arith.index_cast %get3A_457 : i32 to index
      %get3A_459 = arith.constant 64 : index
      %get3A_460 = tpu.vector_load %arg9[%get3A_458, %get3A_459] {strides = array<i32>} : memref<16x512xf32, #tpu.memory_space<vmem>>, vector<16xf32>,
      %add3A_461 = arith.addf %add3A_456, %get3A_460 : vector<16xf32>
      %get3A_462 = arith.constant 4 : i32
      %get3A_463 = arith.index_cast %get3A_462 : i32 to index
      %get3A_464 = arith.constant 64 : index
      %get3A_465 = tpu.vector_load %arg9[%get3A_463, %get3A_464] {strides = array<i32>} : memref<16x512xf32, #tpu.memory_space<vmem>>, vector<16xf32>,
      %add3A_466 = arith.addf %add3A_461, %get3A_465 : vector<16xf32>
      %get3A_467 = arith.constant 5 : i32
      %get3A_468 = arith.index_cast %get3A_467 : i32 to index
      %get3A_469 = arith.constant 64 : index
      %get3A_470 = tpu.vector_load %arg9[%get3A_468, %get3A_469] {strides = array<i32>} : memref<16x512xf32, #tpu.memory_space<vmem>>, vector<16xf32>,
      %add3A_471 = arith.addf %add3A_466, %get3A_470 : vector<16xf32>
      %get3A_472 = arith.constant 6 : i32
      %get3A_473 = arith.index_cast %get3A_472 : i32 to index
      %get3A_474 = arith.constant 64 : index
      %get3A_475 = tpu.vector_load %arg9[%get3A_473, %get3A_474] {strides = array<i32>} : memref<16x512xf32, #tpu.memory_space<vmem>>, vector<16xf32>,
      %add3A_476 = arith.addf %add3A_471, %get3A_475 : vector<16xf32>
      %get3A_477 = arith.constant 7 : i32
      %get3A_478 = arith.index_cast %get3A_477 : i32 to index
      %get3A_479 = arith.constant 64 : index
      %get3A_480 = tpu.vector_load %arg9[%get3A_478, %get3A_479] {strides = array<i32>} : memref<16x512xf32, #tpu.memory_space<vmem>>, vector<16xf32>,
      %add3A_481 = arith.addf %add3A_476, %get3A_480 : vector<16xf32>
      %get3A_482 = arith.constant 8 : i32
      %get3A_483 = arith.index_cast %get3A_482 : i32 to index
      %get3A_484 = arith.constant 64 : index
      %get3A_485 = tpu.vector_load %arg9[%get3A_483, %get3A_484] {strides = array<i32>} : memref<16x512xf32, #tpu.memory_space<vmem>>, vector<16xf32>,
      %add3A_486 = arith.addf %add3A_481, %get3A_485 : vector<16xf32>
      %get3A_487 = arith.constant 9 : i32
      %get3A_488 = arith.index_cast %get3A_487 : i32 to index
      %get3A_489 = arith.constant 64 : index
      %get3A_490 = tpu.vector_load %arg9[%get3A_488, %get3A_489] {strides = array<i32>} : memref<16x512xf32, #tpu.memory_space<vmem>>, vector<16xf32>,
      %add3A_491 = arith.addf %add3A_486, %get3A_490 : vector<16xf32>
      %get3A_492 = arith.constant 10 : i32
      %get3A_493 = arith.index_cast %get3A_492 : i32 to index
      %get3A_494 = arith.constant 64 : index
      %get3A_495 = tpu.vector_load %arg9[%get3A_493, %get3A_494] {strides = array<i32>} : memref<16x512xf32, #tpu.memory_space<vmem>>, vector<16xf32>,
      %add3A_496 = arith.addf %add3A_491, %get3A_495 : vector<16xf32>
      %get3A_497 = arith.constant 11 : i32
      %get3A_498 = arith.index_cast %get3A_497 : i32 to index
      %get3A_499 = arith.constant 64 : index
      %get3A_500 = tpu.vector_load %arg9[%get3A_498, %get3A_499] {strides = array<i32>} : memref<16x512xf32, #tpu.memory_space<vmem>>, vector<16xf32>,
      %add3A_501 = arith.addf %add3A_496, %get3A_500 : vector<16xf32>
      %get3A_502 = arith.constant 12 : i32
      %get3A_503 = arith.index_cast %get3A_502 : i32 to index
      %get3A_504 = arith.constant 64 : index
      %get3A_505 = tpu.vector_load %arg9[%get3A_503, %get3A_504] {strides = array<i32>} : memref<16x512xf32, #tpu.memory_space<vmem>>, vector<16xf32>,
      %add3A_506 = arith.addf %add3A_501, %get3A_505 : vector<16xf32>
      %get3A_507 = arith.constant 13 : i32
      %get3A_508 = arith.index_cast %get3A_507 : i32 to index
      %get3A_509 = arith.constant 64 : index
      %get3A_510 = tpu.vector_load %arg9[%get3A_508, %get3A_509] {strides = array<i32>} : memref<16x512xf32, #tpu.memory_space<vmem>>, vector<16xf32>,
      %add3A_511 = arith.addf %add3A_506, %get3A_510 : vector<16xf32>
      %get3A_512 = arith.constant 14 : i32
      %get3A_513 = arith.index_cast %get3A_512 : i32 to index
      %get3A_514 = arith.constant 64 : index
      %get3A_515 = tpu.vector_load %arg9[%get3A_513, %get3A_514] {strides = array<i32>} : memref<16x512xf32, #tpu.memory_space<vmem>>, vector<16xf32>,
      %add3A_516 = arith.addf %add3A_511, %get3A_515 : vector<16xf32>
      %get3A_517 = arith.constant 15 : i32
      %get3A_518 = arith.index_cast %get3A_517 : i32 to index
      %get3A_519 = arith.constant 64 : index
      %get3A_520 = tpu.vector_load %arg9[%get3A_518, %get3A_519] {strides = array<i32>} : memref<16x512xf32, #tpu.memory_space<vmem>>, vector<16xf32>,
      %add3A_521 = arith.addf %add3A_516, %get3A_520 : vector<16xf32>
      %reduce_sum3A_522 = arith.constant true
      %reduce_sum3A_523 = vector.broadcast %reduce_sum3A_522 : i1 to vector<16xi1>
      %reduce_sum3A_524 = tpu.scan <sum>, %add3A_521 masked %reduce_sum3A_523 : vector<16xf32>, vector<16xi1> -> vector<16xf32>
      %reduce_sum3A_525 = vector.extract %reduce_sum3A_524[15] : f32 from vector<16xf32>
      %abs3A_526 = math.absf %reduce_sum3A_525 : f32
      %add3A_527 = arith.addf %add3A_439, %abs3A_526 : f32
      %broadcast_in_dim3A_528 = arith.constant 0.000000e+00 : f32
      %broadcast_in_dim3A_529 = vector.broadcast %broadcast_in_dim3A_528 : f32 to vector<16xf32>
      %get3A_530 = arith.constant 0 : i32
      %get3A_531 = arith.index_cast %get3A_530 : i32 to index
      %get3A_532 = arith.constant 80 : index
      %get3A_533 = tpu.vector_load %arg9[%get3A_531, %get3A_532] {strides = array<i32>} : memref<16x512xf32, #tpu.memory_space<vmem>>, vector<16xf32>,
      %add3A_534 = arith.addf %broadcast_in_dim3A_529, %get3A_533 : vector<16xf32>
      %get3A_535 = arith.constant 1 : i32
      %get3A_536 = arith.index_cast %get3A_535 : i32 to index
      %get3A_537 = arith.constant 80 : index
      %get3A_538 = tpu.vector_load %arg9[%get3A_536, %get3A_537] {strides = array<i32>} : memref<16x512xf32, #tpu.memory_space<vmem>>, vector<16xf32>,
      %add3A_539 = arith.addf %add3A_534, %get3A_538 : vector<16xf32>
      %get3A_540 = arith.constant 2 : i32
      %get3A_541 = arith.index_cast %get3A_540 : i32 to index
      %get3A_542 = arith.constant 80 : index
      %get3A_543 = tpu.vector_load %arg9[%get3A_541, %get3A_542] {strides = array<i32>} : memref<16x512xf32, #tpu.memory_space<vmem>>, vector<16xf32>,
      %add3A_544 = arith.addf %add3A_539, %get3A_543 : vector<16xf32>
      %get3A_545 = arith.constant 3 : i32
      %get3A_546 = arith.index_cast %get3A_545 : i32 to index
      %get3A_547 = arith.constant 80 : index
      %get3A_548 = tpu.vector_load %arg9[%get3A_546, %get3A_547] {strides = array<i32>} : memref<16x512xf32, #tpu.memory_space<vmem>>, vector<16xf32>,
      %add3A_549 = arith.addf %add3A_544, %get3A_548 : vector<16xf32>
      %get3A_550 = arith.constant 4 : i32
      %get3A_551 = arith.index_cast %get3A_550 : i32 to index
      %get3A_552 = arith.constant 80 : index
      %get3A_553 = tpu.vector_load %arg9[%get3A_551, %get3A_552] {strides = array<i32>} : memref<16x512xf32, #tpu.memory_space<vmem>>, vector<16xf32>,
      %add3A_554 = arith.addf %add3A_549, %get3A_553 : vector<16xf32>
      %get3A_555 = arith.constant 5 : i32
      %get3A_556 = arith.index_cast %get3A_555 : i32 to index
      %get3A_557 = arith.constant 80 : index
      %get3A_558 = tpu.vector_load %arg9[%get3A_556, %get3A_557] {strides = array<i32>} : memref<16x512xf32, #tpu.memory_space<vmem>>, vector<16xf32>,
      %add3A_559 = arith.addf %add3A_554, %get3A_558 : vector<16xf32>
      %get3A_560 = arith.constant 6 : i32
      %get3A_561 = arith.index_cast %get3A_560 : i32 to index
      %get3A_562 = arith.constant 80 : index
      %get3A_563 = tpu.vector_load %arg9[%get3A_561, %get3A_562] {strides = array<i32>} : memref<16x512xf32, #tpu.memory_space<vmem>>, vector<16xf32>,
      %add3A_564 = arith.addf %add3A_559, %get3A_563 : vector<16xf32>
      %get3A_565 = arith.constant 7 : i32
      %get3A_566 = arith.index_cast %get3A_565 : i32 to index
      %get3A_567 = arith.constant 80 : index
      %get3A_568 = tpu.vector_load %arg9[%get3A_566, %get3A_567] {strides = array<i32>} : memref<16x512xf32, #tpu.memory_space<vmem>>, vector<16xf32>,
      %add3A_569 = arith.addf %add3A_564, %get3A_568 : vector<16xf32>
      %get3A_570 = arith.constant 8 : i32
      %get3A_571 = arith.index_cast %get3A_570 : i32 to index
      %get3A_572 = arith.constant 80 : index
      %get3A_573 = tpu.vector_load %arg9[%get3A_571, %get3A_572] {strides = array<i32>} : memref<16x512xf32, #tpu.memory_space<vmem>>, vector<16xf32>,
      %add3A_574 = arith.addf %add3A_569, %get3A_573 : vector<16xf32>
      %get3A_575 = arith.constant 9 : i32
      %get3A_576 = arith.index_cast %get3A_575 : i32 to index
      %get3A_577 = arith.constant 80 : index
      %get3A_578 = tpu.vector_load %arg9[%get3A_576, %get3A_577] {strides = array<i32>} : memref<16x512xf32, #tpu.memory_space<vmem>>, vector<16xf32>,
      %add3A_579 = arith.addf %add3A_574, %get3A_578 : vector<16xf32>
      %get3A_580 = arith.constant 10 : i32
      %get3A_581 = arith.index_cast %get3A_580 : i32 to index
      %get3A_582 = arith.constant 80 : index
      %get3A_583 = tpu.vector_load %arg9[%get3A_581, %get3A_582] {strides = array<i32>} : memref<16x512xf32, #tpu.memory_space<vmem>>, vector<16xf32>,
      %add3A_584 = arith.addf %add3A_579, %get3A_583 : vector<16xf32>
      %get3A_585 = arith.constant 11 : i32
      %get3A_586 = arith.index_cast %get3A_585 : i32 to index
      %get3A_587 = arith.constant 80 : index
      %get3A_588 = tpu.vector_load %arg9[%get3A_586, %get3A_587] {strides = array<i32>} : memref<16x512xf32, #tpu.memory_space<vmem>>, vector<16xf32>,
      %add3A_589 = arith.addf %add3A_584, %get3A_588 : vector<16xf32>
      %get3A_590 = arith.constant 12 : i32
      %get3A_591 = arith.index_cast %get3A_590 : i32 to index
      %get3A_592 = arith.constant 80 : index
      %get3A_593 = tpu.vector_load %arg9[%get3A_591, %get3A_592] {strides = array<i32>} : memref<16x512xf32, #tpu.memory_space<vmem>>, vector<16xf32>,
      %add3A_594 = arith.addf %add3A_589, %get3A_593 : vector<16xf32>
      %get3A_595 = arith.constant 13 : i32
      %get3A_596 = arith.index_cast %get3A_595 : i32 to index
      %get3A_597 = arith.constant 80 : index
      %get3A_598 = tpu.vector_load %arg9[%get3A_596, %get3A_597] {strides = array<i32>} : memref<16x512xf32, #tpu.memory_space<vmem>>, vector<16xf32>,
      %add3A_599 = arith.addf %add3A_594, %get3A_598 : vector<16xf32>
      %get3A_600 = arith.constant 14 : i32
      %get3A_601 = arith.index_cast %get3A_600 : i32 to index
      %get3A_602 = arith.constant 80 : index
      %get3A_603 = tpu.vector_load %arg9[%get3A_601, %get3A_602] {strides = array<i32>} : memref<16x512xf32, #tpu.memory_space<vmem>>, vector<16xf32>,
      %add3A_604 = arith.addf %add3A_599, %get3A_603 : vector<16xf32>
      %get3A_605 = arith.constant 15 : i32
      %get3A_606 = arith.index_cast %get3A_605 : i32 to index
      %get3A_607 = arith.constant 80 : index
      %get3A_608 = tpu.vector_load %arg9[%get3A_606, %get3A_607] {strides = array<i32>} : memref<16x512xf32, #tpu.memory_space<vmem>>, vector<16xf32>,
      %add3A_609 = arith.addf %add3A_604, %get3A_608 : vector<16xf32>
      %reduce_sum3A_610 = arith.constant true
      %reduce_sum3A_611 = vector.broadcast %reduce_sum3A_610 : i1 to vector<16xi1>
      %reduce_sum3A_612 = tpu.scan <sum>, %add3A_609 masked %reduce_sum3A_611 : vector<16xf32>, vector<16xi1> -> vector<16xf32>
      %reduce_sum3A_613 = vector.extract %reduce_sum3A_612[15] : f32 from vector<16xf32>
      %abs3A_614 = math.absf %reduce_sum3A_613 : f32
      %add3A_615 = arith.addf %add3A_527, %abs3A_614 : f32
      %broadcast_in_dim3A_616 = arith.constant 0.000000e+00 : f32
      %broadcast_in_dim3A_617 = vector.broadcast %broadcast_in_dim3A_616 : f32 to vector<16xf32>
      %get3A_618 = arith.constant 0 : i32
      %get3A_619 = arith.index_cast %get3A_618 : i32 to index
      %get3A_620 = arith.constant 96 : index
      %get3A_621 = tpu.vector_load %arg9[%get3A_619, %get3A_620] {strides = array<i32>} : memref<16x512xf32, #tpu.memory_space<vmem>>, vector<16xf32>,
      %add3A_622 = arith.addf %broadcast_in_dim3A_617, %get3A_621 : vector<16xf32>
      %get3A_623 = arith.constant 1 : i32
      %get3A_624 = arith.index_cast %get3A_623 : i32 to index
      %get3A_625 = arith.constant 96 : index
      %get3A_626 = tpu.vector_load %arg9[%get3A_624, %get3A_625] {strides = array<i32>} : memref<16x512xf32, #tpu.memory_space<vmem>>, vector<16xf32>,
      %add3A_627 = arith.addf %add3A_622, %get3A_626 : vector<16xf32>
      %get3A_628 = arith.constant 2 : i32
      %get3A_629 = arith.index_cast %get3A_628 : i32 to index
      %get3A_630 = arith.constant 96 : index
      %get3A_631 = tpu.vector_load %arg9[%get3A_629, %get3A_630] {strides = array<i32>} : memref<16x512xf32, #tpu.memory_space<vmem>>, vector<16xf32>,
      %add3A_632 = arith.addf %add3A_627, %get3A_631 : vector<16xf32>
      %get3A_633 = arith.constant 3 : i32
      %get3A_634 = arith.index_cast %get3A_633 : i32 to index
      %get3A_635 = arith.constant 96 : index
      %get3A_636 = tpu.vector_load %arg9[%get3A_634, %get3A_635] {strides = array<i32>} : memref<16x512xf32, #tpu.memory_space<vmem>>, vector<16xf32>,
      %add3A_637 = arith.addf %add3A_632, %get3A_636 : vector<16xf32>
      %get3A_638 = arith.constant 4 : i32
      %get3A_639 = arith.index_cast %get3A_638 : i32 to index
      %get3A_640 = arith.constant 96 : index
      %get3A_641 = tpu.vector_load %arg9[%get3A_639, %get3A_640] {strides = array<i32>} : memref<16x512xf32, #tpu.memory_space<vmem>>, vector<16xf32>,
      %add3A_642 = arith.addf %add3A_637, %get3A_641 : vector<16xf32>
      %get3A_643 = arith.constant 5 : i32
      %get3A_644 = arith.index_cast %get3A_643 : i32 to index
      %get3A_645 = arith.constant 96 : index
      %get3A_646 = tpu.vector_load %arg9[%get3A_644, %get3A_645] {strides = array<i32>} : memref<16x512xf32, #tpu.memory_space<vmem>>, vector<16xf32>,
      %add3A_647 = arith.addf %add3A_642, %get3A_646 : vector<16xf32>
      %get3A_648 = arith.constant 6 : i32
      %get3A_649 = arith.index_cast %get3A_648 : i32 to index
      %get3A_650 = arith.constant 96 : index
      %get3A_651 = tpu.vector_load %arg9[%get3A_649, %get3A_650] {strides = array<i32>} : memref<16x512xf32, #tpu.memory_space<vmem>>, vector<16xf32>,
      %add3A_652 = arith.addf %add3A_647, %get3A_651 : vector<16xf32>
      %get3A_653 = arith.constant 7 : i32
      %get3A_654 = arith.index_cast %get3A_653 : i32 to index
      %get3A_655 = arith.constant 96 : index
      %get3A_656 = tpu.vector_load %arg9[%get3A_654, %get3A_655] {strides = array<i32>} : memref<16x512xf32, #tpu.memory_space<vmem>>, vector<16xf32>,
      %add3A_657 = arith.addf %add3A_652, %get3A_656 : vector<16xf32>
      %get3A_658 = arith.constant 8 : i32
      %get3A_659 = arith.index_cast %get3A_658 : i32 to index
      %get3A_660 = arith.constant 96 : index
      %get3A_661 = tpu.vector_load %arg9[%get3A_659, %get3A_660] {strides = array<i32>} : memref<16x512xf32, #tpu.memory_space<vmem>>, vector<16xf32>,
      %add3A_662 = arith.addf %add3A_657, %get3A_661 : vector<16xf32>
      %get3A_663 = arith.constant 9 : i32
      %get3A_664 = arith.index_cast %get3A_663 : i32 to index
      %get3A_665 = arith.constant 96 : index
      %get3A_666 = tpu.vector_load %arg9[%get3A_664, %get3A_665] {strides = array<i32>} : memref<16x512xf32, #tpu.memory_space<vmem>>, vector<16xf32>,
      %add3A_667 = arith.addf %add3A_662, %get3A_666 : vector<16xf32>
      %get3A_668 = arith.constant 10 : i32
      %get3A_669 = arith.index_cast %get3A_668 : i32 to index
      %get3A_670 = arith.constant 96 : index
      %get3A_671 = tpu.vector_load %arg9[%get3A_669, %get3A_670] {strides = array<i32>} : memref<16x512xf32, #tpu.memory_space<vmem>>, vector<16xf32>,
      %add3A_672 = arith.addf %add3A_667, %get3A_671 : vector<16xf32>
      %get3A_673 = arith.constant 11 : i32
      %get3A_674 = arith.index_cast %get3A_673 : i32 to index
      %get3A_675 = arith.constant 96 : index
      %get3A_676 = tpu.vector_load %arg9[%get3A_674, %get3A_675] {strides = array<i32>} : memref<16x512xf32, #tpu.memory_space<vmem>>, vector<16xf32>,
      %add3A_677 = arith.addf %add3A_672, %get3A_676 : vector<16xf32>
      %get3A_678 = arith.constant 12 : i32
      %get3A_679 = arith.index_cast %get3A_678 : i32 to index
      %get3A_680 = arith.constant 96 : index
      %get3A_681 = tpu.vector_load %arg9[%get3A_679, %get3A_680] {strides = array<i32>} : memref<16x512xf32, #tpu.memory_space<vmem>>, vector<16xf32>,
      %add3A_682 = arith.addf %add3A_677, %get3A_681 : vector<16xf32>
      %get3A_683 = arith.constant 13 : i32
      %get3A_684 = arith.index_cast %get3A_683 : i32 to index
      %get3A_685 = arith.constant 96 : index
      %get3A_686 = tpu.vector_load %arg9[%get3A_684, %get3A_685] {strides = array<i32>} : memref<16x512xf32, #tpu.memory_space<vmem>>, vector<16xf32>,
      %add3A_687 = arith.addf %add3A_682, %get3A_686 : vector<16xf32>
      %get3A_688 = arith.constant 14 : i32
      %get3A_689 = arith.index_cast %get3A_688 : i32 to index
      %get3A_690 = arith.constant 96 : index
      %get3A_691 = tpu.vector_load %arg9[%get3A_689, %get3A_690] {strides = array<i32>} : memref<16x512xf32, #tpu.memory_space<vmem>>, vector<16xf32>,
      %add3A_692 = arith.addf %add3A_687, %get3A_691 : vector<16xf32>
      %get3A_693 = arith.constant 15 : i32
      %get3A_694 = arith.index_cast %get3A_693 : i32 to index
      %get3A_695 = arith.constant 96 : index
      %get3A_696 = tpu.vector_load %arg9[%get3A_694, %get3A_695] {strides = array<i32>} : memref<16x512xf32, #tpu.memory_space<vmem>>, vector<16xf32>,
      %add3A_697 = arith.addf %add3A_692, %get3A_696 : vector<16xf32>
      %reduce_sum3A_698 = arith.constant true
      %reduce_sum3A_699 = vector.broadcast %reduce_sum3A_698 : i1 to vector<16xi1>
      %reduce_sum3A_700 = tpu.scan <sum>, %add3A_697 masked %reduce_sum3A_699 : vector<16xf32>, vector<16xi1> -> vector<16xf32>
      %reduce_sum3A_701 = vector.extract %reduce_sum3A_700[15] : f32 from vector<16xf32>
      %abs3A_702 = math.absf %reduce_sum3A_701 : f32
      %add3A_703 = arith.addf %add3A_615, %abs3A_702 : f32
      %broadcast_in_dim3A_704 = arith.constant 0.000000e+00 : f32
      %broadcast_in_dim3A_705 = vector.broadcast %broadcast_in_dim3A_704 : f32 to vector<16xf32>
      %get3A_706 = arith.constant 0 : i32
      %get3A_707 = arith.index_cast %get3A_706 : i32 to index
      %get3A_708 = arith.constant 112 : index
      %get3A_709 = tpu.vector_load %arg9[%get3A_707, %get3A_708] {strides = array<i32>} : memref<16x512xf32, #tpu.memory_space<vmem>>, vector<16xf32>,
      %add3A_710 = arith.addf %broadcast_in_dim3A_705, %get3A_709 : vector<16xf32>
      %get3A_711 = arith.constant 1 : i32
      %get3A_712 = arith.index_cast %get3A_711 : i32 to index
      %get3A_713 = arith.constant 112 : index
      %get3A_714 = tpu.vector_load %arg9[%get3A_712, %get3A_713] {strides = array<i32>} : memref<16x512xf32, #tpu.memory_space<vmem>>, vector<16xf32>,
      %add3A_715 = arith.addf %add3A_710, %get3A_714 : vector<16xf32>
      %get3A_716 = arith.constant 2 : i32
      %get3A_717 = arith.index_cast %get3A_716 : i32 to index
      %get3A_718 = arith.constant 112 : index
      %get3A_719 = tpu.vector_load %arg9[%get3A_717, %get3A_718] {strides = array<i32>} : memref<16x512xf32, #tpu.memory_space<vmem>>, vector<16xf32>,
      %add3A_720 = arith.addf %add3A_715, %get3A_719 : vector<16xf32>
      %get3A_721 = arith.constant 3 : i32
      %get3A_722 = arith.index_cast %get3A_721 : i32 to index
      %get3A_723 = arith.constant 112 : index
      %get3A_724 = tpu.vector_load %arg9[%get3A_722, %get3A_723] {strides = array<i32>} : memref<16x512xf32, #tpu.memory_space<vmem>>, vector<16xf32>,
      %add3A_725 = arith.addf %add3A_720, %get3A_724 : vector<16xf32>
      %get3A_726 = arith.constant 4 : i32
      %get3A_727 = arith.index_cast %get3A_726 : i32 to index
      %get3A_728 = arith.constant 112 : index
      %get3A_729 = tpu.vector_load %arg9[%get3A_727, %get3A_728] {strides = array<i32>} : memref<16x512xf32, #tpu.memory_space<vmem>>, vector<16xf32>,
      %add3A_730 = arith.addf %add3A_725, %get3A_729 : vector<16xf32>
      %get3A_731 = arith.constant 5 : i32
      %get3A_732 = arith.index_cast %get3A_731 : i32 to index
      %get3A_733 = arith.constant 112 : index
      %get3A_734 = tpu.vector_load %arg9[%get3A_732, %get3A_733] {strides = array<i32>} : memref<16x512xf32, #tpu.memory_space<vmem>>, vector<16xf32>,
      %add3A_735 = arith.addf %add3A_730, %get3A_734 : vector<16xf32>
      %get3A_736 = arith.constant 6 : i32
      %get3A_737 = arith.index_cast %get3A_736 : i32 to index
      %get3A_738 = arith.constant 112 : index
      %get3A_739 = tpu.vector_load %arg9[%get3A_737, %get3A_738] {strides = array<i32>} : memref<16x512xf32, #tpu.memory_space<vmem>>, vector<16xf32>,
      %add3A_740 = arith.addf %add3A_735, %get3A_739 : vector<16xf32>
      %get3A_741 = arith.constant 7 : i32
      %get3A_742 = arith.index_cast %get3A_741 : i32 to index
      %get3A_743 = arith.constant 112 : index
      %get3A_744 = tpu.vector_load %arg9[%get3A_742, %get3A_743] {strides = array<i32>} : memref<16x512xf32, #tpu.memory_space<vmem>>, vector<16xf32>,
      %add3A_745 = arith.addf %add3A_740, %get3A_744 : vector<16xf32>
      %get3A_746 = arith.constant 8 : i32
      %get3A_747 = arith.index_cast %get3A_746 : i32 to index
      %get3A_748 = arith.constant 112 : index
      %get3A_749 = tpu.vector_load %arg9[%get3A_747, %get3A_748] {strides = array<i32>} : memref<16x512xf32, #tpu.memory_space<vmem>>, vector<16xf32>,
      %add3A_750 = arith.addf %add3A_745, %get3A_749 : vector<16xf32>
      %get3A_751 = arith.constant 9 : i32
      %get3A_752 = arith.index_cast %get3A_751 : i32 to index
      %get3A_753 = arith.constant 112 : index
      %get3A_754 = tpu.vector_load %arg9[%get3A_752, %get3A_753] {strides = array<i32>} : memref<16x512xf32, #tpu.memory_space<vmem>>, vector<16xf32>,
      %add3A_755 = arith.addf %add3A_750, %get3A_754 : vector<16xf32>
      %get3A_756 = arith.constant 10 : i32
      %get3A_757 = arith.index_cast %get3A_756 : i32 to index
      %get3A_758 = arith.constant 112 : index
      %get3A_759 = tpu.vector_load %arg9[%get3A_757, %get3A_758] {strides = array<i32>} : memref<16x512xf32, #tpu.memory_space<vmem>>, vector<16xf32>,
      %add3A_760 = arith.addf %add3A_755, %get3A_759 : vector<16xf32>
      %get3A_761 = arith.constant 11 : i32
      %get3A_762 = arith.index_cast %get3A_761 : i32 to index
      %get3A_763 = arith.constant 112 : index
      %get3A_764 = tpu.vector_load %arg9[%get3A_762, %get3A_763] {strides = array<i32>} : memref<16x512xf32, #tpu.memory_space<vmem>>, vector<16xf32>,
      %add3A_765 = arith.addf %add3A_760, %get3A_764 : vector<16xf32>
      %get3A_766 = arith.constant 12 : i32
      %get3A_767 = arith.index_cast %get3A_766 : i32 to index
      %get3A_768 = arith.constant 112 : index
      %get3A_769 = tpu.vector_load %arg9[%get3A_767, %get3A_768] {strides = array<i32>} : memref<16x512xf32, #tpu.memory_space<vmem>>, vector<16xf32>,
      %add3A_770 = arith.addf %add3A_765, %get3A_769 : vector<16xf32>
      %get3A_771 = arith.constant 13 : i32
      %get3A_772 = arith.index_cast %get3A_771 : i32 to index
      %get3A_773 = arith.constant 112 : index
      %get3A_774 = tpu.vector_load %arg9[%get3A_772, %get3A_773] {strides = array<i32>} : memref<16x512xf32, #tpu.memory_space<vmem>>, vector<16xf32>,
      %add3A_775 = arith.addf %add3A_770, %get3A_774 : vector<16xf32>
      %get3A_776 = arith.constant 14 : i32
      %get3A_777 = arith.index_cast %get3A_776 : i32 to index
      %get3A_778 = arith.constant 112 : index
      %get3A_779 = tpu.vector_load %arg9[%get3A_777, %get3A_778] {strides = array<i32>} : memref<16x512xf32, #tpu.memory_space<vmem>>, vector<16xf32>,
      %add3A_780 = arith.addf %add3A_775, %get3A_779 : vector<16xf32>
      %get3A_781 = arith.constant 15 : i32
      %get3A_782 = arith.index_cast %get3A_781 : i32 to index
      %get3A_783 = arith.constant 112 : index
      %get3A_784 = tpu.vector_load %arg9[%get3A_782, %get3A_783] {strides = array<i32>} : memref<16x512xf32, #tpu.memory_space<vmem>>, vector<16xf32>,
      %add3A_785 = arith.addf %add3A_780, %get3A_784 : vector<16xf32>
      %reduce_sum3A_786 = arith.constant true
      %reduce_sum3A_787 = vector.broadcast %reduce_sum3A_786 : i1 to vector<16xi1>
      %reduce_sum3A_788 = tpu.scan <sum>, %add3A_785 masked %reduce_sum3A_787 : vector<16xf32>, vector<16xi1> -> vector<16xf32>
      %reduce_sum3A_789 = vector.extract %reduce_sum3A_788[15] : f32 from vector<16xf32>
      %abs3A_790 = math.absf %reduce_sum3A_789 : f32
      %add3A_791 = arith.addf %add3A_703, %abs3A_790 : f32
      %broadcast_in_dim3A_792 = arith.constant 0.000000e+00 : f32
      %broadcast_in_dim3A_793 = vector.broadcast %broadcast_in_dim3A_792 : f32 to vector<16xf32>
      %get3A_794 = arith.constant 0 : i32
      %get3A_795 = arith.index_cast %get3A_794 : i32 to index
      %get3A_796 = arith.constant 128 : index
      %get3A_797 = tpu.vector_load %arg9[%get3A_795, %get3A_796] {strides = array<i32>} : memref<16x512xf32, #tpu.memory_space<vmem>>, vector<16xf32>,
      %add3A_798 = arith.addf %broadcast_in_dim3A_793, %get3A_797 : vector<16xf32>
      %get3A_799 = arith.constant 1 : i32
      %get3A_800 = arith.index_cast %get3A_799 : i32 to index
      %get3A_801 = arith.constant 128 : index
      %get3A_802 = tpu.vector_load %arg9[%get3A_800, %get3A_801] {strides = array<i32>} : memref<16x512xf32, #tpu.memory_space<vmem>>, vector<16xf32>,
      %add3A_803 = arith.addf %add3A_798, %get3A_802 : vector<16xf32>
      %get3A_804 = arith.constant 2 : i32
      %get3A_805 = arith.index_cast %get3A_804 : i32 to index
      %get3A_806 = arith.constant 128 : index
      %get3A_807 = tpu.vector_load %arg9[%get3A_805, %get3A_806] {strides = array<i32>} : memref<16x512xf32, #tpu.memory_space<vmem>>, vector<16xf32>,
      %add3A_808 = arith.addf %add3A_803, %get3A_807 : vector<16xf32>
      %get3A_809 = arith.constant 3 : i32
      %get3A_810 = arith.index_cast %get3A_809 : i32 to index
      %get3A_811 = arith.constant 128 : index
      %get3A_812 = tpu.vector_load %arg9[%get3A_810, %get3A_811] {strides = array<i32>} : memref<16x512xf32, #tpu.memory_space<vmem>>, vector<16xf32>,
      %add3A_813 = arith.addf %add3A_808, %get3A_812 : vector<16xf32>
      %get3A_814 = arith.constant 4 : i32
      %get3A_815 = arith.index_cast %get3A_814 : i32 to index
      %get3A_816 = arith.constant 128 : index
      %get3A_817 = tpu.vector_load %arg9[%get3A_815, %get3A_816] {strides = array<i32>} : memref<16x512xf32, #tpu.memory_space<vmem>>, vector<16xf32>,
      %add3A_818 = arith.addf %add3A_813, %get3A_817 : vector<16xf32>
      %get3A_819 = arith.constant 5 : i32
      %get3A_820 = arith.index_cast %get3A_819 : i32 to index
      %get3A_821 = arith.constant 128 : index
      %get3A_822 = tpu.vector_load %arg9[%get3A_820, %get3A_821] {strides = array<i32>} : memref<16x512xf32, #tpu.memory_space<vmem>>, vector<16xf32>,
      %add3A_823 = arith.addf %add3A_818, %get3A_822 : vector<16xf32>
      %get3A_824 = arith.constant 6 : i32
      %get3A_825 = arith.index_cast %get3A_824 : i32 to index
      %get3A_826 = arith.constant 128 : index
      %get3A_827 = tpu.vector_load %arg9[%get3A_825, %get3A_826] {strides = array<i32>} : memref<16x512xf32, #tpu.memory_space<vmem>>, vector<16xf32>,
      %add3A_828 = arith.addf %add3A_823, %get3A_827 : vector<16xf32>
      %get3A_829 = arith.constant 7 : i32
      %get3A_830 = arith.index_cast %get3A_829 : i32 to index
      %get3A_831 = arith.constant 128 : index
      %get3A_832 = tpu.vector_load %arg9[%get3A_830, %get3A_831] {strides = array<i32>} : memref<16x512xf32, #tpu.memory_space<vmem>>, vector<16xf32>,
      %add3A_833 = arith.addf %add3A_828, %get3A_832 : vector<16xf32>
      %get3A_834 = arith.constant 8 : i32
      %get3A_835 = arith.index_cast %get3A_834 : i32 to index
      %get3A_836 = arith.constant 128 : index
      %get3A_837 = tpu.vector_load %arg9[%get3A_835, %get3A_836] {strides = array<i32>} : memref<16x512xf32, #tpu.memory_space<vmem>>, vector<16xf32>,
      %add3A_838 = arith.addf %add3A_833, %get3A_837 : vector<16xf32>
      %get3A_839 = arith.constant 9 : i32
      %get3A_840 = arith.index_cast %get3A_839 : i32 to index
      %get3A_841 = arith.constant 128 : index
      %get3A_842 = tpu.vector_load %arg9[%get3A_840, %get3A_841] {strides = array<i32>} : memref<16x512xf32, #tpu.memory_space<vmem>>, vector<16xf32>,
      %add3A_843 = arith.addf %add3A_838, %get3A_842 : vector<16xf32>
      %get3A_844 = arith.constant 10 : i32
      %get3A_845 = arith.index_cast %get3A_844 : i32 to index
      %get3A_846 = arith.constant 128 : index
      %get3A_847 = tpu.vector_load %arg9[%get3A_845, %get3A_846] {strides = array<i32>} : memref<16x512xf32, #tpu.memory_space<vmem>>, vector<16xf32>,
      %add3A_848 = arith.addf %add3A_843, %get3A_847 : vector<16xf32>
      %get3A_849 = arith.constant 11 : i32
      %get3A_850 = arith.index_cast %get3A_849 : i32 to index
      %get3A_851 = arith.constant 128 : index
      %get3A_852 = tpu.vector_load %arg9[%get3A_850, %get3A_851] {strides = array<i32>} : memref<16x512xf32, #tpu.memory_space<vmem>>, vector<16xf32>,
      %add3A_853 = arith.addf %add3A_848, %get3A_852 : vector<16xf32>
      %get3A_854 = arith.constant 12 : i32
      %get3A_855 = arith.index_cast %get3A_854 : i32 to index
      %get3A_856 = arith.constant 128 : index
      %get3A_857 = tpu.vector_load %arg9[%get3A_855, %get3A_856] {strides = array<i32>} : memref<16x512xf32, #tpu.memory_space<vmem>>, vector<16xf32>,
      %add3A_858 = arith.addf %add3A_853, %get3A_857 : vector<16xf32>
      %get3A_859 = arith.constant 13 : i32
      %get3A_860 = arith.index_cast %get3A_859 : i32 to index
      %get3A_861 = arith.constant 128 : index
      %get3A_862 = tpu.vector_load %arg9[%get3A_860, %get3A_861] {strides = array<i32>} : memref<16x512xf32, #tpu.memory_space<vmem>>, vector<16xf32>,
      %add3A_863 = arith.addf %add3A_858, %get3A_862 : vector<16xf32>
      %get3A_864 = arith.constant 14 : i32
      %get3A_865 = arith.index_cast %get3A_864 : i32 to index
      %get3A_866 = arith.constant 128 : index
      %get3A_867 = tpu.vector_load %arg9[%get3A_865, %get3A_866] {strides = array<i32>} : memref<16x512xf32, #tpu.memory_space<vmem>>, vector<16xf32>,
      %add3A_868 = arith.addf %add3A_863, %get3A_867 : vector<16xf32>
      %get3A_869 = arith.constant 15 : i32
      %get3A_870 = arith.index_cast %get3A_869 : i32 to index
      %get3A_871 = arith.constant 128 : index
      %get3A_872 = tpu.vector_load %arg9[%get3A_870, %get3A_871] {strides = array<i32>} : memref<16x512xf32, #tpu.memory_space<vmem>>, vector<16xf32>,
      %add3A_873 = arith.addf %add3A_868, %get3A_872 : vector<16xf32>
      %reduce_sum3A_874 = arith.constant true
      %reduce_sum3A_875 = vector.broadcast %reduce_sum3A_874 : i1 to vector<16xi1>
      %reduce_sum3A_876 = tpu.scan <sum>, %add3A_873 masked %reduce_sum3A_875 : vector<16xf32>, vector<16xi1> -> vector<16xf32>
      %reduce_sum3A_877 = vector.extract %reduce_sum3A_876[15] : f32 from vector<16xf32>
      %abs3A_878 = math.absf %reduce_sum3A_877 : f32
      %add3A_879 = arith.addf %add3A_791, %abs3A_878 : f32
      %broadcast_in_dim3A_880 = arith.constant 0.000000e+00 : f32
      %broadcast_in_dim3A_881 = vector.broadcast %broadcast_in_dim3A_880 : f32 to vector<16xf32>
      %get3A_882 = arith.constant 0 : i32
      %get3A_883 = arith.index_cast %get3A_882 : i32 to index
      %get3A_884 = arith.constant 144 : index
      %get3A_885 = tpu.vector_load %arg9[%get3A_883, %get3A_884] {strides = array<i32>} : memref<16x512xf32, #tpu.memory_space<vmem>>, vector<16xf32>,
      %add3A_886 = arith.addf %broadcast_in_dim3A_881, %get3A_885 : vector<16xf32>
      %get3A_887 = arith.constant 1 : i32
      %get3A_888 = arith.index_cast %get3A_887 : i32 to index
      %get3A_889 = arith.constant 144 : index
      %get3A_890 = tpu.vector_load %arg9[%get3A_888, %get3A_889] {strides = array<i32>} : memref<16x512xf32, #tpu.memory_space<vmem>>, vector<16xf32>,
      %add3A_891 = arith.addf %add3A_886, %get3A_890 : vector<16xf32>
      %get3A_892 = arith.constant 2 : i32
      %get3A_893 = arith.index_cast %get3A_892 : i32 to index
      %get3A_894 = arith.constant 144 : index
      %get3A_895 = tpu.vector_load %arg9[%get3A_893, %get3A_894] {strides = array<i32>} : memref<16x512xf32, #tpu.memory_space<vmem>>, vector<16xf32>,
      %add3A_896 = arith.addf %add3A_891, %get3A_895 : vector<16xf32>
      %get3A_897 = arith.constant 3 : i32
      %get3A_898 = arith.index_cast %get3A_897 : i32 to index
      %get3A_899 = arith.constant 144 : index
      %get3A_900 = tpu.vector_load %arg9[%get3A_898, %get3A_899] {strides = array<i32>} : memref<16x512xf32, #tpu.memory_space<vmem>>, vector<16xf32>,
      %add3A_901 = arith.addf %add3A_896, %get3A_900 : vector<16xf32>
      %get3A_902 = arith.constant 4 : i32
      %get3A_903 = arith.index_cast %get3A_902 : i32 to index
      %get3A_904 = arith.constant 144 : index
      %get3A_905 = tpu.vector_load %arg9[%get3A_903, %get3A_904] {strides = array<i32>} : memref<16x512xf32, #tpu.memory_space<vmem>>, vector<16xf32>,
      %add3A_906 = arith.addf %add3A_901, %get3A_905 : vector<16xf32>
      %get3A_907 = arith.constant 5 : i32
      %get3A_908 = arith.index_cast %get3A_907 : i32 to index
      %get3A_909 = arith.constant 144 : index
      %get3A_910 = tpu.vector_load %arg9[%get3A_908, %get3A_909] {strides = array<i32>} : memref<16x512xf32, #tpu.memory_space<vmem>>, vector<16xf32>,
      %add3A_911 = arith.addf %add3A_906, %get3A_910 : vector<16xf32>
      %get3A_912 = arith.constant 6 : i32
      %get3A_913 = arith.index_cast %get3A_912 : i32 to index
      %get3A_914 = arith.constant 144 : index
      %get3A_915 = tpu.vector_load %arg9[%get3A_913, %get3A_914] {strides = array<i32>} : memref<16x512xf32, #tpu.memory_space<vmem>>, vector<16xf32>,
      %add3A_916 = arith.addf %add3A_911, %get3A_915 : vector<16xf32>
      %get3A_917 = arith.constant 7 : i32
      %get3A_918 = arith.index_cast %get3A_917 : i32 to index
      %get3A_919 = arith.constant 144 : index
      %get3A_920 = tpu.vector_load %arg9[%get3A_918, %get3A_919] {strides = array<i32>} : memref<16x512xf32, #tpu.memory_space<vmem>>, vector<16xf32>,
      %add3A_921 = arith.addf %add3A_916, %get3A_920 : vector<16xf32>
      %get3A_922 = arith.constant 8 : i32
      %get3A_923 = arith.index_cast %get3A_922 : i32 to index
      %get3A_924 = arith.constant 144 : index
      %get3A_925 = tpu.vector_load %arg9[%get3A_923, %get3A_924] {strides = array<i32>} : memref<16x512xf32, #tpu.memory_space<vmem>>, vector<16xf32>,
      %add3A_926 = arith.addf %add3A_921, %get3A_925 : vector<16xf32>
      %get3A_927 = arith.constant 9 : i32
      %get3A_928 = arith.index_cast %get3A_927 : i32 to index
      %get3A_929 = arith.constant 144 : index
      %get3A_930 = tpu.vector_load %arg9[%get3A_928, %get3A_929] {strides = array<i32>} : memref<16x512xf32, #tpu.memory_space<vmem>>, vector<16xf32>,
      %add3A_931 = arith.addf %add3A_926, %get3A_930 : vector<16xf32>
      %get3A_932 = arith.constant 10 : i32
      %get3A_933 = arith.index_cast %get3A_932 : i32 to index
      %get3A_934 = arith.constant 144 : index
      %get3A_935 = tpu.vector_load %arg9[%get3A_933, %get3A_934] {strides = array<i32>} : memref<16x512xf32, #tpu.memory_space<vmem>>, vector<16xf32>,
      %add3A_936 = arith.addf %add3A_931, %get3A_935 : vector<16xf32>
      %get3A_937 = arith.constant 11 : i32
      %get3A_938 = arith.index_cast %get3A_937 : i32 to index
      %get3A_939 = arith.constant 144 : index
      %get3A_940 = tpu.vector_load %arg9[%get3A_938, %get3A_939] {strides = array<i32>} : memref<16x512xf32, #tpu.memory_space<vmem>>, vector<16xf32>,
      %add3A_941 = arith.addf %add3A_936, %get3A_940 : vector<16xf32>
      %get3A_942 = arith.constant 12 : i32
      %get3A_943 = arith.index_cast %get3A_942 : i32 to index
      %get3A_944 = arith.constant 144 : index
      %get3A_945 = tpu.vector_load %arg9[%get3A_943, %get3A_944] {strides = array<i32>} : memref<16x512xf32, #tpu.memory_space<vmem>>, vector<16xf32>,
      %add3A_946 = arith.addf %add3A_941, %get3A_945 : vector<16xf32>
      %get3A_947 = arith.constant 13 : i32
      %get3A_948 = arith.index_cast %get3A_947 : i32 to index
      %get3A_949 = arith.constant 144 : index
      %get3A_950 = tpu.vector_load %arg9[%get3A_948, %get3A_949] {strides = array<i32>} : memref<16x512xf32, #tpu.memory_space<vmem>>, vector<16xf32>,
      %add3A_951 = arith.addf %add3A_946, %get3A_950 : vector<16xf32>
      %get3A_952 = arith.constant 14 : i32
      %get3A_953 = arith.index_cast %get3A_952 : i32 to index
      %get3A_954 = arith.constant 144 : index
      %get3A_955 = tpu.vector_load %arg9[%get3A_953, %get3A_954] {strides = array<i32>} : memref<16x512xf32, #tpu.memory_space<vmem>>, vector<16xf32>,
      %add3A_956 = arith.addf %add3A_951, %get3A_955 : vector<16xf32>
      %get3A_957 = arith.constant 15 : i32
      %get3A_958 = arith.index_cast %get3A_957 : i32 to index
      %get3A_959 = arith.constant 144 : index
      %get3A_960 = tpu.vector_load %arg9[%get3A_958, %get3A_959] {strides = array<i32>} : memref<16x512xf32, #tpu.memory_space<vmem>>, vector<16xf32>,
      %add3A_961 = arith.addf %add3A_956, %get3A_960 : vector<16xf32>
      %reduce_sum3A_962 = arith.constant true
      %reduce_sum3A_963 = vector.broadcast %reduce_sum3A_962 : i1 to vector<16xi1>
      %reduce_sum3A_964 = tpu.scan <sum>, %add3A_961 masked %reduce_sum3A_963 : vector<16xf32>, vector<16xi1> -> vector<16xf32>
      %reduce_sum3A_965 = vector.extract %reduce_sum3A_964[15] : f32 from vector<16xf32>
      %abs3A_966 = math.absf %reduce_sum3A_965 : f32
      %add3A_967 = arith.addf %add3A_879, %abs3A_966 : f32
      %broadcast_in_dim3A_968 = arith.constant 0.000000e+00 : f32
      %broadcast_in_dim3A_969 = vector.broadcast %broadcast_in_dim3A_968 : f32 to vector<16xf32>
      %get3A_970 = arith.constant 0 : i32
      %get3A_971 = arith.index_cast %get3A_970 : i32 to index
      %get3A_972 = arith.constant 160 : index
      %get3A_973 = tpu.vector_load %arg9[%get3A_971, %get3A_972] {strides = array<i32>} : memref<16x512xf32, #tpu.memory_space<vmem>>, vector<16xf32>,
      %add3A_974 = arith.addf %broadcast_in_dim3A_969, %get3A_973 : vector<16xf32>
      %get3A_975 = arith.constant 1 : i32
      %get3A_976 = arith.index_cast %get3A_975 : i32 to index
      %get3A_977 = arith.constant 160 : index
      %get3A_978 = tpu.vector_load %arg9[%get3A_976, %get3A_977] {strides = array<i32>} : memref<16x512xf32, #tpu.memory_space<vmem>>, vector<16xf32>,
      %add3A_979 = arith.addf %add3A_974, %get3A_978 : vector<16xf32>
      %get3A_980 = arith.constant 2 : i32
      %get3A_981 = arith.index_cast %get3A_980 : i32 to index
      %get3A_982 = arith.constant 160 : index
      %get3A_983 = tpu.vector_load %arg9[%get3A_981, %get3A_982] {strides = array<i32>} : memref<16x512xf32, #tpu.memory_space<vmem>>, vector<16xf32>,
      %add3A_984 = arith.addf %add3A_979, %get3A_983 : vector<16xf32>
      %get3A_985 = arith.constant 3 : i32
      %get3A_986 = arith.index_cast %get3A_985 : i32 to index
      %get3A_987 = arith.constant 160 : index
      %get3A_988 = tpu.vector_load %arg9[%get3A_986, %get3A_987] {strides = array<i32>} : memref<16x512xf32, #tpu.memory_space<vmem>>, vector<16xf32>,
      %add3A_989 = arith.addf %add3A_984, %get3A_988 : vector<16xf32>
      %get3A_990 = arith.constant 4 : i32
      %get3A_991 = arith.index_cast %get3A_990 : i32 to index
      %get3A_992 = arith.constant 160 : index
      %get3A_993 = tpu.vector_load %arg9[%get3A_991, %get3A_992] {strides = array<i32>} : memref<16x512xf32, #tpu.memory_space<vmem>>, vector<16xf32>,
      %add3A_994 = arith.addf %add3A_989, %get3A_993 : vector<16xf32>
      %get3A_995 = arith.constant 5 : i32
      %get3A_996 = arith.index_cast %get3A_995 : i32 to index
      %get3A_997 = arith.constant 160 : index
      %get3A_998 = tpu.vector_load %arg9[%get3A_996, %get3A_997] {strides = array<i32>} : memref<16x512xf32, #tpu.memory_space<vmem>>, vector<16xf32>,
      %add3A_999 = arith.addf %add3A_994, %get3A_998 : vector<16xf32>
      %get3A_1000 = arith.constant 6 : i32
      %get3A_1001 = arith.index_cast %get3A_1000 : i32 to index
      %get3A_1002 = arith.constant 160 : index
      %get3A_1003 = tpu.vector_load %arg9[%get3A_1001, %get3A_1002] {strides = array<i32>} : memref<16x512xf32, #tpu.memory_space<vmem>>, vector<16xf32>,
      %add3A_1004 = arith.addf %add3A_999, %get3A_1003 : vector<16xf32>
      %get3A_1005 = arith.constant 7 : i32
      %get3A_1006 = arith.index_cast %get3A_1005 : i32 to index
      %get3A_1007 = arith.constant 160 : index
      %get3A_1008 = tpu.vector_load %arg9[%get3A_1006, %get3A_1007] {strides = array<i32>} : memref<16x512xf32, #tpu.memory_space<vmem>>, vector<16xf32>,
      %add3A_1009 = arith.addf %add3A_1004, %get3A_1008 : vector<16xf32>
      %get3A_1010 = arith.constant 8 : i32
      %get3A_1011 = arith.index_cast %get3A_1010 : i32 to index
      %get3A_1012 = arith.constant 160 : index
      %get3A_1013 = tpu.vector_load %arg9[%get3A_1011, %get3A_1012] {strides = array<i32>} : memref<16x512xf32, #tpu.memory_space<vmem>>, vector<16xf32>,
      %add3A_1014 = arith.addf %add3A_1009, %get3A_1013 : vector<16xf32>
      %get3A_1015 = arith.constant 9 : i32
      %get3A_1016 = arith.index_cast %get3A_1015 : i32 to index
      %get3A_1017 = arith.constant 160 : index
      %get3A_1018 = tpu.vector_load %arg9[%get3A_1016, %get3A_1017] {strides = array<i32>} : memref<16x512xf32, #tpu.memory_space<vmem>>, vector<16xf32>,
      %add3A_1019 = arith.addf %add3A_1014, %get3A_1018 : vector<16xf32>
      %get3A_1020 = arith.constant 10 : i32
      %get3A_1021 = arith.index_cast %get3A_1020 : i32 to index
      %get3A_1022 = arith.constant 160 : index
      %get3A_1023 = tpu.vector_load %arg9[%get3A_1021, %get3A_1022] {strides = array<i32>} : memref<16x512xf32, #tpu.memory_space<vmem>>, vector<16xf32>,
      %add3A_1024 = arith.addf %add3A_1019, %get3A_1023 : vector<16xf32>
      %get3A_1025 = arith.constant 11 : i32
      %get3A_1026 = arith.index_cast %get3A_1025 : i32 to index
      %get3A_1027 = arith.constant 160 : index
      %get3A_1028 = tpu.vector_load %arg9[%get3A_1026, %get3A_1027] {strides = array<i32>} : memref<16x512xf32, #tpu.memory_space<vmem>>, vector<16xf32>,
      %add3A_1029 = arith.addf %add3A_1024, %get3A_1028 : vector<16xf32>
      %get3A_1030 = arith.constant 12 : i32
      %get3A_1031 = arith.index_cast %get3A_1030 : i32 to index
      %get3A_1032 = arith.constant 160 : index
      %get3A_1033 = tpu.vector_load %arg9[%get3A_1031, %get3A_1032] {strides = array<i32>} : memref<16x512xf32, #tpu.memory_space<vmem>>, vector<16xf32>,
      %add3A_1034 = arith.addf %add3A_1029, %get3A_1033 : vector<16xf32>
      %get3A_1035 = arith.constant 13 : i32
      %get3A_1036 = arith.index_cast %get3A_1035 : i32 to index
      %get3A_1037 = arith.constant 160 : index
      %get3A_1038 = tpu.vector_load %arg9[%get3A_1036, %get3A_1037] {strides = array<i32>} : memref<16x512xf32, #tpu.memory_space<vmem>>, vector<16xf32>,
      %add3A_1039 = arith.addf %add3A_1034, %get3A_1038 : vector<16xf32>
      %get3A_1040 = arith.constant 14 : i32
      %get3A_1041 = arith.index_cast %get3A_1040 : i32 to index
      %get3A_1042 = arith.constant 160 : index
      %get3A_1043 = tpu.vector_load %arg9[%get3A_1041, %get3A_1042] {strides = array<i32>} : memref<16x512xf32, #tpu.memory_space<vmem>>, vector<16xf32>,
      %add3A_1044 = arith.addf %add3A_1039, %get3A_1043 : vector<16xf32>
      %get3A_1045 = arith.constant 15 : i32
      %get3A_1046 = arith.index_cast %get3A_1045 : i32 to index
      %get3A_1047 = arith.constant 160 : index
      %get3A_1048 = tpu.vector_load %arg9[%get3A_1046, %get3A_1047] {strides = array<i32>} : memref<16x512xf32, #tpu.memory_space<vmem>>, vector<16xf32>,
      %add3A_1049 = arith.addf %add3A_1044, %get3A_1048 : vector<16xf32>
      %reduce_sum3A_1050 = arith.constant true
      %reduce_sum3A_1051 = vector.broadcast %reduce_sum3A_1050 : i1 to vector<16xi1>
      %reduce_sum3A_1052 = tpu.scan <sum>, %add3A_1049 masked %reduce_sum3A_1051 : vector<16xf32>, vector<16xi1> -> vector<16xf32>
      %reduce_sum3A_1053 = vector.extract %reduce_sum3A_1052[15] : f32 from vector<16xf32>
      %abs3A_1054 = math.absf %reduce_sum3A_1053 : f32
      %add3A_1055 = arith.addf %add3A_967, %abs3A_1054 : f32
      %broadcast_in_dim3A_1056 = arith.constant 0.000000e+00 : f32
      %broadcast_in_dim3A_1057 = vector.broadcast %broadcast_in_dim3A_1056 : f32 to vector<16xf32>
      %get3A_1058 = arith.constant 0 : i32
      %get3A_1059 = arith.index_cast %get3A_1058 : i32 to index
      %get3A_1060 = arith.constant 176 : index
      %get3A_1061 = tpu.vector_load %arg9[%get3A_1059, %get3A_1060] {strides = array<i32>} : memref<16x512xf32, #tpu.memory_space<vmem>>, vector<16xf32>,
      %add3A_1062 = arith.addf %broadcast_in_dim3A_1057, %get3A_1061 : vector<16xf32>
      %get3A_1063 = arith.constant 1 : i32
      %get3A_1064 = arith.index_cast %get3A_1063 : i32 to index
      %get3A_1065 = arith.constant 176 : index
      %get3A_1066 = tpu.vector_load %arg9[%get3A_1064, %get3A_1065] {strides = array<i32>} : memref<16x512xf32, #tpu.memory_space<vmem>>, vector<16xf32>,
      %add3A_1067 = arith.addf %add3A_1062, %get3A_1066 : vector<16xf32>
      %get3A_1068 = arith.constant 2 : i32
      %get3A_1069 = arith.index_cast %get3A_1068 : i32 to index
      %get3A_1070 = arith.constant 176 : index
      %get3A_1071 = tpu.vector_load %arg9[%get3A_1069, %get3A_1070] {strides = array<i32>} : memref<16x512xf32, #tpu.memory_space<vmem>>, vector<16xf32>,
      %add3A_1072 = arith.addf %add3A_1067, %get3A_1071 : vector<16xf32>
      %get3A_1073 = arith.constant 3 : i32
      %get3A_1074 = arith.index_cast %get3A_1073 : i32 to index
      %get3A_1075 = arith.constant 176 : index
      %get3A_1076 = tpu.vector_load %arg9[%get3A_1074, %get3A_1075] {strides = array<i32>} : memref<16x512xf32, #tpu.memory_space<vmem>>, vector<16xf32>,
      %add3A_1077 = arith.addf %add3A_1072, %get3A_1076 : vector<16xf32>
      %get3A_1078 = arith.constant 4 : i32
      %get3A_1079 = arith.index_cast %get3A_1078 : i32 to index
      %get3A_1080 = arith.constant 176 : index
      %get3A_1081 = tpu.vector_load %arg9[%get3A_1079, %get3A_1080] {strides = array<i32>} : memref<16x512xf32, #tpu.memory_space<vmem>>, vector<16xf32>,
      %add3A_1082 = arith.addf %add3A_1077, %get3A_1081 : vector<16xf32>
      %get3A_1083 = arith.constant 5 : i32
      %get3A_1084 = arith.index_cast %get3A_1083 : i32 to index
      %get3A_1085 = arith.constant 176 : index
      %get3A_1086 = tpu.vector_load %arg9[%get3A_1084, %get3A_1085] {strides = array<i32>} : memref<16x512xf32, #tpu.memory_space<vmem>>, vector<16xf32>,
      %add3A_1087 = arith.addf %add3A_1082, %get3A_1086 : vector<16xf32>
      %get3A_1088 = arith.constant 6 : i32
      %get3A_1089 = arith.index_cast %get3A_1088 : i32 to index
      %get3A_1090 = arith.constant 176 : index
      %get3A_1091 = tpu.vector_load %arg9[%get3A_1089, %get3A_1090] {strides = array<i32>} : memref<16x512xf32, #tpu.memory_space<vmem>>, vector<16xf32>,
      %add3A_1092 = arith.addf %add3A_1087, %get3A_1091 : vector<16xf32>
      %get3A_1093 = arith.constant 7 : i32
      %get3A_1094 = arith.index_cast %get3A_1093 : i32 to index
      %get3A_1095 = arith.constant 176 : index
      %get3A_1096 = tpu.vector_load %arg9[%get3A_1094, %get3A_1095] {strides = array<i32>} : memref<16x512xf32, #tpu.memory_space<vmem>>, vector<16xf32>,
      %add3A_1097 = arith.addf %add3A_1092, %get3A_1096 : vector<16xf32>
      %get3A_1098 = arith.constant 8 : i32
      %get3A_1099 = arith.index_cast %get3A_1098 : i32 to index
      %get3A_1100 = arith.constant 176 : index
      %get3A_1101 = tpu.vector_load %arg9[%get3A_1099, %get3A_1100] {strides = array<i32>} : memref<16x512xf32, #tpu.memory_space<vmem>>, vector<16xf32>,
      %add3A_1102 = arith.addf %add3A_1097, %get3A_1101 : vector<16xf32>
      %get3A_1103 = arith.constant 9 : i32
      %get3A_1104 = arith.index_cast %get3A_1103 : i32 to index
      %get3A_1105 = arith.constant 176 : index
      %get3A_1106 = tpu.vector_load %arg9[%get3A_1104, %get3A_1105] {strides = array<i32>} : memref<16x512xf32, #tpu.memory_space<vmem>>, vector<16xf32>,
      %add3A_1107 = arith.addf %add3A_1102, %get3A_1106 : vector<16xf32>
      %get3A_1108 = arith.constant 10 : i32
      %get3A_1109 = arith.index_cast %get3A_1108 : i32 to index
      %get3A_1110 = arith.constant 176 : index
      %get3A_1111 = tpu.vector_load %arg9[%get3A_1109, %get3A_1110] {strides = array<i32>} : memref<16x512xf32, #tpu.memory_space<vmem>>, vector<16xf32>,
      %add3A_1112 = arith.addf %add3A_1107, %get3A_1111 : vector<16xf32>
      %get3A_1113 = arith.constant 11 : i32
      %get3A_1114 = arith.index_cast %get3A_1113 : i32 to index
      %get3A_1115 = arith.constant 176 : index
      %get3A_1116 = tpu.vector_load %arg9[%get3A_1114, %get3A_1115] {strides = array<i32>} : memref<16x512xf32, #tpu.memory_space<vmem>>, vector<16xf32>,
      %add3A_1117 = arith.addf %add3A_1112, %get3A_1116 : vector<16xf32>
      %get3A_1118 = arith.constant 12 : i32
      %get3A_1119 = arith.index_cast %get3A_1118 : i32 to index
      %get3A_1120 = arith.constant 176 : index
      %get3A_1121 = tpu.vector_load %arg9[%get3A_1119, %get3A_1120] {strides = array<i32>} : memref<16x512xf32, #tpu.memory_space<vmem>>, vector<16xf32>,
      %add3A_1122 = arith.addf %add3A_1117, %get3A_1121 : vector<16xf32>
      %get3A_1123 = arith.constant 13 : i32
      %get3A_1124 = arith.index_cast %get3A_1123 : i32 to index
      %get3A_1125 = arith.constant 176 : index
      %get3A_1126 = tpu.vector_load %arg9[%get3A_1124, %get3A_1125] {strides = array<i32>} : memref<16x512xf32, #tpu.memory_space<vmem>>, vector<16xf32>,
      %add3A_1127 = arith.addf %add3A_1122, %get3A_1126 : vector<16xf32>
      %get3A_1128 = arith.constant 14 : i32
      %get3A_1129 = arith.index_cast %get3A_1128 : i32 to index
      %get3A_1130 = arith.constant 176 : index
      %get3A_1131 = tpu.vector_load %arg9[%get3A_1129, %get3A_1130] {strides = array<i32>} : memref<16x512xf32, #tpu.memory_space<vmem>>, vector<16xf32>,
      %add3A_1132 = arith.addf %add3A_1127, %get3A_1131 : vector<16xf32>
      %get3A_1133 = arith.constant 15 : i32
      %get3A_1134 = arith.index_cast %get3A_1133 : i32 to index
      %get3A_1135 = arith.constant 176 : index
      %get3A_1136 = tpu.vector_load %arg9[%get3A_1134, %get3A_1135] {strides = array<i32>} : memref<16x512xf32, #tpu.memory_space<vmem>>, vector<16xf32>,
      %add3A_1137 = arith.addf %add3A_1132, %get3A_1136 : vector<16xf32>
      %reduce_sum3A_1138 = arith.constant true
      %reduce_sum3A_1139 = vector.broadcast %reduce_sum3A_1138 : i1 to vector<16xi1>
      %reduce_sum3A_1140 = tpu.scan <sum>, %add3A_1137 masked %reduce_sum3A_1139 : vector<16xf32>, vector<16xi1> -> vector<16xf32>
      %reduce_sum3A_1141 = vector.extract %reduce_sum3A_1140[15] : f32 from vector<16xf32>
      %abs3A_1142 = math.absf %reduce_sum3A_1141 : f32
      %add3A_1143 = arith.addf %add3A_1055, %abs3A_1142 : f32
      %broadcast_in_dim3A_1144 = arith.constant 0.000000e+00 : f32
      %broadcast_in_dim3A_1145 = vector.broadcast %broadcast_in_dim3A_1144 : f32 to vector<16xf32>
      %get3A_1146 = arith.constant 0 : i32
      %get3A_1147 = arith.index_cast %get3A_1146 : i32 to index
      %get3A_1148 = arith.constant 192 : index
      %get3A_1149 = tpu.vector_load %arg9[%get3A_1147, %get3A_1148] {strides = array<i32>} : memref<16x512xf32, #tpu.memory_space<vmem>>, vector<16xf32>,
      %add3A_1150 = arith.addf %broadcast_in_dim3A_1145, %get3A_1149 : vector<16xf32>
      %get3A_1151 = arith.constant 1 : i32
      %get3A_1152 = arith.index_cast %get3A_1151 : i32 to index
      %get3A_1153 = arith.constant 192 : index
      %get3A_1154 = tpu.vector_load %arg9[%get3A_1152, %get3A_1153] {strides = array<i32>} : memref<16x512xf32, #tpu.memory_space<vmem>>, vector<16xf32>,
      %add3A_1155 = arith.addf %add3A_1150, %get3A_1154 : vector<16xf32>
      %get3A_1156 = arith.constant 2 : i32
      %get3A_1157 = arith.index_cast %get3A_1156 : i32 to index
      %get3A_1158 = arith.constant 192 : index
      %get3A_1159 = tpu.vector_load %arg9[%get3A_1157, %get3A_1158] {strides = array<i32>} : memref<16x512xf32, #tpu.memory_space<vmem>>, vector<16xf32>,
      %add3A_1160 = arith.addf %add3A_1155, %get3A_1159 : vector<16xf32>
      %get3A_1161 = arith.constant 3 : i32
      %get3A_1162 = arith.index_cast %get3A_1161 : i32 to index
      %get3A_1163 = arith.constant 192 : index
      %get3A_1164 = tpu.vector_load %arg9[%get3A_1162, %get3A_1163] {strides = array<i32>} : memref<16x512xf32, #tpu.memory_space<vmem>>, vector<16xf32>,
      %add3A_1165 = arith.addf %add3A_1160, %get3A_1164 : vector<16xf32>
      %get3A_1166 = arith.constant 4 : i32
      %get3A_1167 = arith.index_cast %get3A_1166 : i32 to index
      %get3A_1168 = arith.constant 192 : index
      %get3A_1169 = tpu.vector_load %arg9[%get3A_1167, %get3A_1168] {strides = array<i32>} : memref<16x512xf32, #tpu.memory_space<vmem>>, vector<16xf32>,
      %add3A_1170 = arith.addf %add3A_1165, %get3A_1169 : vector<16xf32>
      %get3A_1171 = arith.constant 5 : i32
      %get3A_1172 = arith.index_cast %get3A_1171 : i32 to index
      %get3A_1173 = arith.constant 192 : index
      %get3A_1174 = tpu.vector_load %arg9[%get3A_1172, %get3A_1173] {strides = array<i32>} : memref<16x512xf32, #tpu.memory_space<vmem>>, vector<16xf32>,
      %add3A_1175 = arith.addf %add3A_1170, %get3A_1174 : vector<16xf32>
      %get3A_1176 = arith.constant 6 : i32
      %get3A_1177 = arith.index_cast %get3A_1176 : i32 to index
      %get3A_1178 = arith.constant 192 : index
      %get3A_1179 = tpu.vector_load %arg9[%get3A_1177, %get3A_1178] {strides = array<i32>} : memref<16x512xf32, #tpu.memory_space<vmem>>, vector<16xf32>,
      %add3A_1180 = arith.addf %add3A_1175, %get3A_1179 : vector<16xf32>
      %get3A_1181 = arith.constant 7 : i32
      %get3A_1182 = arith.index_cast %get3A_1181 : i32 to index
      %get3A_1183 = arith.constant 192 : index
      %get3A_1184 = tpu.vector_load %arg9[%get3A_1182, %get3A_1183] {strides = array<i32>} : memref<16x512xf32, #tpu.memory_space<vmem>>, vector<16xf32>,
      %add3A_1185 = arith.addf %add3A_1180, %get3A_1184 : vector<16xf32>
      %get3A_1186 = arith.constant 8 : i32
      %get3A_1187 = arith.index_cast %get3A_1186 : i32 to index
      %get3A_1188 = arith.constant 192 : index
      %get3A_1189 = tpu.vector_load %arg9[%get3A_1187, %get3A_1188] {strides = array<i32>} : memref<16x512xf32, #tpu.memory_space<vmem>>, vector<16xf32>,
      %add3A_1190 = arith.addf %add3A_1185, %get3A_1189 : vector<16xf32>
      %get3A_1191 = arith.constant 9 : i32
      %get3A_1192 = arith.index_cast %get3A_1191 : i32 to index
      %get3A_1193 = arith.constant 192 : index
      %get3A_1194 = tpu.vector_load %arg9[%get3A_1192, %get3A_1193] {strides = array<i32>} : memref<16x512xf32, #tpu.memory_space<vmem>>, vector<16xf32>,
      %add3A_1195 = arith.addf %add3A_1190, %get3A_1194 : vector<16xf32>
      %get3A_1196 = arith.constant 10 : i32
      %get3A_1197 = arith.index_cast %get3A_1196 : i32 to index
      %get3A_1198 = arith.constant 192 : index
      %get3A_1199 = tpu.vector_load %arg9[%get3A_1197, %get3A_1198] {strides = array<i32>} : memref<16x512xf32, #tpu.memory_space<vmem>>, vector<16xf32>,
      %add3A_1200 = arith.addf %add3A_1195, %get3A_1199 : vector<16xf32>
      %get3A_1201 = arith.constant 11 : i32
      %get3A_1202 = arith.index_cast %get3A_1201 : i32 to index
      %get3A_1203 = arith.constant 192 : index
      %get3A_1204 = tpu.vector_load %arg9[%get3A_1202, %get3A_1203] {strides = array<i32>} : memref<16x512xf32, #tpu.memory_space<vmem>>, vector<16xf32>,
      %add3A_1205 = arith.addf %add3A_1200, %get3A_1204 : vector<16xf32>
      %get3A_1206 = arith.constant 12 : i32
      %get3A_1207 = arith.index_cast %get3A_1206 : i32 to index
      %get3A_1208 = arith.constant 192 : index
      %get3A_1209 = tpu.vector_load %arg9[%get3A_1207, %get3A_1208] {strides = array<i32>} : memref<16x512xf32, #tpu.memory_space<vmem>>, vector<16xf32>,
      %add3A_1210 = arith.addf %add3A_1205, %get3A_1209 : vector<16xf32>
      %get3A_1211 = arith.constant 13 : i32
      %get3A_1212 = arith.index_cast %get3A_1211 : i32 to index
      %get3A_1213 = arith.constant 192 : index
      %get3A_1214 = tpu.vector_load %arg9[%get3A_1212, %get3A_1213] {strides = array<i32>} : memref<16x512xf32, #tpu.memory_space<vmem>>, vector<16xf32>,
      %add3A_1215 = arith.addf %add3A_1210, %get3A_1214 : vector<16xf32>
      %get3A_1216 = arith.constant 14 : i32
      %get3A_1217 = arith.index_cast %get3A_1216 : i32 to index
      %get3A_1218 = arith.constant 192 : index
      %get3A_1219 = tpu.vector_load %arg9[%get3A_1217, %get3A_1218] {strides = array<i32>} : memref<16x512xf32, #tpu.memory_space<vmem>>, vector<16xf32>,
      %add3A_1220 = arith.addf %add3A_1215, %get3A_1219 : vector<16xf32>
      %get3A_1221 = arith.constant 15 : i32
      %get3A_1222 = arith.index_cast %get3A_1221 : i32 to index
      %get3A_1223 = arith.constant 192 : index
      %get3A_1224 = tpu.vector_load %arg9[%get3A_1222, %get3A_1223] {strides = array<i32>} : memref<16x512xf32, #tpu.memory_space<vmem>>, vector<16xf32>,
      %add3A_1225 = arith.addf %add3A_1220, %get3A_1224 : vector<16xf32>
      %reduce_sum3A_1226 = arith.constant true
      %reduce_sum3A_1227 = vector.broadcast %reduce_sum3A_1226 : i1 to vector<16xi1>
      %reduce_sum3A_1228 = tpu.scan <sum>, %add3A_1225 masked %reduce_sum3A_1227 : vector<16xf32>, vector<16xi1> -> vector<16xf32>
      %reduce_sum3A_1229 = vector.extract %reduce_sum3A_1228[15] : f32 from vector<16xf32>
      %abs3A_1230 = math.absf %reduce_sum3A_1229 : f32
      %add3A_1231 = arith.addf %add3A_1143, %abs3A_1230 : f32
      %broadcast_in_dim3A_1232 = arith.constant 0.000000e+00 : f32
      %broadcast_in_dim3A_1233 = vector.broadcast %broadcast_in_dim3A_1232 : f32 to vector<16xf32>
      %get3A_1234 = arith.constant 0 : i32
      %get3A_1235 = arith.index_cast %get3A_1234 : i32 to index
      %get3A_1236 = arith.constant 208 : index
      %get3A_1237 = tpu.vector_load %arg9[%get3A_1235, %get3A_1236] {strides = array<i32>} : memref<16x512xf32, #tpu.memory_space<vmem>>, vector<16xf32>,
      %add3A_1238 = arith.addf %broadcast_in_dim3A_1233, %get3A_1237 : vector<16xf32>
      %get3A_1239 = arith.constant 1 : i32
      %get3A_1240 = arith.index_cast %get3A_1239 : i32 to index
      %get3A_1241 = arith.constant 208 : index
      %get3A_1242 = tpu.vector_load %arg9[%get3A_1240, %get3A_1241] {strides = array<i32>} : memref<16x512xf32, #tpu.memory_space<vmem>>, vector<16xf32>,
      %add3A_1243 = arith.addf %add3A_1238, %get3A_1242 : vector<16xf32>
      %get3A_1244 = arith.constant 2 : i32
      %get3A_1245 = arith.index_cast %get3A_1244 : i32 to index
      %get3A_1246 = arith.constant 208 : index
      %get3A_1247 = tpu.vector_load %arg9[%get3A_1245, %get3A_1246] {strides = array<i32>} : memref<16x512xf32, #tpu.memory_space<vmem>>, vector<16xf32>,
      %add3A_1248 = arith.addf %add3A_1243, %get3A_1247 : vector<16xf32>
      %get3A_1249 = arith.constant 3 : i32
      %get3A_1250 = arith.index_cast %get3A_1249 : i32 to index
      %get3A_1251 = arith.constant 208 : index
      %get3A_1252 = tpu.vector_load %arg9[%get3A_1250, %get3A_1251] {strides = array<i32>} : memref<16x512xf32, #tpu.memory_space<vmem>>, vector<16xf32>,
      %add3A_1253 = arith.addf %add3A_1248, %get3A_1252 : vector<16xf32>
      %get3A_1254 = arith.constant 4 : i32
      %get3A_1255 = arith.index_cast %get3A_1254 : i32 to index
      %get3A_1256 = arith.constant 208 : index
      %get3A_1257 = tpu.vector_load %arg9[%get3A_1255, %get3A_1256] {strides = array<i32>} : memref<16x512xf32, #tpu.memory_space<vmem>>, vector<16xf32>,
      %add3A_1258 = arith.addf %add3A_1253, %get3A_1257 : vector<16xf32>
      %get3A_1259 = arith.constant 5 : i32
      %get3A_1260 = arith.index_cast %get3A_1259 : i32 to index
      %get3A_1261 = arith.constant 208 : index
      %get3A_1262 = tpu.vector_load %arg9[%get3A_1260, %get3A_1261] {strides = array<i32>} : memref<16x512xf32, #tpu.memory_space<vmem>>, vector<16xf32>,
      %add3A_1263 = arith.addf %add3A_1258, %get3A_1262 : vector<16xf32>
      %get3A_1264 = arith.constant 6 : i32
      %get3A_1265 = arith.index_cast %get3A_1264 : i32 to index
      %get3A_1266 = arith.constant 208 : index
      %get3A_1267 = tpu.vector_load %arg9[%get3A_1265, %get3A_1266] {strides = array<i32>} : memref<16x512xf32, #tpu.memory_space<vmem>>, vector<16xf32>,
      %add3A_1268 = arith.addf %add3A_1263, %get3A_1267 : vector<16xf32>
      %get3A_1269 = arith.constant 7 : i32
      %get3A_1270 = arith.index_cast %get3A_1269 : i32 to index
      %get3A_1271 = arith.constant 208 : index
      %get3A_1272 = tpu.vector_load %arg9[%get3A_1270, %get3A_1271] {strides = array<i32>} : memref<16x512xf32, #tpu.memory_space<vmem>>, vector<16xf32>,
      %add3A_1273 = arith.addf %add3A_1268, %get3A_1272 : vector<16xf32>
      %get3A_1274 = arith.constant 8 : i32
      %get3A_1275 = arith.index_cast %get3A_1274 : i32 to index
      %get3A_1276 = arith.constant 208 : index
      %get3A_1277 = tpu.vector_load %arg9[%get3A_1275, %get3A_1276] {strides = array<i32>} : memref<16x512xf32, #tpu.memory_space<vmem>>, vector<16xf32>,
      %add3A_1278 = arith.addf %add3A_1273, %get3A_1277 : vector<16xf32>
      %get3A_1279 = arith.constant 9 : i32
      %get3A_1280 = arith.index_cast %get3A_1279 : i32 to index
      %get3A_1281 = arith.constant 208 : index
      %get3A_1282 = tpu.vector_load %arg9[%get3A_1280, %get3A_1281] {strides = array<i32>} : memref<16x512xf32, #tpu.memory_space<vmem>>, vector<16xf32>,
      %add3A_1283 = arith.addf %add3A_1278, %get3A_1282 : vector<16xf32>
      %get3A_1284 = arith.constant 10 : i32
      %get3A_1285 = arith.index_cast %get3A_1284 : i32 to index
      %get3A_1286 = arith.constant 208 : index
      %get3A_1287 = tpu.vector_load %arg9[%get3A_1285, %get3A_1286] {strides = array<i32>} : memref<16x512xf32, #tpu.memory_space<vmem>>, vector<16xf32>,
      %add3A_1288 = arith.addf %add3A_1283, %get3A_1287 : vector<16xf32>
      %get3A_1289 = arith.constant 11 : i32
      %get3A_1290 = arith.index_cast %get3A_1289 : i32 to index
      %get3A_1291 = arith.constant 208 : index
      %get3A_1292 = tpu.vector_load %arg9[%get3A_1290, %get3A_1291] {strides = array<i32>} : memref<16x512xf32, #tpu.memory_space<vmem>>, vector<16xf32>,
      %add3A_1293 = arith.addf %add3A_1288, %get3A_1292 : vector<16xf32>
      %get3A_1294 = arith.constant 12 : i32
      %get3A_1295 = arith.index_cast %get3A_1294 : i32 to index
      %get3A_1296 = arith.constant 208 : index
      %get3A_1297 = tpu.vector_load %arg9[%get3A_1295, %get3A_1296] {strides = array<i32>} : memref<16x512xf32, #tpu.memory_space<vmem>>, vector<16xf32>,
      %add3A_1298 = arith.addf %add3A_1293, %get3A_1297 : vector<16xf32>
      %get3A_1299 = arith.constant 13 : i32
      %get3A_1300 = arith.index_cast %get3A_1299 : i32 to index
      %get3A_1301 = arith.constant 208 : index
      %get3A_1302 = tpu.vector_load %arg9[%get3A_1300, %get3A_1301] {strides = array<i32>} : memref<16x512xf32, #tpu.memory_space<vmem>>, vector<16xf32>,
      %add3A_1303 = arith.addf %add3A_1298, %get3A_1302 : vector<16xf32>
      %get3A_1304 = arith.constant 14 : i32
      %get3A_1305 = arith.index_cast %get3A_1304 : i32 to index
      %get3A_1306 = arith.constant 208 : index
      %get3A_1307 = tpu.vector_load %arg9[%get3A_1305, %get3A_1306] {strides = array<i32>} : memref<16x512xf32, #tpu.memory_space<vmem>>, vector<16xf32>,
      %add3A_1308 = arith.addf %add3A_1303, %get3A_1307 : vector<16xf32>
      %get3A_1309 = arith.constant 15 : i32
      %get3A_1310 = arith.index_cast %get3A_1309 : i32 to index
      %get3A_1311 = arith.constant 208 : index
      %get3A_1312 = tpu.vector_load %arg9[%get3A_1310, %get3A_1311] {strides = array<i32>} : memref<16x512xf32, #tpu.memory_space<vmem>>, vector<16xf32>,
      %add3A_1313 = arith.addf %add3A_1308, %get3A_1312 : vector<16xf32>
      %reduce_sum3A_1314 = arith.constant true
      %reduce_sum3A_1315 = vector.broadcast %reduce_sum3A_1314 : i1 to vector<16xi1>
      %reduce_sum3A_1316 = tpu.scan <sum>, %add3A_1313 masked %reduce_sum3A_1315 : vector<16xf32>, vector<16xi1> -> vector<16xf32>
      %reduce_sum3A_1317 = vector.extract %reduce_sum3A_1316[15] : f32 from vector<16xf32>
      %abs3A_1318 = math.absf %reduce_sum3A_1317 : f32
      %add3A_1319 = arith.addf %add3A_1231, %abs3A_1318 : f32
      %broadcast_in_dim3A_1320 = arith.constant 0.000000e+00 : f32
      %broadcast_in_dim3A_1321 = vector.broadcast %broadcast_in_dim3A_1320 : f32 to vector<16xf32>
      %get3A_1322 = arith.constant 0 : i32
      %get3A_1323 = arith.index_cast %get3A_1322 : i32 to index
      %get3A_1324 = arith.constant 224 : index
      %get3A_1325 = tpu.vector_load %arg9[%get3A_1323, %get3A_1324] {strides = array<i32>} : memref<16x512xf32, #tpu.memory_space<vmem>>, vector<16xf32>,
      %add3A_1326 = arith.addf %broadcast_in_dim3A_1321, %get3A_1325 : vector<16xf32>
      %get3A_1327 = arith.constant 1 : i32
      %get3A_1328 = arith.index_cast %get3A_1327 : i32 to index
      %get3A_1329 = arith.constant 224 : index
      %get3A_1330 = tpu.vector_load %arg9[%get3A_1328, %get3A_1329] {strides = array<i32>} : memref<16x512xf32, #tpu.memory_space<vmem>>, vector<16xf32>,
      %add3A_1331 = arith.addf %add3A_1326, %get3A_1330 : vector<16xf32>
      %get3A_1332 = arith.constant 2 : i32
      %get3A_1333 = arith.index_cast %get3A_1332 : i32 to index
      %get3A_1334 = arith.constant 224 : index
      %get3A_1335 = tpu.vector_load %arg9[%get3A_1333, %get3A_1334] {strides = array<i32>} : memref<16x512xf32, #tpu.memory_space<vmem>>, vector<16xf32>,
      %add3A_1336 = arith.addf %add3A_1331, %get3A_1335 : vector<16xf32>
      %get3A_1337 = arith.constant 3 : i32
      %get3A_1338 = arith.index_cast %get3A_1337 : i32 to index
      %get3A_1339 = arith.constant 224 : index
      %get3A_1340 = tpu.vector_load %arg9[%get3A_1338, %get3A_1339] {strides = array<i32>} : memref<16x512xf32, #tpu.memory_space<vmem>>, vector<16xf32>,
      %add3A_1341 = arith.addf %add3A_1336, %get3A_1340 : vector<16xf32>
      %get3A_1342 = arith.constant 4 : i32
      %get3A_1343 = arith.index_cast %get3A_1342 : i32 to index
      %get3A_1344 = arith.constant 224 : index
      %get3A_1345 = tpu.vector_load %arg9[%get3A_1343, %get3A_1344] {strides = array<i32>} : memref<16x512xf32, #tpu.memory_space<vmem>>, vector<16xf32>,
      %add3A_1346 = arith.addf %add3A_1341, %get3A_1345 : vector<16xf32>
      %get3A_1347 = arith.constant 5 : i32
      %get3A_1348 = arith.index_cast %get3A_1347 : i32 to index
      %get3A_1349 = arith.constant 224 : index
      %get3A_1350 = tpu.vector_load %arg9[%get3A_1348, %get3A_1349] {strides = array<i32>} : memref<16x512xf32, #tpu.memory_space<vmem>>, vector<16xf32>,
      %add3A_1351 = arith.addf %add3A_1346, %get3A_1350 : vector<16xf32>
      %get3A_1352 = arith.constant 6 : i32
      %get3A_1353 = arith.index_cast %get3A_1352 : i32 to index
      %get3A_1354 = arith.constant 224 : index
      %get3A_1355 = tpu.vector_load %arg9[%get3A_1353, %get3A_1354] {strides = array<i32>} : memref<16x512xf32, #tpu.memory_space<vmem>>, vector<16xf32>,
      %add3A_1356 = arith.addf %add3A_1351, %get3A_1355 : vector<16xf32>
      %get3A_1357 = arith.constant 7 : i32
      %get3A_1358 = arith.index_cast %get3A_1357 : i32 to index
      %get3A_1359 = arith.constant 224 : index
      %get3A_1360 = tpu.vector_load %arg9[%get3A_1358, %get3A_1359] {strides = array<i32>} : memref<16x512xf32, #tpu.memory_space<vmem>>, vector<16xf32>,
      %add3A_1361 = arith.addf %add3A_1356, %get3A_1360 : vector<16xf32>
      %get3A_1362 = arith.constant 8 : i32
      %get3A_1363 = arith.index_cast %get3A_1362 : i32 to index
      %get3A_1364 = arith.constant 224 : index
      %get3A_1365 = tpu.vector_load %arg9[%get3A_1363, %get3A_1364] {strides = array<i32>} : memref<16x512xf32, #tpu.memory_space<vmem>>, vector<16xf32>,
      %add3A_1366 = arith.addf %add3A_1361, %get3A_1365 : vector<16xf32>
      %get3A_1367 = arith.constant 9 : i32
      %get3A_1368 = arith.index_cast %get3A_1367 : i32 to index
      %get3A_1369 = arith.constant 224 : index
      %get3A_1370 = tpu.vector_load %arg9[%get3A_1368, %get3A_1369] {strides = array<i32>} : memref<16x512xf32, #tpu.memory_space<vmem>>, vector<16xf32>,
      %add3A_1371 = arith.addf %add3A_1366, %get3A_1370 : vector<16xf32>
      %get3A_1372 = arith.constant 10 : i32
      %get3A_1373 = arith.index_cast %get3A_1372 : i32 to index
      %get3A_1374 = arith.constant 224 : index
      %get3A_1375 = tpu.vector_load %arg9[%get3A_1373, %get3A_1374] {strides = array<i32>} : memref<16x512xf32, #tpu.memory_space<vmem>>, vector<16xf32>,
      %add3A_1376 = arith.addf %add3A_1371, %get3A_1375 : vector<16xf32>
      %get3A_1377 = arith.constant 11 : i32
      %get3A_1378 = arith.index_cast %get3A_1377 : i32 to index
      %get3A_1379 = arith.constant 224 : index
      %get3A_1380 = tpu.vector_load %arg9[%get3A_1378, %get3A_1379] {strides = array<i32>} : memref<16x512xf32, #tpu.memory_space<vmem>>, vector<16xf32>,
      %add3A_1381 = arith.addf %add3A_1376, %get3A_1380 : vector<16xf32>
      %get3A_1382 = arith.constant 12 : i32
      %get3A_1383 = arith.index_cast %get3A_1382 : i32 to index
      %get3A_1384 = arith.constant 224 : index
      %get3A_1385 = tpu.vector_load %arg9[%get3A_1383, %get3A_1384] {strides = array<i32>} : memref<16x512xf32, #tpu.memory_space<vmem>>, vector<16xf32>,
      %add3A_1386 = arith.addf %add3A_1381, %get3A_1385 : vector<16xf32>
      %get3A_1387 = arith.constant 13 : i32
      %get3A_1388 = arith.index_cast %get3A_1387 : i32 to index
      %get3A_1389 = arith.constant 224 : index
      %get3A_1390 = tpu.vector_load %arg9[%get3A_1388, %get3A_1389] {strides = array<i32>} : memref<16x512xf32, #tpu.memory_space<vmem>>, vector<16xf32>,
      %add3A_1391 = arith.addf %add3A_1386, %get3A_1390 : vector<16xf32>
      %get3A_1392 = arith.constant 14 : i32
      %get3A_1393 = arith.index_cast %get3A_1392 : i32 to index
      %get3A_1394 = arith.constant 224 : index
      %get3A_1395 = tpu.vector_load %arg9[%get3A_1393, %get3A_1394] {strides = array<i32>} : memref<16x512xf32, #tpu.memory_space<vmem>>, vector<16xf32>,
      %add3A_1396 = arith.addf %add3A_1391, %get3A_1395 : vector<16xf32>
      %get3A_1397 = arith.constant 15 : i32
      %get3A_1398 = arith.index_cast %get3A_1397 : i32 to index
      %get3A_1399 = arith.constant 224 : index
      %get3A_1400 = tpu.vector_load %arg9[%get3A_1398, %get3A_1399] {strides = array<i32>} : memref<16x512xf32, #tpu.memory_space<vmem>>, vector<16xf32>,
      %add3A_1401 = arith.addf %add3A_1396, %get3A_1400 : vector<16xf32>
      %reduce_sum3A_1402 = arith.constant true
      %reduce_sum3A_1403 = vector.broadcast %reduce_sum3A_1402 : i1 to vector<16xi1>
      %reduce_sum3A_1404 = tpu.scan <sum>, %add3A_1401 masked %reduce_sum3A_1403 : vector<16xf32>, vector<16xi1> -> vector<16xf32>
      %reduce_sum3A_1405 = vector.extract %reduce_sum3A_1404[15] : f32 from vector<16xf32>
      %abs3A_1406 = math.absf %reduce_sum3A_1405 : f32
      %add3A_1407 = arith.addf %add3A_1319, %abs3A_1406 : f32
      %broadcast_in_dim3A_1408 = arith.constant 0.000000e+00 : f32
      %broadcast_in_dim3A_1409 = vector.broadcast %broadcast_in_dim3A_1408 : f32 to vector<16xf32>
      %get3A_1410 = arith.constant 0 : i32
      %get3A_1411 = arith.index_cast %get3A_1410 : i32 to index
      %get3A_1412 = arith.constant 240 : index
      %get3A_1413 = tpu.vector_load %arg9[%get3A_1411, %get3A_1412] {strides = array<i32>} : memref<16x512xf32, #tpu.memory_space<vmem>>, vector<16xf32>,
      %add3A_1414 = arith.addf %broadcast_in_dim3A_1409, %get3A_1413 : vector<16xf32>
      %get3A_1415 = arith.constant 1 : i32
      %get3A_1416 = arith.index_cast %get3A_1415 : i32 to index
      %get3A_1417 = arith.constant 240 : index
      %get3A_1418 = tpu.vector_load %arg9[%get3A_1416, %get3A_1417] {strides = array<i32>} : memref<16x512xf32, #tpu.memory_space<vmem>>, vector<16xf32>,
      %add3A_1419 = arith.addf %add3A_1414, %get3A_1418 : vector<16xf32>
      %get3A_1420 = arith.constant 2 : i32
      %get3A_1421 = arith.index_cast %get3A_1420 : i32 to index
      %get3A_1422 = arith.constant 240 : index
      %get3A_1423 = tpu.vector_load %arg9[%get3A_1421, %get3A_1422] {strides = array<i32>} : memref<16x512xf32, #tpu.memory_space<vmem>>, vector<16xf32>,
      %add3A_1424 = arith.addf %add3A_1419, %get3A_1423 : vector<16xf32>
      %get3A_1425 = arith.constant 3 : i32
      %get3A_1426 = arith.index_cast %get3A_1425 : i32 to index
      %get3A_1427 = arith.constant 240 : index
      %get3A_1428 = tpu.vector_load %arg9[%get3A_1426, %get3A_1427] {strides = array<i32>} : memref<16x512xf32, #tpu.memory_space<vmem>>, vector<16xf32>,
      %add3A_1429 = arith.addf %add3A_1424, %get3A_1428 : vector<16xf32>
      %get3A_1430 = arith.constant 4 : i32
      %get3A_1431 = arith.index_cast %get3A_1430 : i32 to index
      %get3A_1432 = arith.constant 240 : index
      %get3A_1433 = tpu.vector_load %arg9[%get3A_1431, %get3A_1432] {strides = array<i32>} : memref<16x512xf32, #tpu.memory_space<vmem>>, vector<16xf32>,
      %add3A_1434 = arith.addf %add3A_1429, %get3A_1433 : vector<16xf32>
      %get3A_1435 = arith.constant 5 : i32
      %get3A_1436 = arith.index_cast %get3A_1435 : i32 to index
      %get3A_1437 = arith.constant 240 : index
      %get3A_1438 = tpu.vector_load %arg9[%get3A_1436, %get3A_1437] {strides = array<i32>} : memref<16x512xf32, #tpu.memory_space<vmem>>, vector<16xf32>,
      %add3A_1439 = arith.addf %add3A_1434, %get3A_1438 : vector<16xf32>
      %get3A_1440 = arith.constant 6 : i32
      %get3A_1441 = arith.index_cast %get3A_1440 : i32 to index
      %get3A_1442 = arith.constant 240 : index
      %get3A_1443 = tpu.vector_load %arg9[%get3A_1441, %get3A_1442] {strides = array<i32>} : memref<16x512xf32, #tpu.memory_space<vmem>>, vector<16xf32>,
      %add3A_1444 = arith.addf %add3A_1439, %get3A_1443 : vector<16xf32>
      %get3A_1445 = arith.constant 7 : i32
      %get3A_1446 = arith.index_cast %get3A_1445 : i32 to index
      %get3A_1447 = arith.constant 240 : index
      %get3A_1448 = tpu.vector_load %arg9[%get3A_1446, %get3A_1447] {strides = array<i32>} : memref<16x512xf32, #tpu.memory_space<vmem>>, vector<16xf32>,
      %add3A_1449 = arith.addf %add3A_1444, %get3A_1448 : vector<16xf32>
      %get3A_1450 = arith.constant 8 : i32
      %get3A_1451 = arith.index_cast %get3A_1450 : i32 to index
      %get3A_1452 = arith.constant 240 : index
      %get3A_1453 = tpu.vector_load %arg9[%get3A_1451, %get3A_1452] {strides = array<i32>} : memref<16x512xf32, #tpu.memory_space<vmem>>, vector<16xf32>,
      %add3A_1454 = arith.addf %add3A_1449, %get3A_1453 : vector<16xf32>
      %get3A_1455 = arith.constant 9 : i32
      %get3A_1456 = arith.index_cast %get3A_1455 : i32 to index
      %get3A_1457 = arith.constant 240 : index
      %get3A_1458 = tpu.vector_load %arg9[%get3A_1456, %get3A_1457] {strides = array<i32>} : memref<16x512xf32, #tpu.memory_space<vmem>>, vector<16xf32>,
      %add3A_1459 = arith.addf %add3A_1454, %get3A_1458 : vector<16xf32>
      %get3A_1460 = arith.constant 10 : i32
      %get3A_1461 = arith.index_cast %get3A_1460 : i32 to index
      %get3A_1462 = arith.constant 240 : index
      %get3A_1463 = tpu.vector_load %arg9[%get3A_1461, %get3A_1462] {strides = array<i32>} : memref<16x512xf32, #tpu.memory_space<vmem>>, vector<16xf32>,
      %add3A_1464 = arith.addf %add3A_1459, %get3A_1463 : vector<16xf32>
      %get3A_1465 = arith.constant 11 : i32
      %get3A_1466 = arith.index_cast %get3A_1465 : i32 to index
      %get3A_1467 = arith.constant 240 : index
      %get3A_1468 = tpu.vector_load %arg9[%get3A_1466, %get3A_1467] {strides = array<i32>} : memref<16x512xf32, #tpu.memory_space<vmem>>, vector<16xf32>,
      %add3A_1469 = arith.addf %add3A_1464, %get3A_1468 : vector<16xf32>
      %get3A_1470 = arith.constant 12 : i32
      %get3A_1471 = arith.index_cast %get3A_1470 : i32 to index
      %get3A_1472 = arith.constant 240 : index
      %get3A_1473 = tpu.vector_load %arg9[%get3A_1471, %get3A_1472] {strides = array<i32>} : memref<16x512xf32, #tpu.memory_space<vmem>>, vector<16xf32>,
      %add3A_1474 = arith.addf %add3A_1469, %get3A_1473 : vector<16xf32>
      %get3A_1475 = arith.constant 13 : i32
      %get3A_1476 = arith.index_cast %get3A_1475 : i32 to index
      %get3A_1477 = arith.constant 240 : index
      %get3A_1478 = tpu.vector_load %arg9[%get3A_1476, %get3A_1477] {strides = array<i32>} : memref<16x512xf32, #tpu.memory_space<vmem>>, vector<16xf32>,
      %add3A_1479 = arith.addf %add3A_1474, %get3A_1478 : vector<16xf32>
      %get3A_1480 = arith.constant 14 : i32
      %get3A_1481 = arith.index_cast %get3A_1480 : i32 to index
      %get3A_1482 = arith.constant 240 : index
      %get3A_1483 = tpu.vector_load %arg9[%get3A_1481, %get3A_1482] {strides = array<i32>} : memref<16x512xf32, #tpu.memory_space<vmem>>, vector<16xf32>,
      %add3A_1484 = arith.addf %add3A_1479, %get3A_1483 : vector<16xf32>
      %get3A_1485 = arith.constant 15 : i32
      %get3A_1486 = arith.index_cast %get3A_1485 : i32 to index
      %get3A_1487 = arith.constant 240 : index
      %get3A_1488 = tpu.vector_load %arg9[%get3A_1486, %get3A_1487] {strides = array<i32>} : memref<16x512xf32, #tpu.memory_space<vmem>>, vector<16xf32>,
      %add3A_1489 = arith.addf %add3A_1484, %get3A_1488 : vector<16xf32>
      %reduce_sum3A_1490 = arith.constant true
      %reduce_sum3A_1491 = vector.broadcast %reduce_sum3A_1490 : i1 to vector<16xi1>
      %reduce_sum3A_1492 = tpu.scan <sum>, %add3A_1489 masked %reduce_sum3A_1491 : vector<16xf32>, vector<16xi1> -> vector<16xf32>
      %reduce_sum3A_1493 = vector.extract %reduce_sum3A_1492[15] : f32 from vector<16xf32>
      %abs3A_1494 = math.absf %reduce_sum3A_1493 : f32
      %add3A_1495 = arith.addf %add3A_1407, %abs3A_1494 : f32
      %broadcast_in_dim3A_1496 = arith.constant 0.000000e+00 : f32
      %broadcast_in_dim3A_1497 = vector.broadcast %broadcast_in_dim3A_1496 : f32 to vector<16xf32>
      %get3A_1498 = arith.constant 0 : i32
      %get3A_1499 = arith.index_cast %get3A_1498 : i32 to index
      %get3A_1500 = arith.constant 256 : index
      %get3A_1501 = tpu.vector_load %arg9[%get3A_1499, %get3A_1500] {strides = array<i32>} : memref<16x512xf32, #tpu.memory_space<vmem>>, vector<16xf32>,
      %add3A_1502 = arith.addf %broadcast_in_dim3A_1497, %get3A_1501 : vector<16xf32>
      %get3A_1503 = arith.constant 1 : i32
      %get3A_1504 = arith.index_cast %get3A_1503 : i32 to index
      %get3A_1505 = arith.constant 256 : index
      %get3A_1506 = tpu.vector_load %arg9[%get3A_1504, %get3A_1505] {strides = array<i32>} : memref<16x512xf32, #tpu.memory_space<vmem>>, vector<16xf32>,
      %add3A_1507 = arith.addf %add3A_1502, %get3A_1506 : vector<16xf32>
      %get3A_1508 = arith.constant 2 : i32
      %get3A_1509 = arith.index_cast %get3A_1508 : i32 to index
      %get3A_1510 = arith.constant 256 : index
      %get3A_1511 = tpu.vector_load %arg9[%get3A_1509, %get3A_1510] {strides = array<i32>} : memref<16x512xf32, #tpu.memory_space<vmem>>, vector<16xf32>,
      %add3A_1512 = arith.addf %add3A_1507, %get3A_1511 : vector<16xf32>
      %get3A_1513 = arith.constant 3 : i32
      %get3A_1514 = arith.index_cast %get3A_1513 : i32 to index
      %get3A_1515 = arith.constant 256 : index
      %get3A_1516 = tpu.vector_load %arg9[%get3A_1514, %get3A_1515] {strides = array<i32>} : memref<16x512xf32, #tpu.memory_space<vmem>>, vector<16xf32>,
      %add3A_1517 = arith.addf %add3A_1512, %get3A_1516 : vector<16xf32>
      %get3A_1518 = arith.constant 4 : i32
      %get3A_1519 = arith.index_cast %get3A_1518 : i32 to index
      %get3A_1520 = arith.constant 256 : index
      %get3A_1521 = tpu.vector_load %arg9[%get3A_1519, %get3A_1520] {strides = array<i32>} : memref<16x512xf32, #tpu.memory_space<vmem>>, vector<16xf32>,
      %add3A_1522 = arith.addf %add3A_1517, %get3A_1521 : vector<16xf32>
      %get3A_1523 = arith.constant 5 : i32
      %get3A_1524 = arith.index_cast %get3A_1523 : i32 to index
      %get3A_1525 = arith.constant 256 : index
      %get3A_1526 = tpu.vector_load %arg9[%get3A_1524, %get3A_1525] {strides = array<i32>} : memref<16x512xf32, #tpu.memory_space<vmem>>, vector<16xf32>,
      %add3A_1527 = arith.addf %add3A_1522, %get3A_1526 : vector<16xf32>
      %get3A_1528 = arith.constant 6 : i32
      %get3A_1529 = arith.index_cast %get3A_1528 : i32 to index
      %get3A_1530 = arith.constant 256 : index
      %get3A_1531 = tpu.vector_load %arg9[%get3A_1529, %get3A_1530] {strides = array<i32>} : memref<16x512xf32, #tpu.memory_space<vmem>>, vector<16xf32>,
      %add3A_1532 = arith.addf %add3A_1527, %get3A_1531 : vector<16xf32>
      %get3A_1533 = arith.constant 7 : i32
      %get3A_1534 = arith.index_cast %get3A_1533 : i32 to index
      %get3A_1535 = arith.constant 256 : index
      %get3A_1536 = tpu.vector_load %arg9[%get3A_1534, %get3A_1535] {strides = array<i32>} : memref<16x512xf32, #tpu.memory_space<vmem>>, vector<16xf32>,
      %add3A_1537 = arith.addf %add3A_1532, %get3A_1536 : vector<16xf32>
      %get3A_1538 = arith.constant 8 : i32
      %get3A_1539 = arith.index_cast %get3A_1538 : i32 to index
      %get3A_1540 = arith.constant 256 : index
      %get3A_1541 = tpu.vector_load %arg9[%get3A_1539, %get3A_1540] {strides = array<i32>} : memref<16x512xf32, #tpu.memory_space<vmem>>, vector<16xf32>,
      %add3A_1542 = arith.addf %add3A_1537, %get3A_1541 : vector<16xf32>
      %get3A_1543 = arith.constant 9 : i32
      %get3A_1544 = arith.index_cast %get3A_1543 : i32 to index
      %get3A_1545 = arith.constant 256 : index
      %get3A_1546 = tpu.vector_load %arg9[%get3A_1544, %get3A_1545] {strides = array<i32>} : memref<16x512xf32, #tpu.memory_space<vmem>>, vector<16xf32>,
      %add3A_1547 = arith.addf %add3A_1542, %get3A_1546 : vector<16xf32>
      %get3A_1548 = arith.constant 10 : i32
      %get3A_1549 = arith.index_cast %get3A_1548 : i32 to index
      %get3A_1550 = arith.constant 256 : index
      %get3A_1551 = tpu.vector_load %arg9[%get3A_1549, %get3A_1550] {strides = array<i32>} : memref<16x512xf32, #tpu.memory_space<vmem>>, vector<16xf32>,
      %add3A_1552 = arith.addf %add3A_1547, %get3A_1551 : vector<16xf32>
      %get3A_1553 = arith.constant 11 : i32
      %get3A_1554 = arith.index_cast %get3A_1553 : i32 to index
      %get3A_1555 = arith.constant 256 : index
      %get3A_1556 = tpu.vector_load %arg9[%get3A_1554, %get3A_1555] {strides = array<i32>} : memref<16x512xf32, #tpu.memory_space<vmem>>, vector<16xf32>,
      %add3A_1557 = arith.addf %add3A_1552, %get3A_1556 : vector<16xf32>
      %get3A_1558 = arith.constant 12 : i32
      %get3A_1559 = arith.index_cast %get3A_1558 : i32 to index
      %get3A_1560 = arith.constant 256 : index
      %get3A_1561 = tpu.vector_load %arg9[%get3A_1559, %get3A_1560] {strides = array<i32>} : memref<16x512xf32, #tpu.memory_space<vmem>>, vector<16xf32>,
      %add3A_1562 = arith.addf %add3A_1557, %get3A_1561 : vector<16xf32>
      %get3A_1563 = arith.constant 13 : i32
      %get3A_1564 = arith.index_cast %get3A_1563 : i32 to index
      %get3A_1565 = arith.constant 256 : index
      %get3A_1566 = tpu.vector_load %arg9[%get3A_1564, %get3A_1565] {strides = array<i32>} : memref<16x512xf32, #tpu.memory_space<vmem>>, vector<16xf32>,
      %add3A_1567 = arith.addf %add3A_1562, %get3A_1566 : vector<16xf32>
      %get3A_1568 = arith.constant 14 : i32
      %get3A_1569 = arith.index_cast %get3A_1568 : i32 to index
      %get3A_1570 = arith.constant 256 : index
      %get3A_1571 = tpu.vector_load %arg9[%get3A_1569, %get3A_1570] {strides = array<i32>} : memref<16x512xf32, #tpu.memory_space<vmem>>, vector<16xf32>,
      %add3A_1572 = arith.addf %add3A_1567, %get3A_1571 : vector<16xf32>
      %get3A_1573 = arith.constant 15 : i32
      %get3A_1574 = arith.index_cast %get3A_1573 : i32 to index
      %get3A_1575 = arith.constant 256 : index
      %get3A_1576 = tpu.vector_load %arg9[%get3A_1574, %get3A_1575] {strides = array<i32>} : memref<16x512xf32, #tpu.memory_space<vmem>>, vector<16xf32>,
      %add3A_1577 = arith.addf %add3A_1572, %get3A_1576 : vector<16xf32>
      %reduce_sum3A_1578 = arith.constant true
      %reduce_sum3A_1579 = vector.broadcast %reduce_sum3A_1578 : i1 to vector<16xi1>
      %reduce_sum3A_1580 = tpu.scan <sum>, %add3A_1577 masked %reduce_sum3A_1579 : vector<16xf32>, vector<16xi1> -> vector<16xf32>
      %reduce_sum3A_1581 = vector.extract %reduce_sum3A_1580[15] : f32 from vector<16xf32>
      %abs3A_1582 = math.absf %reduce_sum3A_1581 : f32
      %add3A_1583 = arith.addf %add3A_1495, %abs3A_1582 : f32
      %broadcast_in_dim3A_1584 = arith.constant 0.000000e+00 : f32
      %broadcast_in_dim3A_1585 = vector.broadcast %broadcast_in_dim3A_1584 : f32 to vector<16xf32>
      %get3A_1586 = arith.constant 0 : i32
      %get3A_1587 = arith.index_cast %get3A_1586 : i32 to index
      %get3A_1588 = arith.constant 272 : index
      %get3A_1589 = tpu.vector_load %arg9[%get3A_1587, %get3A_1588] {strides = array<i32>} : memref<16x512xf32, #tpu.memory_space<vmem>>, vector<16xf32>,
      %add3A_1590 = arith.addf %broadcast_in_dim3A_1585, %get3A_1589 : vector<16xf32>
      %get3A_1591 = arith.constant 1 : i32
      %get3A_1592 = arith.index_cast %get3A_1591 : i32 to index
      %get3A_1593 = arith.constant 272 : index
      %get3A_1594 = tpu.vector_load %arg9[%get3A_1592, %get3A_1593] {strides = array<i32>} : memref<16x512xf32, #tpu.memory_space<vmem>>, vector<16xf32>,
      %add3A_1595 = arith.addf %add3A_1590, %get3A_1594 : vector<16xf32>
      %get3A_1596 = arith.constant 2 : i32
      %get3A_1597 = arith.index_cast %get3A_1596 : i32 to index
      %get3A_1598 = arith.constant 272 : index
      %get3A_1599 = tpu.vector_load %arg9[%get3A_1597, %get3A_1598] {strides = array<i32>} : memref<16x512xf32, #tpu.memory_space<vmem>>, vector<16xf32>,
      %add3A_1600 = arith.addf %add3A_1595, %get3A_1599 : vector<16xf32>
      %get3A_1601 = arith.constant 3 : i32
      %get3A_1602 = arith.index_cast %get3A_1601 : i32 to index
      %get3A_1603 = arith.constant 272 : index
      %get3A_1604 = tpu.vector_load %arg9[%get3A_1602, %get3A_1603] {strides = array<i32>} : memref<16x512xf32, #tpu.memory_space<vmem>>, vector<16xf32>,
      %add3A_1605 = arith.addf %add3A_1600, %get3A_1604 : vector<16xf32>
      %get3A_1606 = arith.constant 4 : i32
      %get3A_1607 = arith.index_cast %get3A_1606 : i32 to index
      %get3A_1608 = arith.constant 272 : index
      %get3A_1609 = tpu.vector_load %arg9[%get3A_1607, %get3A_1608] {strides = array<i32>} : memref<16x512xf32, #tpu.memory_space<vmem>>, vector<16xf32>,
      %add3A_1610 = arith.addf %add3A_1605, %get3A_1609 : vector<16xf32>
      %get3A_1611 = arith.constant 5 : i32
      %get3A_1612 = arith.index_cast %get3A_1611 : i32 to index
      %get3A_1613 = arith.constant 272 : index
      %get3A_1614 = tpu.vector_load %arg9[%get3A_1612, %get3A_1613] {strides = array<i32>} : memref<16x512xf32, #tpu.memory_space<vmem>>, vector<16xf32>,
      %add3A_1615 = arith.addf %add3A_1610, %get3A_1614 : vector<16xf32>
      %get3A_1616 = arith.constant 6 : i32
      %get3A_1617 = arith.index_cast %get3A_1616 : i32 to index
      %get3A_1618 = arith.constant 272 : index
      %get3A_1619 = tpu.vector_load %arg9[%get3A_1617, %get3A_1618] {strides = array<i32>} : memref<16x512xf32, #tpu.memory_space<vmem>>, vector<16xf32>,
      %add3A_1620 = arith.addf %add3A_1615, %get3A_1619 : vector<16xf32>
      %get3A_1621 = arith.constant 7 : i32
      %get3A_1622 = arith.index_cast %get3A_1621 : i32 to index
      %get3A_1623 = arith.constant 272 : index
      %get3A_1624 = tpu.vector_load %arg9[%get3A_1622, %get3A_1623] {strides = array<i32>} : memref<16x512xf32, #tpu.memory_space<vmem>>, vector<16xf32>,
      %add3A_1625 = arith.addf %add3A_1620, %get3A_1624 : vector<16xf32>
      %get3A_1626 = arith.constant 8 : i32
      %get3A_1627 = arith.index_cast %get3A_1626 : i32 to index
      %get3A_1628 = arith.constant 272 : index
      %get3A_1629 = tpu.vector_load %arg9[%get3A_1627, %get3A_1628] {strides = array<i32>} : memref<16x512xf32, #tpu.memory_space<vmem>>, vector<16xf32>,
      %add3A_1630 = arith.addf %add3A_1625, %get3A_1629 : vector<16xf32>
      %get3A_1631 = arith.constant 9 : i32
      %get3A_1632 = arith.index_cast %get3A_1631 : i32 to index
      %get3A_1633 = arith.constant 272 : index
      %get3A_1634 = tpu.vector_load %arg9[%get3A_1632, %get3A_1633] {strides = array<i32>} : memref<16x512xf32, #tpu.memory_space<vmem>>, vector<16xf32>,
      %add3A_1635 = arith.addf %add3A_1630, %get3A_1634 : vector<16xf32>
      %get3A_1636 = arith.constant 10 : i32
      %get3A_1637 = arith.index_cast %get3A_1636 : i32 to index
      %get3A_1638 = arith.constant 272 : index
      %get3A_1639 = tpu.vector_load %arg9[%get3A_1637, %get3A_1638] {strides = array<i32>} : memref<16x512xf32, #tpu.memory_space<vmem>>, vector<16xf32>,
      %add3A_1640 = arith.addf %add3A_1635, %get3A_1639 : vector<16xf32>
      %get3A_1641 = arith.constant 11 : i32
      %get3A_1642 = arith.index_cast %get3A_1641 : i32 to index
      %get3A_1643 = arith.constant 272 : index
      %get3A_1644 = tpu.vector_load %arg9[%get3A_1642, %get3A_1643] {strides = array<i32>} : memref<16x512xf32, #tpu.memory_space<vmem>>, vector<16xf32>,
      %add3A_1645 = arith.addf %add3A_1640, %get3A_1644 : vector<16xf32>
      %get3A_1646 = arith.constant 12 : i32
      %get3A_1647 = arith.index_cast %get3A_1646 : i32 to index
      %get3A_1648 = arith.constant 272 : index
      %get3A_1649 = tpu.vector_load %arg9[%get3A_1647, %get3A_1648] {strides = array<i32>} : memref<16x512xf32, #tpu.memory_space<vmem>>, vector<16xf32>,
      %add3A_1650 = arith.addf %add3A_1645, %get3A_1649 : vector<16xf32>
      %get3A_1651 = arith.constant 13 : i32
      %get3A_1652 = arith.index_cast %get3A_1651 : i32 to index
      %get3A_1653 = arith.constant 272 : index
      %get3A_1654 = tpu.vector_load %arg9[%get3A_1652, %get3A_1653] {strides = array<i32>} : memref<16x512xf32, #tpu.memory_space<vmem>>, vector<16xf32>,
      %add3A_1655 = arith.addf %add3A_1650, %get3A_1654 : vector<16xf32>
      %get3A_1656 = arith.constant 14 : i32
      %get3A_1657 = arith.index_cast %get3A_1656 : i32 to index
      %get3A_1658 = arith.constant 272 : index
      %get3A_1659 = tpu.vector_load %arg9[%get3A_1657, %get3A_1658] {strides = array<i32>} : memref<16x512xf32, #tpu.memory_space<vmem>>, vector<16xf32>,
      %add3A_1660 = arith.addf %add3A_1655, %get3A_1659 : vector<16xf32>
      %get3A_1661 = arith.constant 15 : i32
      %get3A_1662 = arith.index_cast %get3A_1661 : i32 to index
      %get3A_1663 = arith.constant 272 : index
      %get3A_1664 = tpu.vector_load %arg9[%get3A_1662, %get3A_1663] {strides = array<i32>} : memref<16x512xf32, #tpu.memory_space<vmem>>, vector<16xf32>,
      %add3A_1665 = arith.addf %add3A_1660, %get3A_1664 : vector<16xf32>
      %reduce_sum3A_1666 = arith.constant true
      %reduce_sum3A_1667 = vector.broadcast %reduce_sum3A_1666 : i1 to vector<16xi1>
      %reduce_sum3A_1668 = tpu.scan <sum>, %add3A_1665 masked %reduce_sum3A_1667 : vector<16xf32>, vector<16xi1> -> vector<16xf32>
      %reduce_sum3A_1669 = vector.extract %reduce_sum3A_1668[15] : f32 from vector<16xf32>
      %abs3A_1670 = math.absf %reduce_sum3A_1669 : f32
      %add3A_1671 = arith.addf %add3A_1583, %abs3A_1670 : f32
      %broadcast_in_dim3A_1672 = arith.constant 0.000000e+00 : f32
      %broadcast_in_dim3A_1673 = vector.broadcast %broadcast_in_dim3A_1672 : f32 to vector<16xf32>
      %get3A_1674 = arith.constant 0 : i32
      %get3A_1675 = arith.index_cast %get3A_1674 : i32 to index
      %get3A_1676 = arith.constant 288 : index
      %get3A_1677 = tpu.vector_load %arg9[%get3A_1675, %get3A_1676] {strides = array<i32>} : memref<16x512xf32, #tpu.memory_space<vmem>>, vector<16xf32>,
      %add3A_1678 = arith.addf %broadcast_in_dim3A_1673, %get3A_1677 : vector<16xf32>
      %get3A_1679 = arith.constant 1 : i32
      %get3A_1680 = arith.index_cast %get3A_1679 : i32 to index
      %get3A_1681 = arith.constant 288 : index
      %get3A_1682 = tpu.vector_load %arg9[%get3A_1680, %get3A_1681] {strides = array<i32>} : memref<16x512xf32, #tpu.memory_space<vmem>>, vector<16xf32>,
      %add3A_1683 = arith.addf %add3A_1678, %get3A_1682 : vector<16xf32>
      %get3A_1684 = arith.constant 2 : i32
      %get3A_1685 = arith.index_cast %get3A_1684 : i32 to index
      %get3A_1686 = arith.constant 288 : index
      %get3A_1687 = tpu.vector_load %arg9[%get3A_1685, %get3A_1686] {strides = array<i32>} : memref<16x512xf32, #tpu.memory_space<vmem>>, vector<16xf32>,
      %add3A_1688 = arith.addf %add3A_1683, %get3A_1687 : vector<16xf32>
      %get3A_1689 = arith.constant 3 : i32
      %get3A_1690 = arith.index_cast %get3A_1689 : i32 to index
      %get3A_1691 = arith.constant 288 : index
      %get3A_1692 = tpu.vector_load %arg9[%get3A_1690, %get3A_1691] {strides = array<i32>} : memref<16x512xf32, #tpu.memory_space<vmem>>, vector<16xf32>,
      %add3A_1693 = arith.addf %add3A_1688, %get3A_1692 : vector<16xf32>
      %get3A_1694 = arith.constant 4 : i32
      %get3A_1695 = arith.index_cast %get3A_1694 : i32 to index
      %get3A_1696 = arith.constant 288 : index
      %get3A_1697 = tpu.vector_load %arg9[%get3A_1695, %get3A_1696] {strides = array<i32>} : memref<16x512xf32, #tpu.memory_space<vmem>>, vector<16xf32>,
      %add3A_1698 = arith.addf %add3A_1693, %get3A_1697 : vector<16xf32>
      %get3A_1699 = arith.constant 5 : i32
      %get3A_1700 = arith.index_cast %get3A_1699 : i32 to index
      %get3A_1701 = arith.constant 288 : index
      %get3A_1702 = tpu.vector_load %arg9[%get3A_1700, %get3A_1701] {strides = array<i32>} : memref<16x512xf32, #tpu.memory_space<vmem>>, vector<16xf32>,
      %add3A_1703 = arith.addf %add3A_1698, %get3A_1702 : vector<16xf32>
      %get3A_1704 = arith.constant 6 : i32
      %get3A_1705 = arith.index_cast %get3A_1704 : i32 to index
      %get3A_1706 = arith.constant 288 : index
      %get3A_1707 = tpu.vector_load %arg9[%get3A_1705, %get3A_1706] {strides = array<i32>} : memref<16x512xf32, #tpu.memory_space<vmem>>, vector<16xf32>,
      %add3A_1708 = arith.addf %add3A_1703, %get3A_1707 : vector<16xf32>
      %get3A_1709 = arith.constant 7 : i32
      %get3A_1710 = arith.index_cast %get3A_1709 : i32 to index
      %get3A_1711 = arith.constant 288 : index
      %get3A_1712 = tpu.vector_load %arg9[%get3A_1710, %get3A_1711] {strides = array<i32>} : memref<16x512xf32, #tpu.memory_space<vmem>>, vector<16xf32>,
      %add3A_1713 = arith.addf %add3A_1708, %get3A_1712 : vector<16xf32>
      %get3A_1714 = arith.constant 8 : i32
      %get3A_1715 = arith.index_cast %get3A_1714 : i32 to index
      %get3A_1716 = arith.constant 288 : index
      %get3A_1717 = tpu.vector_load %arg9[%get3A_1715, %get3A_1716] {strides = array<i32>} : memref<16x512xf32, #tpu.memory_space<vmem>>, vector<16xf32>,
      %add3A_1718 = arith.addf %add3A_1713, %get3A_1717 : vector<16xf32>
      %get3A_1719 = arith.constant 9 : i32
      %get3A_1720 = arith.index_cast %get3A_1719 : i32 to index
      %get3A_1721 = arith.constant 288 : index
      %get3A_1722 = tpu.vector_load %arg9[%get3A_1720, %get3A_1721] {strides = array<i32>} : memref<16x512xf32, #tpu.memory_space<vmem>>, vector<16xf32>,
      %add3A_1723 = arith.addf %add3A_1718, %get3A_1722 : vector<16xf32>
      %get3A_1724 = arith.constant 10 : i32
      %get3A_1725 = arith.index_cast %get3A_1724 : i32 to index
      %get3A_1726 = arith.constant 288 : index
      %get3A_1727 = tpu.vector_load %arg9[%get3A_1725, %get3A_1726] {strides = array<i32>} : memref<16x512xf32, #tpu.memory_space<vmem>>, vector<16xf32>,
      %add3A_1728 = arith.addf %add3A_1723, %get3A_1727 : vector<16xf32>
      %get3A_1729 = arith.constant 11 : i32
      %get3A_1730 = arith.index_cast %get3A_1729 : i32 to index
      %get3A_1731 = arith.constant 288 : index
      %get3A_1732 = tpu.vector_load %arg9[%get3A_1730, %get3A_1731] {strides = array<i32>} : memref<16x512xf32, #tpu.memory_space<vmem>>, vector<16xf32>,
      %add3A_1733 = arith.addf %add3A_1728, %get3A_1732 : vector<16xf32>
      %get3A_1734 = arith.constant 12 : i32
      %get3A_1735 = arith.index_cast %get3A_1734 : i32 to index
      %get3A_1736 = arith.constant 288 : index
      %get3A_1737 = tpu.vector_load %arg9[%get3A_1735, %get3A_1736] {strides = array<i32>} : memref<16x512xf32, #tpu.memory_space<vmem>>, vector<16xf32>,
      %add3A_1738 = arith.addf %add3A_1733, %get3A_1737 : vector<16xf32>
      %get3A_1739 = arith.constant 13 : i32
      %get3A_1740 = arith.index_cast %get3A_1739 : i32 to index
      %get3A_1741 = arith.constant 288 : index
      %get3A_1742 = tpu.vector_load %arg9[%get3A_1740, %get3A_1741] {strides = array<i32>} : memref<16x512xf32, #tpu.memory_space<vmem>>, vector<16xf32>,
      %add3A_1743 = arith.addf %add3A_1738, %get3A_1742 : vector<16xf32>
      %get3A_1744 = arith.constant 14 : i32
      %get3A_1745 = arith.index_cast %get3A_1744 : i32 to index
      %get3A_1746 = arith.constant 288 : index
      %get3A_1747 = tpu.vector_load %arg9[%get3A_1745, %get3A_1746] {strides = array<i32>} : memref<16x512xf32, #tpu.memory_space<vmem>>, vector<16xf32>,
      %add3A_1748 = arith.addf %add3A_1743, %get3A_1747 : vector<16xf32>
      %get3A_1749 = arith.constant 15 : i32
      %get3A_1750 = arith.index_cast %get3A_1749 : i32 to index
      %get3A_1751 = arith.constant 288 : index
      %get3A_1752 = tpu.vector_load %arg9[%get3A_1750, %get3A_1751] {strides = array<i32>} : memref<16x512xf32, #tpu.memory_space<vmem>>, vector<16xf32>,
      %add3A_1753 = arith.addf %add3A_1748, %get3A_1752 : vector<16xf32>
      %reduce_sum3A_1754 = arith.constant true
      %reduce_sum3A_1755 = vector.broadcast %reduce_sum3A_1754 : i1 to vector<16xi1>
      %reduce_sum3A_1756 = tpu.scan <sum>, %add3A_1753 masked %reduce_sum3A_1755 : vector<16xf32>, vector<16xi1> -> vector<16xf32>
      %reduce_sum3A_1757 = vector.extract %reduce_sum3A_1756[15] : f32 from vector<16xf32>
      %abs3A_1758 = math.absf %reduce_sum3A_1757 : f32
      %add3A_1759 = arith.addf %add3A_1671, %abs3A_1758 : f32
      %broadcast_in_dim3A_1760 = arith.constant 0.000000e+00 : f32
      %broadcast_in_dim3A_1761 = vector.broadcast %broadcast_in_dim3A_1760 : f32 to vector<16xf32>
      %get3A_1762 = arith.constant 0 : i32
      %get3A_1763 = arith.index_cast %get3A_1762 : i32 to index
      %get3A_1764 = arith.constant 304 : index
      %get3A_1765 = tpu.vector_load %arg9[%get3A_1763, %get3A_1764] {strides = array<i32>} : memref<16x512xf32, #tpu.memory_space<vmem>>, vector<16xf32>,
      %add3A_1766 = arith.addf %broadcast_in_dim3A_1761, %get3A_1765 : vector<16xf32>
      %get3A_1767 = arith.constant 1 : i32
      %get3A_1768 = arith.index_cast %get3A_1767 : i32 to index
      %get3A_1769 = arith.constant 304 : index
      %get3A_1770 = tpu.vector_load %arg9[%get3A_1768, %get3A_1769] {strides = array<i32>} : memref<16x512xf32, #tpu.memory_space<vmem>>, vector<16xf32>,
      %add3A_1771 = arith.addf %add3A_1766, %get3A_1770 : vector<16xf32>
      %get3A_1772 = arith.constant 2 : i32
      %get3A_1773 = arith.index_cast %get3A_1772 : i32 to index
      %get3A_1774 = arith.constant 304 : index
      %get3A_1775 = tpu.vector_load %arg9[%get3A_1773, %get3A_1774] {strides = array<i32>} : memref<16x512xf32, #tpu.memory_space<vmem>>, vector<16xf32>,
      %add3A_1776 = arith.addf %add3A_1771, %get3A_1775 : vector<16xf32>
      %get3A_1777 = arith.constant 3 : i32
      %get3A_1778 = arith.index_cast %get3A_1777 : i32 to index
      %get3A_1779 = arith.constant 304 : index
      %get3A_1780 = tpu.vector_load %arg9[%get3A_1778, %get3A_1779] {strides = array<i32>} : memref<16x512xf32, #tpu.memory_space<vmem>>, vector<16xf32>,
      %add3A_1781 = arith.addf %add3A_1776, %get3A_1780 : vector<16xf32>
      %get3A_1782 = arith.constant 4 : i32
      %get3A_1783 = arith.index_cast %get3A_1782 : i32 to index
      %get3A_1784 = arith.constant 304 : index
      %get3A_1785 = tpu.vector_load %arg9[%get3A_1783, %get3A_1784] {strides = array<i32>} : memref<16x512xf32, #tpu.memory_space<vmem>>, vector<16xf32>,
      %add3A_1786 = arith.addf %add3A_1781, %get3A_1785 : vector<16xf32>
      %get3A_1787 = arith.constant 5 : i32
      %get3A_1788 = arith.index_cast %get3A_1787 : i32 to index
      %get3A_1789 = arith.constant 304 : index
      %get3A_1790 = tpu.vector_load %arg9[%get3A_1788, %get3A_1789] {strides = array<i32>} : memref<16x512xf32, #tpu.memory_space<vmem>>, vector<16xf32>,
      %add3A_1791 = arith.addf %add3A_1786, %get3A_1790 : vector<16xf32>
      %get3A_1792 = arith.constant 6 : i32
      %get3A_1793 = arith.index_cast %get3A_1792 : i32 to index
      %get3A_1794 = arith.constant 304 : index
      %get3A_1795 = tpu.vector_load %arg9[%get3A_1793, %get3A_1794] {strides = array<i32>} : memref<16x512xf32, #tpu.memory_space<vmem>>, vector<16xf32>,
      %add3A_1796 = arith.addf %add3A_1791, %get3A_1795 : vector<16xf32>
      %get3A_1797 = arith.constant 7 : i32
      %get3A_1798 = arith.index_cast %get3A_1797 : i32 to index
      %get3A_1799 = arith.constant 304 : index
      %get3A_1800 = tpu.vector_load %arg9[%get3A_1798, %get3A_1799] {strides = array<i32>} : memref<16x512xf32, #tpu.memory_space<vmem>>, vector<16xf32>,
      %add3A_1801 = arith.addf %add3A_1796, %get3A_1800 : vector<16xf32>
      %get3A_1802 = arith.constant 8 : i32
      %get3A_1803 = arith.index_cast %get3A_1802 : i32 to index
      %get3A_1804 = arith.constant 304 : index
      %get3A_1805 = tpu.vector_load %arg9[%get3A_1803, %get3A_1804] {strides = array<i32>} : memref<16x512xf32, #tpu.memory_space<vmem>>, vector<16xf32>,
      %add3A_1806 = arith.addf %add3A_1801, %get3A_1805 : vector<16xf32>
      %get3A_1807 = arith.constant 9 : i32
      %get3A_1808 = arith.index_cast %get3A_1807 : i32 to index
      %get3A_1809 = arith.constant 304 : index
      %get3A_1810 = tpu.vector_load %arg9[%get3A_1808, %get3A_1809] {strides = array<i32>} : memref<16x512xf32, #tpu.memory_space<vmem>>, vector<16xf32>,
      %add3A_1811 = arith.addf %add3A_1806, %get3A_1810 : vector<16xf32>
      %get3A_1812 = arith.constant 10 : i32
      %get3A_1813 = arith.index_cast %get3A_1812 : i32 to index
      %get3A_1814 = arith.constant 304 : index
      %get3A_1815 = tpu.vector_load %arg9[%get3A_1813, %get3A_1814] {strides = array<i32>} : memref<16x512xf32, #tpu.memory_space<vmem>>, vector<16xf32>,
      %add3A_1816 = arith.addf %add3A_1811, %get3A_1815 : vector<16xf32>
      %get3A_1817 = arith.constant 11 : i32
      %get3A_1818 = arith.index_cast %get3A_1817 : i32 to index
      %get3A_1819 = arith.constant 304 : index
      %get3A_1820 = tpu.vector_load %arg9[%get3A_1818, %get3A_1819] {strides = array<i32>} : memref<16x512xf32, #tpu.memory_space<vmem>>, vector<16xf32>,
      %add3A_1821 = arith.addf %add3A_1816, %get3A_1820 : vector<16xf32>
      %get3A_1822 = arith.constant 12 : i32
      %get3A_1823 = arith.index_cast %get3A_1822 : i32 to index
      %get3A_1824 = arith.constant 304 : index
      %get3A_1825 = tpu.vector_load %arg9[%get3A_1823, %get3A_1824] {strides = array<i32>} : memref<16x512xf32, #tpu.memory_space<vmem>>, vector<16xf32>,
      %add3A_1826 = arith.addf %add3A_1821, %get3A_1825 : vector<16xf32>
      %get3A_1827 = arith.constant 13 : i32
      %get3A_1828 = arith.index_cast %get3A_1827 : i32 to index
      %get3A_1829 = arith.constant 304 : index
      %get3A_1830 = tpu.vector_load %arg9[%get3A_1828, %get3A_1829] {strides = array<i32>} : memref<16x512xf32, #tpu.memory_space<vmem>>, vector<16xf32>,
      %add3A_1831 = arith.addf %add3A_1826, %get3A_1830 : vector<16xf32>
      %get3A_1832 = arith.constant 14 : i32
      %get3A_1833 = arith.index_cast %get3A_1832 : i32 to index
      %get3A_1834 = arith.constant 304 : index
      %get3A_1835 = tpu.vector_load %arg9[%get3A_1833, %get3A_1834] {strides = array<i32>} : memref<16x512xf32, #tpu.memory_space<vmem>>, vector<16xf32>,
      %add3A_1836 = arith.addf %add3A_1831, %get3A_1835 : vector<16xf32>
      %get3A_1837 = arith.constant 15 : i32
      %get3A_1838 = arith.index_cast %get3A_1837 : i32 to index
      %get3A_1839 = arith.constant 304 : index
      %get3A_1840 = tpu.vector_load %arg9[%get3A_1838, %get3A_1839] {strides = array<i32>} : memref<16x512xf32, #tpu.memory_space<vmem>>, vector<16xf32>,
      %add3A_1841 = arith.addf %add3A_1836, %get3A_1840 : vector<16xf32>
      %reduce_sum3A_1842 = arith.constant true
      %reduce_sum3A_1843 = vector.broadcast %reduce_sum3A_1842 : i1 to vector<16xi1>
      %reduce_sum3A_1844 = tpu.scan <sum>, %add3A_1841 masked %reduce_sum3A_1843 : vector<16xf32>, vector<16xi1> -> vector<16xf32>
      %reduce_sum3A_1845 = vector.extract %reduce_sum3A_1844[15] : f32 from vector<16xf32>
      %abs3A_1846 = math.absf %reduce_sum3A_1845 : f32
      %add3A_1847 = arith.addf %add3A_1759, %abs3A_1846 : f32
      %mul3A_1848 = arith.constant 1.52587891E-5 : f32
      %mul3A_1849 = arith.mulf %add3A_1847, %mul3A_1848 : f32
      %broadcast_in_dim3A_1850 = vector.broadcast %mul3A_1849 : f32 to vector<16xf32>
      %swap3A_1851 = arith.constant 0 : index
      %swap3A_1852 = tpu.vector_load %arg10[%swap3A_1851] {strides = array<i32>} : memref<16xf32, #tpu.memory_space<vmem>>, vector<16xf32>,
      tpu.vector_store %arg10[%swap3A_1851], %broadcast_in_dim3A_1850 {strides = array<i32>} : memref<16xf32, #tpu.memory_space<vmem>>, vector<16xf32>,
      "tpu.region"() ({
        %run_scoped3A = tpu.sem_alloc : memref<!tpu.dma_semaphore, #tpu.memory_space<semaphore_mem>>
        tpu.enqueue_dma source(%arg10 : memref<16xf32, #tpu.memory_space<vmem>>) target(%arg4 : memref<16xf32, #tpu.memory_space<hbm>>) target_semaphore(%run_scoped3A : memref<!tpu.dma_semaphore, #tpu.memory_space<semaphore_mem>>)
        tpu.wait_dma2 semaphore(%run_scoped3A : memref<!tpu.dma_semaphore, #tpu.memory_space<semaphore_mem>>) src(%arg10 : memref<16xf32, #tpu.memory_space<vmem>>) dst(%arg4 : memref<16xf32, #tpu.memory_space<hbm>>)
        tpu.yield
      }) : () -> ()
    } else {
    }
    return
  }
}

module attributes {stable_mosaic.version = 14 : i64} {
  func.func @_conf_acc_body(%arg0: i32, %arg1: memref<1000x2048xf32, #tpu.memory_space<vmem>>, %arg2: memref<1x2048xi32, #tpu.memory_space<vmem>>, %arg3: memref<2048xf32, #tpu.memory_space<vmem>>, %arg4: memref<2048xf32, #tpu.memory_space<vmem>>) attributes {dimension_semantics = [#tpu.dimension_semantics<arbitrary>], iteration_bounds = array<i64: 32>, scalar_prefetch = 0 : i64, scratch_operands = 0 : i64, tpu.core_type = #tpu.core_type<tc>, window_params = [{transform_indices = @transform_0, window_bounds = array<i64: 1000, 2048>}, {transform_indices = @transform_1, window_bounds = array<i64: 1, 2048>}, {transform_indices = @transform_2, window_bounds = array<i64: 2048>}, {transform_indices = @transform_3, window_bounds = array<i64: 2048>}]} {
    %get3A = arith.constant 0 : index
    %get3A_0 = arith.constant 0 : index
    %get3A_1 = vector.load %arg1[%get3A, %get3A_0] : memref<1000x2048xf32, #tpu.memory_space<vmem>>, vector<1000x2048xf32>
    %reduce_max3A = arith.constant dense<0xFF800000> : vector<2048xf32>
    %reduce_max3A_2 = vector.multi_reduction <maximumf>, %get3A_1, %reduce_max3A [0] : vector<1000x2048xf32> to vector<2048xf32>
    %broadcast_in_dim3A = vector.shape_cast %reduce_max3A_2 : vector<2048xf32> to vector<1x2048xf32>
    %iota3A = tpu.iota {dimensions = array<i32: 0>} : vector<1000x2048xi32>
    %eq3A = vector.broadcast %broadcast_in_dim3A : vector<1x2048xf32> to vector<1000x2048xf32>
    %eq3A_3 = arith.cmpf oeq, %get3A_1, %eq3A : vector<1000x2048xf32>
    %jit3A = arith.constant 1000 : i32
    %broadcast_in_dim3A_4 = vector.broadcast %jit3A : i32 to vector<1000x2048xi32>
    %select_n3A = arith.select %eq3A_3, %iota3A, %broadcast_in_dim3A_4 : vector<1000x2048xi1>, vector<1000x2048xi32>
    %reduce_min3A = arith.constant dense<2147483647> : vector<2048xi32>
    %reduce_min3A_5 = vector.multi_reduction <minsi>, %select_n3A, %reduce_min3A [0] : vector<1000x2048xi32> to vector<2048xi32>
    %broadcast_in_dim3A_6 = vector.shape_cast %reduce_min3A_5 : vector<2048xi32> to vector<1x2048xi32>
    %sub3A = vector.broadcast %broadcast_in_dim3A : vector<1x2048xf32> to vector<1000x2048xf32>
    %sub3A_7 = arith.subf %get3A_1, %sub3A : vector<1000x2048xf32>
    %exp3A = math.exp %sub3A_7 : vector<1000x2048xf32>
    %reduce_sum3A = arith.constant dense<0.000000e+00> : vector<2048xf32>
    %reduce_sum3A_8 = vector.multi_reduction <add>, %exp3A, %reduce_sum3A [0] : vector<1000x2048xf32> to vector<2048xf32>
    %broadcast_in_dim3A_9 = vector.shape_cast %reduce_sum3A_8 : vector<2048xf32> to vector<1x2048xf32>
    %div3A = arith.constant 1.000000e+00 : f32
    %div3A_10 = vector.broadcast %div3A : f32 to vector<1x2048xf32>
    %div3A_11 = arith.divf %div3A_10, %broadcast_in_dim3A_9 : vector<1x2048xf32>
    %reshape3A = vector.shape_cast %div3A_11 : vector<1x2048xf32> to vector<2048xf32>
    %swap3A = arith.constant 0 : index
    %swap3A_12 = vector.load %arg3[%swap3A] : memref<2048xf32, #tpu.memory_space<vmem>>, vector<2048xf32>
    tpu.vector_store %arg3[%swap3A], %reshape3A {strides = array<i32>} : memref<2048xf32, #tpu.memory_space<vmem>>, vector<2048xf32>,
    %get3A_13 = arith.constant 0 : index
    %get3A_14 = arith.constant 0 : index
    %get3A_15 = vector.load %arg2[%get3A_13, %get3A_14] : memref<1x2048xi32, #tpu.memory_space<vmem>>, vector<1x2048xi32>
    %eq3A_16 = arith.cmpi eq, %broadcast_in_dim3A_6, %get3A_15 : vector<1x2048xi32>
    %convert_element_type3A = arith.extui %eq3A_16 : vector<1x2048xi1> to vector<1x2048xi32>
    %convert_element_type3A_17 = arith.sitofp %convert_element_type3A : vector<1x2048xi32> to vector<1x2048xf32>
    %reshape3A_18 = vector.shape_cast %convert_element_type3A_17 : vector<1x2048xf32> to vector<2048xf32>
    %swap3A_19 = arith.constant 0 : index
    %swap3A_20 = vector.load %arg4[%swap3A_19] : memref<2048xf32, #tpu.memory_space<vmem>>, vector<2048xf32>
    tpu.vector_store %arg4[%swap3A_19], %reshape3A_18 {strides = array<i32>} : memref<2048xf32, #tpu.memory_space<vmem>>, vector<2048xf32>,
    return
  }
  func.func @transform_0(%arg0: i32) -> (i32, i32) {
    %c0_i32 = arith.constant 0 : i32
    %c0_i32_0 = arith.constant 0 : i32
    return %c0_i32, %arg0 : i32, i32
  }
  func.func @transform_1(%arg0: i32) -> (i32, i32) {
    %c0_i32 = arith.constant 0 : i32
    %c0_i32_0 = arith.constant 0 : i32
    return %c0_i32, %arg0 : i32, i32
  }
  func.func @transform_2(%arg0: i32) -> i32 {
    %c0_i32 = arith.constant 0 : i32
    return %arg0 : i32
  }
  func.func @transform_3(%arg0: i32) -> i32 {
    %c0_i32 = arith.constant 0 : i32
    return %arg0 : i32
  }
}

</mosaic_0001>

<sc_bundles>
// kernel: kernel.4.cloned.1.call-start
scs
__scs_entry_jumppad:
0x0: {  	(pc) =	sbr.rel $0x88, $3  }
0x1: {  	(tag) =	ssettag $0x0;
	lr =	simm.s32 $0x1  }
0x2: {  	[smem:$0x3F9F] =	sst lr;
	_ =	strace $0xD0000000  }
0x3: {  	_ = 	snop  }
0x4: {  	_ = 	snop  }
0x5: {  	_ = 	snop  }
0x6: {  	_ = 	snop  }
0x7: {  	_ = 	snop  }
__scs_overlays_trampoline_lowered:
0x8: {  	[smem:$0x3FAE] =	sst s0  }
0x9: {  	[smem:$0x3FAF] =	sst s1  }
0xa: {  	[smem:$0x3FB0] =	sst s2  }
0xb: {  	[smem:$0x3FB1] =	sst s3  }
0xc: {  	[smem:$0x3FB2] =	sst s4  }
0xd: {  	[smem:$0x3FB3] =	sst s5  }
0xe: {  	[smem:$0x3FB4] =	sst s6  }
0xf: {  	[smem:$0x3FB5] =	sst s7  }
0x10: {  	[smem:$0x3FB6] =	sst s8  }
0x11: {  	[smem:$0x3FB7] =	sst s9;
	s0 =	simm.s32 @!p0 $0x0  }
0x12: {  	s1 =	sld [smem:$0x3F9D];
	s0 =	simm.s32 @p0 $0x1  }
0x13: {  	[smem:$0x3FB8] =	sst s0;
	s0 =	simm.s32 @!p1 $0x0  }
0x14: {  	s2 =	sld [smem:$0x3F9C];
	s0 =	simm.s32 @p1 $0x1  }
0x15: {  	[smem:$0x3FB9] =	sst s0;
	s0 =	simm.s32 @!p2 $0x0  }
0x16: {  	s3 =	sld [smem:$0x3FDB];
	s0 =	simm.s32 @p2 $0x1  }
0x17: {  	s4 =	simm.s32 $0x1BF5;
	[smem:$0x3FBB] =	sst s0  }
0x18: {  	s0 =	sld [smem:$0x3F9E];
	_ =	swait.ge [sflag:s4], $0x0  }
0x19: {  	s7 =	sld [smem:$0x3F9F]  }
0x1a: {  	s8 =	sadd.s32 $0xFFFFE003, lr  }
0x1b: {  	s9 =	sadd.s32 $0xFFFFFEF7, lr;
	s5 =	simm.s32 $0xFFFFFFFF;
	p2 =	slt.u32 s8, $0xFFFFF086  }
0x1c: {  	p1 =	slt.u32 s9, $0xF7A;
	s5 =	simm.s32 @!p2 $0x0  }
0x1d: {  	s5 =	simm.s32 @p1 $0x1;
	p0 =	seq.s32 s7, s2  }
0x1e: {  	s7 =	smul.u32 @!p0 $0xF7A, s2;
	p2 =	seq.s32 @!p0 s5, $0x0  }
0x1f: {  	s9 =	smul.u32 $0xF7A, s1;
	s8 =	simm.s32 @!p0 $0x1BF5;
	p2 =	por !p2, p0  }
0x20: {  	[sflag:s8] =	ssyncset.s32 @!p0 $0xFFFFF086;
	s6 =	sadd.s32 @!p0 s3, s7;
	s7 =	simm.s32 @!p0 $0x108  }
0x21: {  	s3 =	sadd.s32 s3, s9;
	s6 =	sadd.s32 @!p0 $0x88, s6;
	s7 =	simm.s32 @p2 $0x1082  }
0x22: {  	[simem:s7], [sflag:s8] =	dma.local @!p0 [hbm:s6], $0xF7A  }
0x23: {  	s9 =	sor.u32 $0xD0000000, s2;
	s6 =	simm.s32 $0x108;
	_ =	swait.ge @!p0 [sflag:s8], $0x0  }
0x24: {  	s3 =	sadd.s32 $0x88, s3;
	s6 =	simm.s32 @!p1 $0x1082;
	[sflag:s4] =	ssyncset.s32 $0xFFFFF086  }
0x25: {  	[simem:s6], [sflag:s4] =	dma.local [hbm:s3], $0xF7A  }
0x26: {  	[smem:$0x3F9F] =	sst s1;
	(tag) =	ssettag s2;
	_ =	strace s9  }
0x27: {  	s1 =	sld [smem:$0x3FAF]  }
0x28: {  	s2 =	sld [smem:$0x3FB0]  }
0x29: {  	s4 =	sld [smem:$0x3FB2]  }
0x2a: {  	p0 =	seq.s32 s5, $0x0;
	s5 =	sld [smem:$0x3FB3]  }
0x2b: {  	s6 =	sld [smem:$0x3FB4]  }
0x2c: {  	s7 =	sld [smem:$0x3FB5]  }
0x2d: {  	s3 =	simm.s32 $0x108;
	s8 =	sld [smem:$0x3FB6]  }
0x2e: {  	s3 =	simm.s32 @!p0 $0x1082;
	s9 =	sld [smem:$0x3FB7]  }
0x2f: {  	lr =	sadd.s32 s0, s3;
	s0 =	sld [smem:$0x3FAE]  }
0x30: {  	s3 =	sld [smem:$0x3FB1]  }
0x31: {  	[smem:$0x3FBA] =	sst s10  }
0x32: {  	s10 =	sld [smem:$0x3FB8];
	_ =	sdelay $0x3  }
0x33: {  	p0 =	seq.s32 s10, $0x1;
	s10 =	sld [smem:$0x3FBA];
	_ =	sdelay $0x3  }
0x34: {  	[smem:$0x3FBA] =	sst s10  }
0x35: {  	s10 =	sld [smem:$0x3FB9];
	_ =	sdelay $0x3  }
0x36: {  	p1 =	seq.s32 s10, $0x1;
	s10 =	sld [smem:$0x3FBA];
	_ =	sdelay $0x3  }
0x37: {  	[smem:$0x3FBA] =	sst s10  }
0x38: {  	s10 =	sld [smem:$0x3FBB]  }
0x39: {  	_ = 	snop;
	(pc) =	sbr.ind lr, $3  }
0x3a: {  	_ = 	snop  }
0x3b: {  	_ = 	snop  }
0x3c: {  	p2 =	seq.s32 s10, $0x1;
	s10 =	sld [smem:$0x3FBA]  }
0x3d: {  	_ =	shalt  }
0x3e: {  	_ =	shalt  }
0x3f: {  	_ =	shalt  }
0x40: {  	_ =	shalt  }
0x41: {  	_ =	shalt  }
0x42: {  	_ =	shalt  }
0x43: {  	_ =	shalt  }
0x44: {  	_ =	shalt  }
0x45: {  	_ =	shalt  }
0x46: {  	_ =	shalt  }
0x47: {  	_ =	shalt  }
0x48: {  	_ =	shalt  }
0x49: {  	_ =	shalt  }
0x4a: {  	_ =	shalt  }
0x4b: {  	_ =	shalt  }
0x4c: {  	_ =	shalt  }
0x4d: {  	_ =	shalt  }
0x4e: {  	_ =	shalt  }
0x4f: {  	_ =	shalt  }
0x50: {  	_ =	shalt  }
0x51: {  	_ =	shalt  }
0x52: {  	_ =	shalt  }
0x53: {  	_ =	shalt  }
0x54: {  	_ =	shalt  }
0x55: {  	_ =	shalt  }
0x56: {  	_ =	shalt  }
0x57: {  	_ =	shalt  }
0x58: {  	_ =	shalt  }
0x59: {  	_ =	shalt  }
0x5a: {  	_ =	shalt  }
0x5b: {  	_ =	shalt  }
0x5c: {  	_ =	shalt  }
0x5d: {  	_ =	shalt  }
0x5e: {  	_ =	shalt  }
0x5f: {  	_ =	shalt  }
0x60: {  	_ =	shalt  }
0x61: {  	_ =	shalt  }
0x62: {  	_ =	shalt  }
0x63: {  	_ =	shalt  }
0x64: {  	_ =	shalt  }
0x65: {  	_ =	shalt  }
0x66: {  	_ =	shalt  }
0x67: {  	_ =	shalt  }
0x68: {  	_ =	shalt  }
0x69: {  	_ =	shalt  }
0x6a: {  	_ =	shalt  }
0x6b: {  	_ =	shalt  }
0x6c: {  	_ =	shalt  }
0x6d: {  	_ =	shalt  }
0x6e: {  	_ =	shalt  }
0x6f: {  	_ =	shalt  }
0x70: {  	_ =	shalt  }
0x71: {  	_ =	shalt  }
0x72: {  	_ =	shalt  }
0x73: {  	_ =	shalt  }
0x74: {  	_ =	shalt  }
0x75: {  	_ =	shalt  }
0x76: {  	_ =	shalt  }
0x77: {  	_ =	shalt  }
0x78: {  	_ =	shalt  }
0x79: {  	_ =	shalt  }
0x7a: {  	_ =	shalt  }
0x7b: {  	_ =	shalt  }
0x7c: {  	_ =	shalt  }
0x7d: {  	_ =	shalt  }
0x7e: {  	_ =	shalt  }
0x7f: {  	_ =	shalt  }
0x80: {  	_ =	shalt  }
0x81: {  	_ =	shalt  }
0x82: {  	_ =	shalt  }
0x83: {  	_ =	shalt  }
0x84: {  	_ =	shalt  }
0x85: {  	_ =	shalt  }
0x86: {  	_ =	shalt  }
0x87: {  	_ =	shalt  }
.Lfunc_end0:
.L_simem_size_0:
called_computation_lowered:
.L_overlay_start_0:
0x88: {  	s0 =	sld [smem:$0x3FD9]  }
0x89: {  	s1 =	sld [smem:$0x3FFE];
	_ =	sdelay $0x3  }
0x8a: {  	s0 =	sadd.s32 s1, s0  }
0x8b: {  	[smem:$0x3FC6] =	sst s0  }
0x8c: {  	_ = 	snop  }
0x8d: {  	s0 =	sld [smem:$0x3FD0];
	(tm) =	ssettm $0x1  }
0x8e: {  	s16 =	sld [smem:$0x3FFB];
	_ =	sdelay $0x3  }
0x8f: {  	_ =	strace s16  }
0x90: {  	s1 =	sld [smem:$0x3FFC];
	_ =	sdelay $0x3  }
0x91: {  	_ =	strace s1  }
0x92: {  	s1 =	sld [smem:$0x3FFD];
	_ =	sdelay $0x3  }
0x93: {  	_ =	strace s1  }
0x94: {  	_ =	strace $0x8FFFFFFF  }
0x95: {  	s17 =	sld [smem:$0x3FDB];
	_ =	sdelay $0x1  }
0x96: {  	s2 =	simm.s32 $_scs_section_size  }
0x97: {  	s3 =	simm.s32 $_size__tile_overlayer_lowered;
	s4 =	simm.s32 $_tile_overlayer_lowered  }
0x98: {  	s20 =	simm.s32 $0x1BFF;
	s19 =	sshll.u32 s4, $0x1;
	s1 =	sadd.s32 s2, s17  }
0x99: {  	s5 =	simm.s32 $0x0;
	s18 =	sshll.u32 s3, $0x1;
	s3 =	sadd.s32 s19, s1  }
0x9a: {  	[timem:s5], [sflag:s20] =	dma.local [hbm:s3], s18  }
0x9b: {  	_ =	swait.ge [sflag:s20], s18  }
0x9c: {  	s2 =	ssub.s32 $0x0, s18;
	[sflag:s20] =	ssyncset.done $0x0  }
0x9d: {  	[sflag:s20] =	ssyncadd.s32 s2;
	_ =	sdelay $0x1  }
0x9e: {  	s21 =	simm.s32 $0x1B8B  }
0x9f: {  	_ =	swait.ge [sflag:s21], $0x1  }
0xa0: {  	[sflag:s21] =	ssyncset.done $0x0  }
0xa1: {  	s23 =	simm.s32 $0x1B8E;
	s22 =	sld [smem:$0x3FFE];
	[sflag:s21] =	ssyncadd.s32 $0xFFFFFFFF  }
0xa2: {  	s24 =	simm.s32 $execute0_lowered;
	[smem:$0x3FD2] =	sst s23  }
0xa3: {  	s3 =	sshll.u32 s24, $0x1;
	_ =	strace $0x80000046;
	[dreg:$0x1] =	wrdreg $0xFFFFFFFF  }
0xa4: {  	s25 =	simm.s32 $_size_execute0_lowered;
	s1 =	sadd.s32 s1, s3;
	[dreg:$0x0] =	wrdreg $0x0  }
0xa5: {  	s3 =	sshll.u32 s25, $0x1;
	[dreg:$0x2] =	wrdreg s1  }
0xa6: {  	[dreg:$0x3] =	wrdreg s3  }
0xa7: {  	[dreg:$0x4] =	wrdreg $0xC0  }
0xa8: {  	_ =	task [dreg:s5], $0x5FFFF  }
0xa9: {  	[dreg:$0x1] =	wrdreg $0xFFFFFFFF  }
0xaa: {  	[dreg:$0x0] =	wrdreg $0x60  }
0xab: {  	[dreg:$0x2] =	wrdreg s22  }
0xac: {  	[dreg:$0x3] =	wrdreg s0  }
0xad: {  	[dreg:$0x4] =	wrdreg $0x22000  }
0xae: {  	[dreg:$0x5] =	wrdreg $0x9  }
0xaf: {  	_ =	task.clear_ibuf [dreg:s5], $0x6FFFF;
	_ =	strace $0x90000046  }
0xb0: {  	s26 =	simm.s32 $0x9;
	_ =	strace $0x80000048  }
0xb1: {  	_ =	swait.ge [sflag:s26], $0x1  }
0xb2: {  	[sflag:s26] =	ssyncadd.s32 $0xFFFFFFFF  }
0xb3: {  	_ =	strace $0x90000048  }
0xb4: {  	_ =	sfence  }
0xb5: {  	s28 =	sld [smem:$0x0];
	_ =	sdelay $0x1  }
0xb6: {  	s29 =	srdreg.scid  }
0xb7: {  	s30 =	sshll.u32 s29, $0xD;
	s31 =	sshrl.u32 s29, $0x2  }
0xb8: {  	s2 =	sand.u32 $0x4000, s30;
	s1 =	sand.u32 $0x1, s29;
	s0 =	sadd.s32 s31, s28  }
0xb9: {  	s1 =	sor.u32 s2, s1;
	s0 =	sshll.u32 s0, $0x11  }
0xba: {  	s0 =	sor.u32 s0, s1  }
0xbb: {  	s0 =	sadd.s32 $0x8F2B, s0  }
0xbc: {  	[sflag:s0] =	ssyncadd.remote.s32 $0x1  }
0xbd: {  	_ =	sfence.sel $0xFFFF  }
0xbe: {  	[dreg:$0x0] =	wrdreg $0xFFFFFFFF;
	(pc) =	sbr.abs _section_cstart, $3  }
0xbf: {  	[dreg:$0x1] =	wrdreg $0xFFFFFFFF  }
0xc0: {  	_ =	task.clear_ibuf [dreg:s5], $0x2FFFF;
	_ =	strace $0x9FFFFFFF  }
0xc1: {  	(tm) =	ssettm $0x7FFFFFFF  }
tec
execute0_lowered:
.L_overlay_start_1:
0x0: {  	(tag) =	ssettag $0x1  }
0x1: {  	s5 =	rddreg [dreg:$0x0]  }
0x2: {  	s1 =	rddreg [dreg:$0x1]  }
0x3: {  	s3 =	rddreg [dreg:$0x2];
	s4 =	stileid.u32  }
0x4: {  	s0 =	rddreg [dreg:$0x3];
	s6 =	simm.s32 $0x0;
	s2 =	sshll.u32 s4, $0x9  }
0x5: {  	[smem:$0x7FF] =	sst s6;
	s5 =	sadd.s32 s2, s5  }
0x6: {  	s30 =	simm.s32 $0x1;
	_ =	strace $0x80000047;
	s7 =	sadd.s32 $0xC00, s5  }
0x7: {  	[tilespmem:s6], [sflag:$0x1] =	stream.linear.gather [hbm4b:s7+s6], $0x1000, $0x38;
	[tilespmem:$0x4480] =	vst v63  }
0x8: {  	_ =	swait.ge [sflag:s30], $0x1000  }
0x9: {  	[sflag:s30] =	ssyncset.done $0x0  }
0xa: {  	s8 =	simm.s32 $0x1000;
	s5 =	sadd.s32 $0x2C00, s5;
	[sflag:s30] =	ssyncadd.s32 $0xFFFFF000  }
0xb: {  	[tilespmem:s8], [sflag:$0x1] =	stream.linear.gather [hbm4b:s5+s6], $0x1000, $0x38;
	[tilespmem:$0x4480] =	vst v63  }
0xc: {  	_ =	swait.ge [sflag:s30], $0x1000  }
0xd: {  	[sflag:s30] =	ssyncset.done $0x0  }
0xe: {  	s31 =	simm.s32 $0x0;
	[sflag:s30] =	ssyncadd.s32 $0xFFFFF000  }
0xf: {  	v0 =	vld [tilespmem:s31+$0x1000]  }
0x10: {  	v3 =	vld [tilespmem:s31+$0x0]  }
0x11: {  	v1 =	vimm.f32 $0.0e+00  }
0x12: {  	v9 =	vimm.f32 $0.0e+00;
	v6 =	vimm.f32 $0.0e+00;
	v12 =	vimm.f32 $0.0e+00  }
0x13: {  	v11 =	vimm.f32 $0.0e+00;
	v7 =	vimm.f32 $0.0e+00;
	v16 =	vimm.f32 $0.0e+00  }
0x14: {  	v19 =	vimm.f32 $0.0e+00;
	v18 =	vimm.f32 $0.0e+00;
	v24 =	vimm.f32 $0.0e+00  }
0x15: {  	v23 =	vimm.f32 $0.0e+00;
	v0 =	vsub.f32 v3, v0;
	vm0 =	vgt.f32 v3, $5.000000070e-02  }
0x16: {  	vm5 =	vgt.f32 v3, $2.500000000e-01;
	vm6 =	vgt.f32 v3, $1.000000010e-01;
	vm1 =	vgt.f32 v3, $1.500000060e-01  }
0x17: {  	vm7 =	vgt.f32 v3, $2.000000030e-01;
	vm8 =	vgt.f32 v3, $3.000000120e-01;
	vm2 =	vgt.f32 v3, $3.499999940e-01  }
0x18: {  	vm3 =	vgt.f32 v3, $5.500000120e-01;
	vm9 =	vgt.f32 v3, $4.499999880e-01;
	vm10 =	vgt.f32 v3, $5.000000000e-01  }
0x19: {  	vm4 =	vgt.f32 v3, $6.499999760e-01;
	vm11 =	vgt.f32 v3, $6.999999880e-01;
	vm12 =	vgt.f32 v3, $7.500000000e-01  }
0x1a: {  	vm13 =	vgt.f32 v3, $8.000000110e-01;
	vm14 =	vgt.f32 v3, $8.500000230e-01;
	v10 =	vadd.f32 v0, v1  }
0x1b: {  	v2 =	vnsel vm3, $0x0, v0;
	vm3 =	vgt.f32 v3, $6.000000240e-01;
	v4 =	vnsel vm5, $0x0, v0  }
0x1c: {  	vm5 =	vgt.f32 v3, $4.000000060e-01;
	v21 =	vnsel vm11, $0x0, v0;
	v5 =	vnsel vm8, $0x0, v0  }
0x1d: {  	v22 =	vnsel vm12, $0x0, v0;
	v20 =	vnsel vm13, $0x0, v0;
	v17 =	vnsel vm14, $0x0, v0  }
0x1e: {  	v25 =	vnsel vm9, $0x0, v0;
	v26 =	vnsel vm10, $0x0, v0;
	v2 =	vadd.f32 v2, v1  }
0x1f: {  	v8 =	vadd.f32 v4, v1;
	v4 =	vnsel vm7, $0x0, v0;
	v14 =	vadd.f32 v5, v1  }
0x20: {  	v13 =	vadd.f32 v4, v1;
	v4 =	vnsel vm6, $0x0, v0;
	vm6 =	vgt.f32 v3, $9.499999880e-01  }
0x21: {  	v5 =	vimm.f32 $0.0e+00;
	v15 =	vadd.f32 v4, v1;
	v4 =	vnsel vm6, $0x0, v0  }
0x22: {  	s5 =	simm.s32 $0x40;
	vm6 =	vgt.f32 v3, $8.999999760e-01;
	v3 =	vadd.f32 v4, v1;
	v4 =	vimm.f32 $0.0e+00  }
.LBB2_1:
0x23: {  	s6 =	sshra.s32 s5, $0x2;
	p0 =	sne.s32 s5, $0x3FC0;
	s5 =	sadd.s32 $0x40, s5;
	v1 =	vadd.f32 v26, v1;
	v26 =	vnsel vm4, $0x0, v0;
	v9 =	vadd.f32 v21, v9  }
0x24: {  	v27 =	vnsel vm3, $0x0, v0;
	v6 =	vadd.f32 v22, v6;
	v22 =	vnsel vm6, $0x0, v0;
	v21 =	vld [tilespmem:s6+$0x1000]  }
0x25: {  	v29 =	vnsel vm5, $0x0, v0;
	v12 =	vadd.f32 v27, v12;
	v4 =	vadd.f32 v22, v4;
	v28 =	vld [tilespmem:s6+$0x0]  }
0x26: {  	v7 =	vadd.f32 v20, v7;
	v22 =	vnsel vm2, $0x0, v0;
	v11 =	vadd.f32 v26, v11  }
0x27: {  	v20 =	vnsel vm1, $0x0, v0;
	v16 =	vadd.f32 v25, v16;
	v5 =	vadd.f32 v17, v5  }
0x28: {  	v0 =	vnsel vm0, $0x0, v0;
	v18 =	vadd.f32 v29, v18;
	v19 =	vadd.f32 v22, v19  }
0x29: {  	v23 =	vadd.f32 v20, v23;
	v24 =	vadd.f32 v0, v24  }
0x2a: {  	v0 =	vsub.f32 v28, v21;
	vm0 =	vgt.f32 v28, $5.000000070e-02;
	vm5 =	vgt.f32 v28, $2.500000000e-01  }
0x2b: {  	vm6 =	vgt.f32 v28, $1.000000010e-01;
	vm1 =	vgt.f32 v28, $1.500000060e-01;
	vm7 =	vgt.f32 v28, $2.000000030e-01  }
0x2c: {  	vm8 =	vgt.f32 v28, $3.000000120e-01;
	vm2 =	vgt.f32 v28, $3.499999940e-01;
	vm3 =	vgt.f32 v28, $5.500000120e-01  }
0x2d: {  	vm9 =	vgt.f32 v28, $4.499999880e-01;
	vm10 =	vgt.f32 v28, $5.000000000e-01;
	v10 =	vadd.f32 v0, v10  }
0x2e: {  	vm4 =	vgt.f32 v28, $6.499999760e-01;
	v17 =	vnsel vm3, $0x0, v0;
	vm3 =	vgt.f32 v28, $6.000000240e-01  }
0x2f: {  	vm11 =	vgt.f32 v28, $6.999999880e-01;
	vm12 =	vgt.f32 v28, $7.500000000e-01;
	v2 =	vadd.f32 v17, v2  }
0x30: {  	vm13 =	vgt.f32 v28, $8.000000110e-01;
	vm14 =	vgt.f32 v28, $8.500000230e-01;
	v17 =	vnsel vm5, $0x0, v0  }
0x31: {  	v21 =	vnsel vm11, $0x0, v0;
	vm5 =	vgt.f32 v28, $4.000000060e-01;
	v8 =	vadd.f32 v17, v8  }
.Ltmp0:
0x32: {  	v27 =	vnsel vm8, $0x0, v0;
	v22 =	vnsel vm12, $0x0, v0;
	v17 =	vnsel vm7, $0x0, v0;
	(pc) =	sbr.rel @p0 .LBB2_1-.Ltmp0, $4  }
0x33: {  	v20 =	vnsel vm13, $0x0, v0;
	v13 =	vadd.f32 v17, v13;
	v17 =	vnsel vm14, $0x0, v0  }
0x34: {  	v26 =	vnsel vm6, $0x0, v0;
	v25 =	vnsel vm9, $0x0, v0;
	vm6 =	vgt.f32 v28, $9.499999880e-01  }
0x35: {  	v15 =	vadd.f32 v26, v15;
	v26 =	vnsel vm10, $0x0, v0;
	v29 =	vnsel vm6, $0x0, v0  }
0x36: {  	v14 =	vadd.f32 v27, v14;
	vm6 =	vgt.f32 v28, $8.999999760e-01;
	v3 =	vadd.f32 v29, v3  }
0x37: {  	_ = 	snop  }
0x38: {  	v63 =	vimm.f32 $0.0e+00;
	[tilespmem:$0x2130] =	vst v3  }
0x39: {  	[tilespmem:$0x2140] =	vst v63  }
0x3a: {  	[tilespmem:$0x2150] =	vst v63  }
0x3b: {  	[tilespmem:$0x2160] =	vst v63  }
0x3c: {  	[tilespmem:$0x2170] =	vst v63  }
0x3d: {  	[tilespmem:$0x2180] =	vst v63  }
0x3e: {  	[tilespmem:$0x2190] =	vst v63  }
0x3f: {  	[tilespmem:$0x21A0] =	vst v63  }
0x40: {  	[tilespmem:$0x21B0] =	vst v63  }
0x41: {  	[tilespmem:$0x21C0] =	vst v63  }
0x42: {  	v46 =	vsub.f32 v13, v8;
	[tilespmem:$0x21D0] =	vst v63  }
0x43: {  	v16 =	vadd.f32 v25, v16;
	v1 =	vadd.f32 v26, v1;
	[tilespmem:$0x21E0] =	vst v63  }
0x44: {  	v9 =	vadd.f32 v21, v9;
	v48 =	vsub.f32 v8, v14;
	[tilespmem:$0x21F0] =	vst v63  }
0x45: {  	v6 =	vadd.f32 v22, v6;
	[tilespmem:$0x2040] =	vst v46;
	v54 =	vsub.f32 v16, v1  }
0x46: {  	v7 =	vadd.f32 v20, v7;
	v1 =	vsub.f32 v1, v2;
	[tilespmem:$0x2050] =	vst v48  }
0x47: {  	v27 =	vnsel vm0, $0x0, v0;
	v5 =	vadd.f32 v17, v5;
	v59 =	vsub.f32 v9, v6;
	[tilespmem:$0x2090] =	vst v54  }
0x48: {  	v24 =	vadd.f32 v27, v24;
	v60 =	vsub.f32 v6, v7;
	[tilespmem:$0x20A0] =	vst v1  }
0x49: {  	v42 =	vnsel vm1, $0x0, v0;
	v61 =	vsub.f32 v7, v5;
	[tilespmem:$0x20E0] =	vst v59  }
0x4a: {  	v23 =	vadd.f32 v42, v23;
	v10 =	vsub.f32 v10, v24;
	[tilespmem:$0x20F0] =	vst v60  }
0x4b: {  	v45 =	vnsel vm5, $0x0, v0;
	v24 =	vsub.f32 v24, v15;
	[tilespmem:$0x2100] =	vst v61  }
0x4c: {  	v51 =	vnsel vm3, $0x0, v0;
	v47 =	vadd.f32 v45, v18;
	v43 =	vsub.f32 v15, v23;
	[tilespmem:$0x2000] =	vst v10  }
0x4d: {  	v53 =	vnsel vm4, $0x0, v0;
	v12 =	vadd.f32 v51, v12;
	v23 =	vsub.f32 v23, v13;
	[tilespmem:$0x2010] =	vst v24  }
0x4e: {  	v11 =	vadd.f32 v53, v11;
	v52 =	vsub.f32 v47, v16;
	[tilespmem:$0x2020] =	vst v43  }
0x4f: {  	v58 =	vnsel vm6, $0x0, v0;
	v55 =	vsub.f32 v2, v12;
	[tilespmem:$0x2030] =	vst v23  }
0x50: {  	v44 =	vnsel vm2, $0x0, v0;
	v0 =	vadd.f32 v58, v4;
	v56 =	vsub.f32 v12, v11;
	[tilespmem:$0x2080] =	vst v52  }
0x51: {  	v57 =	vsub.f32 v11, v9;
	[tilespmem:$0x20B0] =	vst v55  }
0x52: {  	v15 =	vadd.f32 v44, v19;
	v62 =	vsub.f32 v5, v0;
	[tilespmem:$0x20C0] =	vst v56  }
0x53: {  	v0 =	vsub.f32 v0, v3;
	[tilespmem:$0x20D0] =	vst v57  }
0x54: {  	v49 =	vsub.f32 v14, v15;
	[tilespmem:$0x2110] =	vst v62  }
0x55: {  	s2 =	sand.u32 $0x1000, s2;
	s5 =	sshll.u32 s4, $0x7;
	v50 =	vsub.f32 v15, v47;
	[tilespmem:$0x2120] =	vst v0  }
0x56: {  	s31 =	simm.s32 $0x80;
	s5 =	sand.u32 $0x380, s5;
	s2 =	sadd.s32 s2, s3;
	[tilespmem:$0x2060] =	vst v49  }
0x57: {  	s6 =	simm.s32 $0x400;
	s7 =	simm.s32 $0x2000;
	s2 =	sadd.s32 s5, s2;
	[tilespmem:$0x2070] =	vst v50  }
0x58: {  	[spmem:s2] =	stream.strided.scatter [tilespmem:s7], [sflag:$0x1], $0x200, s6, s31, $0x38;
	[tilespmem:$0x4480] =	vst v63  }
0x59: {  	s2 =	simm.s32 $0x1  }
0x5a: {  	_ =	swait.ge [sflag:s2], $0x200  }
0x5b: {  	[sflag:s2] =	ssyncset.done $0x0  }
0x5c: {  	[sflag:s2] =	ssyncadd.s32 $0xFFFFFE00  }
0x5d: {  	p0 =	sne.s32 s4, $0x0;
	[bflag:$0x0] =	sbarrier.arrive $0xFFFF  }
0x5e: {  	_ =	sfence.sel @p0 $0x180000  }
0x5f: {  	[bflag:$0x0] =	sbarrier.arrive @p0 $0xFFFF  }
0x60: {  	_ =	strace @p0 $0x90000047  }
0x61: {  	[bflag:$0x2] =	sbarrier.arrive @p0 $0xFFFF  }
0x62: {  	_ =	shalt @p0  }
.LBB2_3:
0x63: {  	s4 =	simm.s32 $0x2400  }
0x64: {  	[tilespmem:s4], [sflag:$0x1] =	stream.linear.gather [spmem:s3], $0x2000, $0x38;
	[tilespmem:$0x4480] =	vst v63  }
0x65: {  	_ =	swait.ge [sflag:s2], $0x2000  }
0x66: {  	[sflag:s2] =	ssyncset.done $0x0  }
0x67: {  	[sflag:s2] =	ssyncadd.s32 $0xFFFFE000  }
0x68: {  	v4 =	vld [tilespmem:$0x2400]  }
0x69: {  	v6 =	vld [tilespmem:$0x2480]  }
0x6a: {  	v8 =	vld [tilespmem:$0x2500]  }
0x6b: {  	v54 =	vld [tilespmem:$0x2580]  }
0x6c: {  	v41 =	vld [tilespmem:$0x2600]  }
0x6d: {  	v29 =	vld [tilespmem:$0x2680]  }
0x6e: {  	v31 =	vld [tilespmem:$0x2700]  }
0x6f: {  	v42 =	vld [tilespmem:$0x2780]  }
0x70: {  	v55 =	vld [tilespmem:$0x3400]  }
0x71: {  	v19 =	vld [tilespmem:$0x3480]  }
0x72: {  	v23 =	vld [tilespmem:$0x3500]  }
0x73: {  	v27 =	vld [tilespmem:$0x3580]  }
0x74: {  	v51 =	vld [tilespmem:$0x3600]  }
0x75: {  	v37 =	vld [tilespmem:$0x3680]  }
0x76: {  	v43 =	vld [tilespmem:$0x3700]  }
0x77: {  	v48 =	vld [tilespmem:$0x3780]  }
0x78: {  	v0 =	vld [tilespmem:$0x2410]  }
0x79: {  	v1 =	vld [tilespmem:$0x2490]  }
0x7a: {  	v2 =	vld [tilespmem:$0x2510]  }
0x7b: {  	v3 =	vld [tilespmem:$0x2590]  }
0x7c: {  	v5 =	vld [tilespmem:$0x2610]  }
0x7d: {  	v7 =	vld [tilespmem:$0x2690]  }
0x7e: {  	v9 =	vld [tilespmem:$0x2710]  }
0x7f: {  	v10 =	vld [tilespmem:$0x2790]  }
0x80: {  	v11 =	vld [tilespmem:$0x3410]  }
0x81: {  	v12 =	vld [tilespmem:$0x3490]  }
0x82: {  	v13 =	vld [tilespmem:$0x3510]  }
0x83: {  	v14 =	vld [tilespmem:$0x3590]  }
0x84: {  	v17 =	vld [tilespmem:$0x3610]  }
0x85: {  	v20 =	vld [tilespmem:$0x3690]  }
0x86: {  	v24 =	vld [tilespmem:$0x3710]  }
0x87: {  	v32 =	vld [tilespmem:$0x3790]  }
0x88: {  	v30 =	vld [tilespmem:$0x2420]  }
0x89: {  	v34 =	vld [tilespmem:$0x24A0]  }
0x8a: {  	v39 =	vld [tilespmem:$0x2520]  }
0x8b: {  	v45 =	vld [tilespmem:$0x25A0]  }
0x8c: {  	v47 =	vld [tilespmem:$0x2620]  }
0x8d: {  	v53 =	vld [tilespmem:$0x26A0]  }
0x8e: {  	v60 =	vld [tilespmem:$0x2720]  }
0x8f: {  	v15 =	vld [tilespmem:$0x27A0]  }
0x90: {  	v18 =	vld [tilespmem:$0x3420]  }
0x91: {  	v21 =	vld [tilespmem:$0x34A0]  }
0x92: {  	v22 =	vld [tilespmem:$0x3520]  }
0x93: {  	v25 =	vld [tilespmem:$0x35A0]  }
0x94: {  	v26 =	vld [tilespmem:$0x3620]  }
0x95: {  	v28 =	vld [tilespmem:$0x36A0]  }
0x96: {  	v33 =	vld [tilespmem:$0x3720]  }
0x97: {  	v35 =	vld [tilespmem:$0x37A0]  }
0x98: {  	v16 =	vld [tilespmem:$0x2430]  }
0x99: {  	v38 =	vld [tilespmem:$0x26B0]  }
0x9a: {  	v46 =	vld [tilespmem:$0x2730]  }
0x9b: {  	v56 =	vld [tilespmem:$0x27B0]  }
0x9c: {  	v61 =	vld [tilespmem:$0x3430]  }
0x9d: {  	v36 =	vld [tilespmem:$0x34B0]  }
0x9e: {  	v40 =	vld [tilespmem:$0x3530]  }
0x9f: {  	v44 =	vld [tilespmem:$0x35B0]  }
0xa0: {  	v49 =	vld [tilespmem:$0x3630]  }
0xa1: {  	v50 =	vld [tilespmem:$0x36B0]  }
0xa2: {  	v52 =	vld [tilespmem:$0x3730]  }
0xa3: {  	v57 =	vld [tilespmem:$0x37B0]  }
0xa4: {  	v62 =	vld [tilespmem:$0x26C0]  }
0xa5: {  	v58 =	vld [tilespmem:$0x2740];
	[tilespmem:$0x1F930] =	vst v15  }
0xa6: {  	v59 =	vld [tilespmem:$0x27C0];
	[tilespmem:$0x1F940] =	vst v18  }
0xa7: {  	v63 =	vld [tilespmem:$0x3440];
	[tilespmem:$0x1F950] =	vst v21  }
0xa8: {  	[tilespmem:$0x1F960] =	vst v22;
	v18 =	vld [tilespmem:$0x24B0]  }
0xa9: {  	[tilespmem:$0x1F980] =	vst v25;
	v22 =	vld [tilespmem:$0x2530]  }
0xaa: {  	[tilespmem:$0x1F9A0] =	vst v26;
	v25 =	vld [tilespmem:$0x25B0]  }
0xab: {  	[tilespmem:$0x1FA00] =	vst v33;
	v33 =	vld [tilespmem:$0x2630]  }
0xac: {  	[tilespmem:$0x1F9D0] =	vst v28;
	v28 =	vld [tilespmem:$0x2440]  }
0xad: {  	[tilespmem:$0x1FA40] =	vst v35;
	v35 =	vld [tilespmem:$0x24C0]  }
0xae: {  	[tilespmem:$0x1F990] =	vst v40;
	v40 =	vld [tilespmem:$0x2540]  }
0xaf: {  	[tilespmem:$0x1F9E0] =	vst v49;
	v49 =	vld [tilespmem:$0x25C0]  }
0xb0: {  	[tilespmem:$0x1FA80] =	vst v57;
	v57 =	vld [tilespmem:$0x2640]  }
0xb1: {  	[tilespmem:$0x1F970] =	vst v36;
	v21 =	vld [tilespmem:$0x34C0]  }
0xb2: {  	[tilespmem:$0x1F9B0] =	vst v44;
	v26 =	vld [tilespmem:$0x3540]  }
0xb3: {  	[tilespmem:$0x1FA10] =	vst v50;
	v36 =	vld [tilespmem:$0x35C0]  }
0xb4: {  	[tilespmem:$0x1FA50] =	vst v52;
	v44 =	vld [tilespmem:$0x3640]  }
0xb5: {  	[tilespmem:$0x1F9C0] =	vst v58;
	v50 =	vld [tilespmem:$0x36C0]  }
0xb6: {  	[tilespmem:$0x1F9F0] =	vst v59;
	v52 =	vld [tilespmem:$0x3740]  }
0xb7: {  	[tilespmem:$0x1FA20] =	vst v63;
	v58 =	vld [tilespmem:$0x37C0]  }
0xb8: {  	v59 =	vld [tilespmem:$0x3450];
	[tilespmem:$0x1FA60] =	vst v21  }
0xb9: {  	v63 =	vld [tilespmem:$0x34D0];
	[tilespmem:$0x1FAA0] =	vst v26  }
0xba: {  	v15 =	vld [tilespmem:$0x2450];
	[tilespmem:$0x1FAD0] =	vst v36  }
0xbb: {  	[tilespmem:$0x1FB00] =	vst v44;
	v21 =	vld [tilespmem:$0x24D0]  }
0xbc: {  	[tilespmem:$0x1FB40] =	vst v50;
	v50 =	vld [tilespmem:$0x27D0]  }
0xbd: {  	[tilespmem:$0x1FA70] =	vst v59;
	v59 =	vld [tilespmem:$0x3550]  }
0xbe: {  	v0 =	vadd.f32 $0.0e+00, v0;
	[tilespmem:$0x1FAB0] =	vst v63;
	v63 =	vld [tilespmem:$0x35D0]  }
0xbf: {  	[tilespmem:$0x1FB80] =	vst v52;
	v26 =	vld [tilespmem:$0x2550]  }
0xc0: {  	v0 =	vadd.f32 v1, v0;
	[tilespmem:$0x1FBC0] =	vst v58;
	v36 =	vld [tilespmem:$0x25D0]  }
0xc1: {  	v44 =	vld [tilespmem:$0x2650];
	[tilespmem:$0x1FA30] =	vst v50  }
0xc2: {  	v0 =	vadd.f32 v2, v0;
	v52 =	vld [tilespmem:$0x26D0];
	[tilespmem:$0x1FAE0] =	vst v59  }
0xc3: {  	v58 =	vld [tilespmem:$0x2750];
	[tilespmem:$0x1FB10] =	vst v63  }
0xc4: {  	v4 =	vadd.f32 $0.0e+00, v4;
	v0 =	vadd.f32 v3, v0;
	v50 =	vld [tilespmem:$0x3650]  }
0xc5: {  	v59 =	vld [tilespmem:$0x36D0]  }
0xc6: {  	v4 =	vadd.f32 v6, v4;
	v0 =	vadd.f32 v5, v0;
	v63 =	vld [tilespmem:$0x3750]  }
0xc7: {  	v6 =	vld [tilespmem:$0x3880]  }
0xc8: {  	v4 =	vadd.f32 v8, v4;
	v0 =	vadd.f32 v7, v0;
	v8 =	vld [tilespmem:$0x3900]  }
0xc9: {  	v5 =	vld [tilespmem:$0x3A90]  }
0xca: {  	v7 =	vld [tilespmem:$0x3B90];
	v0 =	vadd.f32 v9, v0  }
0xcb: {  	v9 =	vld [tilespmem:$0x2B10]  }
0xcc: {  	v0 =	vadd.f32 v10, v0;
	v10 =	vld [tilespmem:$0x2B90]  }
0xcd: {  	[tilespmem:$0x1FB90] =	vst v59;
	v59 =	vld [tilespmem:$0x37D0]  }
0xce: {  	[tilespmem:$0x1FBD0] =	vst v63;
	v63 =	vld [tilespmem:$0x2460]  }
0xcf: {  	[tilespmem:$0x1FB50] =	vst v50;
	v50 =	vld [tilespmem:$0x2470]  }
0xd0: {  	[tilespmem:$0x1FE00] =	vst v8;
	v8 =	vld [tilespmem:$0x3980]  }
0xd1: {  	[tilespmem:$0x1FDD0] =	vst v6;
	v6 =	vadd.f32 v54, v4;
	v54 =	vld [tilespmem:$0x3A00]  }
0xd2: {  	v4 =	vld [tilespmem:$0x3A80]  }
0xd3: {  	v0 =	vadd.f32 v11, v0;
	v11 =	vld [tilespmem:$0x3810]  }
0xd4: {  	[tilespmem:$0x1FEF0] =	vst v7;
	v7 =	vld [tilespmem:$0x1F950]  }
0xd5: {  	[tilespmem:$0x1FD70] =	vst v9;
	v9 =	vadd.f32 $0.0e+00, v30;
	v30 =	vld [tilespmem:$0x3AA0]  }
0xd6: {  	v1 =	vadd.f32 v41, v6;
	v6 =	vld [tilespmem:$0x3B00]  }
0xd7: {  	v41 =	vld [tilespmem:$0x2910]  }
0xd8: {  	v0 =	vadd.f32 v12, v0;
	v12 =	vld [tilespmem:$0x2B20]  }
0xd9: {  	[tilespmem:$0x1FDA0] =	vst v10;
	v10 =	vld [tilespmem:$0x2AA0]  }
0xda: {  	v1 =	vadd.f32 v29, v1;
	v29 =	vld [tilespmem:$0x2810]  }
0xdb: {  	v0 =	vadd.f32 v13, v0;
	v13 =	vadd.f32 v34, v9;
	v34 =	vld [tilespmem:$0x3BA0]  }
0xdc: {  	[tilespmem:$0x1FC00] =	vst v59;
	v59 =	vld [tilespmem:$0x24E0]  }
0xdd: {  	[tilespmem:$0x1FA90] =	vst v63;
	v63 =	vld [tilespmem:$0x2560]  }
0xde: {  	[tilespmem:$0x1FE20] =	vst v8;
	v8 =	vld [tilespmem:$0x3B80]  }
0xdf: {  	[tilespmem:$0x1FE40] =	vst v54;
	v54 =	vld [tilespmem:$0x2A10]  }
0xe0: {  	[tilespmem:$0x1FE60] =	vst v4;
	v4 =	vld [tilespmem:$0x3A10]  }
0xe1: {  	[tilespmem:$0x1FDE0] =	vst v11;
	v11 =	vld [tilespmem:$0x2820]  }
0xe2: {  	v1 =	vadd.f32 v31, v1;
	v31 =	vld [tilespmem:$0x2890]  }
0xe3: {  	v0 =	vadd.f32 v14, v0;
	v14 =	vadd.f32 $0.0e+00, v16;
	v16 =	vld [tilespmem:$0x2BA0]  }
0xe4: {  	[tilespmem:$0x1FF60] =	vst v30;
	v30 =	vld [tilespmem:$0x3A30]  }
0xe5: {  	[tilespmem:$0x1FE90] =	vst v6;
	v6 =	vld [tilespmem:$0x3B10]  }
0xe6: {  	[tilespmem:$0x1FEE0] =	vst v12;
	v12 =	vld [tilespmem:$0x1F960]  }
0xe7: {  	v1 =	vadd.f32 v42, v1;
	v42 =	vld [tilespmem:$0x2990]  }
0xe8: {  	v0 =	vadd.f32 v17, v0;
	v17 =	vld [tilespmem:$0x3820]  }
0xe9: {  	[tilespmem:$0x1FEB0] =	vst v10;
	v10 =	vld [tilespmem:$0x29B0]  }
0xea: {  	[tilespmem:$0x1FF80] =	vst v34;
	v34 =	vld [tilespmem:$0x1FA10]  }
0xeb: {  	[tilespmem:$0x1FAC0] =	vst v59;
	v59 =	vld [tilespmem:$0x25E0]  }
0xec: {  	[tilespmem:$0x1FAF0] =	vst v63;
	v63 =	vld [tilespmem:$0x2660]  }
0xed: {  	v1 =	vadd.f32 v55, v1;
	v55 =	vld [tilespmem:$0x2A90]  }
0xee: {  	[tilespmem:$0x1FEC0] =	vst v8;
	v8 =	vld [tilespmem:$0x2A20]  }
0xef: {  	v0 =	vadd.f32 v20, v0;
	v20 =	vld [tilespmem:$0x3920]  }
0xf0: {  	[tilespmem:$0x1FE70] =	vst v4;
	v4 =	vld [tilespmem:$0x2B30]  }
0xf1: {  	[tilespmem:$0x1FF00] =	vst v16;
	v16 =	vld [tilespmem:$0x1F9A0]  }
0xf2: {  	v1 =	vadd.f32 v19, v1;
	v19 =	vld [tilespmem:$0x3890]  }
0xf3: {  	v0 =	vadd.f32 v24, v0;
	v24 =	vld [tilespmem:$0x3A20]  }
0xf4: {  	[tilespmem:$0x1FED0] =	vst v6;
	v6 =	vld [tilespmem:$0x3830]  }
0xf5: {  	[tilespmem:$0x1FF10] =	vst v17;
	v17 =	vld [tilespmem:$0x1F9B0]  }
0xf6: {  	v1 =	vadd.f32 v23, v1;
	v23 =	vld [tilespmem:$0x3910]  }
0xf7: {  	v0 =	vadd.f32 v32, v0;
	v32 =	vld [tilespmem:$0x3B20]  }
0xf8: {  	[tilespmem:$0x1FB20] =	vst v59;
	v59 =	vld [tilespmem:$0x26E0]  }
0xf9: {  	[tilespmem:$0x1FB60] =	vst v63;
	v63 =	vld [tilespmem:$0x2760]  }
0xfa: {  	[tilespmem:$0x1FE80] =	vst v8;
	v8 =	vld [tilespmem:$0x2930]  }
0xfb: {  	[tilespmem:$0x1FF30] =	vst v20;
	v20 =	vld [tilespmem:$0x39B0]  }
0xfc: {  	v1 =	vadd.f32 v27, v1;
	v27 =	vld [tilespmem:$0x3990]  }
0xfd: {  	[tilespmem:$0x1FE10] =	vst v19;
	v19 =	vld [tilespmem:$0x38A0]  }
0xfe: {  	[tilespmem:$0x1FF50] =	vst v24;
	v24 =	vld [tilespmem:$0x1F9E0]  }
0xff: {  	v1 =	vadd.f32 v51, v1;
	v51 =	vld [tilespmem:$0x2920]  }
0x100: {  	[tilespmem:$0x1FE30] =	vst v23;
	v23 =	vld [tilespmem:$0x39A0]  }
0x101: {  	[tilespmem:$0x1FF70] =	vst v32;
	v32 =	vld [tilespmem:$0x1FA00]  }
0x102: {  	[tilespmem:$0x1FBA0] =	vst v59;
	v59 =	vld [tilespmem:$0x27E0]  }
0x103: {  	[tilespmem:$0x1FBE0] =	vst v63;
	v63 =	vld [tilespmem:$0x3460];
	v1 =	vadd.f32 v37, v1  }
0x104: {  	[tilespmem:$0x1FE50] =	vst v27;
	v27 =	vld [tilespmem:$0x28A0]  }
0x105: {  	v1 =	vadd.f32 v43, v1;
	[tilespmem:$0x1FF20] =	vst v19;
	v19 =	vld [tilespmem:$0x28B0]  }
0x106: {  	v43 =	vld [tilespmem:$0x1F930]  }
0x107: {  	v1 =	vadd.f32 v48, v1;
	v48 =	vld [tilespmem:$0x29A0]  }
0x108: {  	[tilespmem:$0x1FF40] =	vst v23;
	v23 =	vld [tilespmem:$0x1F9D0]  }
0x109: {  	[tilespmem:$0x1FC20] =	vst v59;
	v59 =	vld [tilespmem:$0x34E0]  }
0x10a: {  	[tilespmem:$0x1FC50] =	vst v63;
	v63 =	vld [tilespmem:$0x3560]  }
0x10b: {  	(xrf2) =	vadd.scan.msk.f32 $0xffff, v1;
	v1 =	vadd.f32 v18, v14;
	v14 =	vld [tilespmem:$0x1F980]  }
0x10c: {  	v11 =	vadd.f32 $0.0e+00, v11;
	v18 =	vld [tilespmem:$0x1F9C0]  }
0x10d: {  	(xrf2) =	vadd.scan.msk.f32 $0xffff, v0;
	v0 =	vadd.f32 v39, v13;
	v13 =	vld [tilespmem:$0x1F970]  }
0x10e: {  	v11 =	vadd.f32 v27, v11;
	v39 =	vadd.f32 $0.0e+00, v28;
	v28 =	vld [tilespmem:$0x1F9F0]  }
0x10f: {  	v1 =	vadd.f32 v22, v1;
	v22 =	vld [tilespmem:$0x2830]  }
0x110: {  	v11 =	vadd.f32 v51, v11;
	v51 =	vld [tilespmem:$0x1FE60]  }
0x111: {  	v3 =	vadd.f32 v35, v39;
	v39 =	vld [tilespmem:$0x2BB0]  }
0x112: {  	v35 =	vld [tilespmem:$0x1FA20]  }
0x113: {  	[tilespmem:$0x1FC80] =	vst v59;
	v59 =	vld [tilespmem:$0x35E0]  }
0x114: {  	v0 =	vadd.f32 v45, v0;
	[tilespmem:$0x1FCB0] =	vst v63;
	v63 =	vld [tilespmem:$0x3660]  }
0x115: {  	v1 =	vadd.f32 v25, v1;
	v25 =	vld [tilespmem:$0x2A30]  }
0x116: {  	v0 =	vadd.f32 v47, v0;
	v47 =	vadd.f32 $0.0e+00, v15;
	v15 =	vld [tilespmem:$0x1F990]  }
0x117: {  	v3 =	vadd.f32 v40, v3;
	v40 =	vld [tilespmem:$0x1FA50]  }
0x118: {  	v0 =	vadd.f32 v53, v0;
	v53 =	vld [tilespmem:$0x1F940]  }
0x119: {  	[tilespmem:$0x1FEA0] =	vst v5;
	v5 =	vadd.f32 v21, v47;
	v21 =	vld [tilespmem:$0x3B30]  }
0x11a: {  	v3 =	vadd.f32 v49, v3;
	v49 =	vld [tilespmem:$0x3BB0]  }
0x11b: {  	v47 =	vld [tilespmem:$0x1FA80]  }
0x11c: {  	[tilespmem:$0x1FCE0] =	vst v59;
	v59 =	vld [tilespmem:$0x36E0]  }
0x11d: {  	v1 =	vadd.f32 v33, v1;
	[tilespmem:$0x1FD10] =	vst v63;
	v63 =	vld [tilespmem:$0x3760]  }
0x11e: {  	v22 =	vadd.f32 $0.0e+00, v22;
	v5 =	vadd.f32 v26, v5;
	v26 =	vld [tilespmem:$0x3930]  }
0x11f: {  	v37 =	vadd.f32 v38, v1;
	v3 =	vadd.f32 v57, v3;
	v57 =	vld [tilespmem:$0x3840]  }
0x120: {  	v19 =	vadd.f32 v19, v22;
	v22 =	vld [tilespmem:$0x1FE40]  }
0x121: {  	v0 =	vadd.f32 v60, v0;
	v2 =	vadd.f32 v46, v37;
	v46 =	vld [tilespmem:$0x38B0]  }
0x122: {  	v37 =	vld [tilespmem:$0x3AB0]  }
0x123: {  	v45 =	vadd.f32 v43, v0;
	v43 =	vld [tilespmem:$0x2AB0]  }
0x124: {  	v5 =	vadd.f32 v36, v5;
	v36 =	vld [tilespmem:$0x1FA30]  }
0x125: {  	v3 =	vadd.f32 v62, v3;
	v62 =	vadd.f32 $0.0e+00, v50;
	v50 =	vld [tilespmem:$0x2BC0]  }
0x126: {  	v33, _, _ =	vpop (xrf2);
	v8 =	vadd.f32 v8, v19;
	v19 =	vld [tilespmem:$0x3AE0]  }
0x127: {  	(v2sf) =	vpush v33, $0xF;
	v38, _, _ =	vpop (xrf2);
	[tilespmem:$0x1FF90] =	vst v21;
	v21 =	vld [tilespmem:$0x2940]  }
0x128: {  	(v2sf) =	vpush v38, $0xF;
	v38 =	vld [tilespmem:$0x1FA40]  }
0x129: {  	v2 =	vadd.f32 v56, v2;
	v56 =	vld [tilespmem:$0x2B40]  }
0x12a: {  	v5 =	vadd.f32 v44, v5;
	v44 =	vld [tilespmem:$0x1FA60]  }
0x12b: {  	v60 =	vadd.f32 v53, v45;
	v45 =	vld [tilespmem:$0x1FA70]  }
0x12c: {  	v3 =	vadd.f32 v18, v3;
	v18 =	vld [tilespmem:$0x3940]  }
0x12d: {  	v8 =	vadd.f32 v10, v8;
	v10 =	vld [tilespmem:$0x1FE90]  }
0x12e: {  	[tilespmem:$0x1FD40] =	vst v59;
	v59 =	vld [tilespmem:$0x37E0]  }
0x12f: {  	[tilespmem:$0x1FD80] =	vst v63;
	v63 =	vld [tilespmem:$0x2570]  }
0x130: {  	v2 =	vadd.f32 v61, v2;
	v61 =	vld [tilespmem:$0x1FAC0]  }
0x131: {  	v5 =	vadd.f32 v52, v5;
	v52 =	vld [tilespmem:$0x1FA90]  }
0x132: {  	v9 =	vadd.f32 v7, v60;
	v60 =	vld [tilespmem:$0x1FAB0]  }
0x133: {  	v8 =	vadd.f32 v25, v8;
	v25 =	vld [tilespmem:$0x2870]  }
0x134: {  	v2 =	vadd.f32 v13, v2;
	v13 =	vld [tilespmem:$0x1FAF0]  }
0x135: {  	v5 =	vadd.f32 v58, v5;
	v58 =	vld [tilespmem:$0x1FAA0]  }
0x136: {  	v3 =	vadd.f32 v28, v3;
	v7 =	vadd.f32 v12, v9;
	v12 =	vld [tilespmem:$0x1FAE0]  }
0x137: {  	[tilespmem:$0x1FB30] =	vst v63;
	v63 =	vld [tilespmem:$0x25F0]  }
0x138: {  	v3 =	vadd.f32 v35, v3;
	v35 =	vld [tilespmem:$0x1FB50]  }
0x139: {  	v8 =	vadd.f32 v43, v8;
	v43 =	vld [tilespmem:$0x2970]  }
0x13a: {  	v2 =	vadd.f32 v15, v2;
	v15 =	vld [tilespmem:$0x1FB10]  }
0x13b: {  	[tilespmem:$0x1FDB0] =	vst v59;
	v59 =	vld [tilespmem:$0x24F0]  }
0x13c: {  	[tilespmem:$0x1FB70] =	vst v63;
	v63 =	vld [tilespmem:$0x2670]  }
0x13d: {  	v5 =	vadd.f32 v36, v5;
	v36 =	vld [tilespmem:$0x29C0]  }
0x13e: {  	v7 =	vadd.f32 v14, v7;
	v14 =	vld [tilespmem:$0x1FB00]  }
0x13f: {  	v3 =	vadd.f32 v44, v3;
	v44 =	vld [tilespmem:$0x1FB60]  }
0x140: {  	v4 =	vadd.f32 v4, v8;
	v8 =	vld [tilespmem:$0x1FF20]  }
0x141: {  	[tilespmem:$0x1FBB0] =	vst v63;
	v63 =	vld [tilespmem:$0x26F0]  }
0x142: {  	v2 =	vadd.f32 v17, v2;
	v17 =	vld [tilespmem:$0x28C0]  }
0x143: {  	v53 =	vadd.f32 $0.0e+00, v52;
	v52 =	vld [tilespmem:$0x3AC0]  }
0x144: {  	v7 =	vadd.f32 v16, v7;
	v16 =	vld [tilespmem:$0x2840]  }
0x145: {  	v5 =	vadd.f32 v45, v5;
	v45 =	vld [tilespmem:$0x2AC0]  }
0x146: {  	[tilespmem:$0x1FBF0] =	vst v63;
	v63 =	vld [tilespmem:$0x2770]  }
0x147: {  	v3 =	vadd.f32 v58, v3;
	v58 =	vld [tilespmem:$0x38C0]  }
0x148: {  	v2 =	vadd.f32 v24, v2;
	v24 =	vld [tilespmem:$0x1FB30]  }
0x149: {  	v7 =	vadd.f32 v23, v7;
	v23 =	vld [tilespmem:$0x1FB20]  }
0x14a: {  	v5 =	vadd.f32 v60, v5;
	v60 =	vld [tilespmem:$0x3B40]  }
0x14b: {  	[tilespmem:$0x1FC30] =	vst v63;
	v63 =	vld [tilespmem:$0x27F0]  }
0x14c: {  	v2 =	vadd.f32 v34, v2;
	v34 =	vld [tilespmem:$0x1FB40]  }
0x14d: {  	v9 =	vadd.f32 v59, v62;
	v59 =	vld [tilespmem:$0x1FB90]  }
0x14e: {  	v33 =	vadd.f32 v32, v7;
	v7 =	vld [tilespmem:$0x1FAD0]  }
0x14f: {  	v5 =	vadd.f32 v12, v5;
	v12 =	vld [tilespmem:$0x1FBC0]  }
0x150: {  	[tilespmem:$0x1FC60] =	vst v63;
	v63 =	vld [tilespmem:$0x3470]  }
0x151: {  	[tilespmem:$0x1FFD0] =	vst v52;
	v52 =	vld [tilespmem:$0x2850]  }
0x152: {  	v2 =	vadd.f32 v40, v2;
	v40 =	vld [tilespmem:$0x2A40]  }
0x153: {  	v28 =	vadd.f32 v38, v33;
	v33 =	vld [tilespmem:$0x39C0]  }
0x154: {  	v38 =	vld [tilespmem:$0x3A40]  }
0x155: {  	[tilespmem:$0x1FC90] =	vst v63;
	v63 =	vld [tilespmem:$0x34F0]  }
0x156: {  	v5 =	vadd.f32 v15, v5;
	v15 =	vld [tilespmem:$0x1FBE0]  }
0x157: {  	v9 =	vadd.f32 v24, v9;
	v24 =	vld [tilespmem:$0x1FC00]  }
0x158: {  	v32 =	vadd.f32 v47, v2;
	v47 =	vld [tilespmem:$0x1FB70]  }
0x159: {  	v2 =	vadd.f32 v61, v53;
	v53 =	vld [tilespmem:$0x1FB80]  }
0x15a: {  	[tilespmem:$0x1FCC0] =	vst v63;
	v63 =	vld [tilespmem:$0x3570]  }
0x15b: {  	v61 =	vld [tilespmem:$0x1FBA0]  }
0x15c: {  	v5 =	vadd.f32 v35, v5;
	v35 =	vld [tilespmem:$0x1FC20]  }
0x15d: {  	(xrf2) =	vadd.scan.msk.f32 $0xffff, v28;
	v28 =	vld [tilespmem:$0x1FE20]  }
0x15e: {  	v62 =	vld [tilespmem:$0x1FBB0]  }
0x15f: {  	v16 =	vadd.f32 $0.0e+00, v16;
	[tilespmem:$0x1FCF0] =	vst v63;
	v63 =	vld [tilespmem:$0x35F0]  }
0x160: {  	v3 =	vadd.f32 v7, v3;
	v7 =	vld [tilespmem:$0x3BC0]  }
0x161: {  	v16 =	vadd.f32 v17, v16;
	v2 =	vadd.f32 v13, v2;
	v13 =	vld [tilespmem:$0x1FBD0]  }
0x162: {  	(xrf2) =	vadd.scan.msk.f32 $0xffff, v32;
	v32 =	vld [tilespmem:$0x38E0]  }
0x163: {  	v17 =	vadd.f32 $0.0e+00, v52;
	v52 =	vld [tilespmem:$0x2D00];
	v16 =	vadd.f32 v21, v16  }
0x164: {  	[tilespmem:$0x1FD20] =	vst v63;
	v63 =	vld [tilespmem:$0x3670]  }
0x165: {  	v2 =	vadd.f32 v23, v2;
	v16 =	vadd.f32 v36, v16;
	v36 =	vld [tilespmem:$0x2F00]  }
0x166: {  	v9 =	vadd.f32 v47, v9;
	v47 =	vld [tilespmem:$0x28D0]  }
0x167: {  	v2 =	vadd.f32 v44, v2;
	v44 =	vld [tilespmem:$0x2950]  }
0x168: {  	v3 =	vadd.f32 v14, v3;
	v16 =	vadd.f32 v40, v16;
	v40 =	vld [tilespmem:$0x3C80]  }
0x169: {  	[tilespmem:$0x1FD50] =	vst v63;
	v63 =	vld [tilespmem:$0x36F0]  }
0x16a: {  	[tilespmem:$0x1FFA0] =	vst v18;
	v5 =	vadd.f32 v59, v5;
	v3 =	vadd.f32 v34, v3;
	v18 =	vld [tilespmem:$0x1FBF0]  }
0x16b: {  	v9 =	vadd.f32 v62, v9;
	[tilespmem:$0x1FFF0] =	vst v7;
	v62 =	vadd.f32 $0.0e+00, v29;
	v7 =	vld [tilespmem:$0x2AD0]  }
0x16c: {  	v14 =	vadd.f32 v13, v5;
	v29 =	vld [tilespmem:$0x2B50]  }
0x16d: {  	v3 =	vadd.f32 v53, v3;
	v13 =	vadd.f32 v31, v62;
	v31 =	vld [tilespmem:$0x1FCB0]  }
0x16e: {  	[tilespmem:$0x1FD90] =	vst v63;
	v63 =	vld [tilespmem:$0x3770]  }
0x16f: {  	v16 =	vadd.f32 v45, v16;
	v59 =	vadd.f32 v12, v3;
	v12 =	vld [tilespmem:$0x1FC50]  }
0x170: {  	v17 =	vadd.f32 v47, v17;
	v47 =	vld [tilespmem:$0x2E00]  }
0x171: {  	v45 =	vadd.f32 v56, v16;
	v16 =	vld [tilespmem:$0x3E00]  }
0x172: {  	v56 =	vld [tilespmem:$0x1FFA0]  }
0x173: {  	[tilespmem:$0x1FDC0] =	vst v63;
	v63 =	vld [tilespmem:$0x37F0]  }
0x174: {  	[tilespmem:$0x1FFC0] =	vst v38;
	v2 =	vadd.f32 v61, v2;
	v38 =	vld [tilespmem:$0x1FC30]  }
0x175: {  	v23 =	vadd.f32 v18, v9;
	v18 =	vld [tilespmem:$0x1FC80]  }
0x176: {  	v2 =	vadd.f32 v15, v2;
	(xrf2) =	vadd.scan.msk.f32 $0xffff, v59;
	v59 =	vld [tilespmem:$0x1FE70]  }
0x177: {  	[tilespmem:$0x1FFE0] =	vst v60;
	v60 =	vadd.f32 v24, v14;
	v17 =	vadd.f32 v44, v17;
	v44 =	vld [tilespmem:$0x2F80]  }
0x178: {  	v2 =	vadd.f32 v35, v2;
	[tilespmem:$0x1FDF0] =	vst v63;
	v63 =	vld [tilespmem:$0x2800]  }
0x179: {  	(xrf2) =	vadd.scan.msk.f32 $0xffff, v60;
	v60 =	vld [tilespmem:$0x1FEC0]  }
0x17a: {  	v2 =	vadd.f32 v12, v2;
	v12 =	vld [tilespmem:$0x3950]  }
0x17b: {  	v5 =	vadd.f32 v38, v23;
	v38 =	vld [tilespmem:$0x29D0]  }
0x17c: {  	v14 =	vld [tilespmem:$0x1FC60];
	v2 =	vadd.f32 v18, v2  }
0x17d: {  	[tilespmem:$0x1FC10] =	vst v63;
	v63 =	vld [tilespmem:$0x2880]  }
0x17e: {  	v2 =	vadd.f32 v31, v2;
	v31 =	vld [tilespmem:$0x38D0]  }
0x17f: {  	v23 =	vld [tilespmem:$0x1FC90]  }
0x180: {  	v17 =	vadd.f32 v38, v17;
	v38 =	vld [tilespmem:$0x3C00]  }
0x181: {  	[tilespmem:$0x1FFB0] =	vst v33;
	v33 =	vld [tilespmem:$0x1FC10]  }
0x182: {  	v5 =	vadd.f32 v14, v5;
	[tilespmem:$0x1FC40] =	vst v63;
	v63 =	vld [tilespmem:$0x2900]  }
0x183: {  	v53 =	vld [tilespmem:$0x1FC40]  }
0x184: {  	v5 =	vadd.f32 v23, v5;
	v23 =	vld [tilespmem:$0x2BD0]  }
0x185: {  	v62 =	vld [tilespmem:$0x1FCF0]  }
0x186: {  	v34 =	vadd.f32 $0.0e+00, v33;
	v33 =	vld [tilespmem:$0x1FCC0]  }
0x187: {  	v13 =	vadd.f32 v41, v13;
	[tilespmem:$0x1FC70] =	vst v63;
	v63 =	vld [tilespmem:$0x2980]  }
0x188: {  	v61 =	vadd.f32 v53, v34;
	v34 =	vld [tilespmem:$0x2A50]  }
0x189: {  	v15 =	vld [tilespmem:$0x1FC70];
	v53 =	vadd.f32 v42, v13  }
0x18a: {  	v13 =	vld [tilespmem:$0x39D0]  }
0x18b: {  	v35 =	vadd.f32 v33, v5;
	v18 =	vadd.f32 v54, v53;
	v53 =	vld [tilespmem:$0x1FD10]  }
0x18c: {  	v54 =	vld [tilespmem:$0x1FD20]  }
0x18d: {  	v14 =	vadd.f32 v62, v35;
	v35 =	vld [tilespmem:$0x1FD50]  }
0x18e: {  	[tilespmem:$0x1FCA0] =	vst v63;
	v63 =	vld [tilespmem:$0x2A00]  }
0x18f: {  	v24 =	vld [tilespmem:$0x1FCA0]  }
0x190: {  	v9 =	vadd.f32 v15, v61;
	v15 =	vld [tilespmem:$0x3850]  }
0x191: {  	v61 =	vld [tilespmem:$0x1FCE0];
	v17 =	vadd.f32 v34, v17  }
0x192: {  	v34 =	vld [tilespmem:$0x3D00]  }
0x193: {  	v7 =	vadd.f32 v7, v17;
	v17 =	vld [tilespmem:$0x3E80]  }
0x194: {  	[tilespmem:$0x1FCD0] =	vst v63;
	v63 =	vld [tilespmem:$0x2A80]  }
0x195: {  	v29 =	vadd.f32 v29, v7;
	v7 =	vld [tilespmem:$0x3F00]  }
0x196: {  	v9 =	vadd.f32 v24, v9;
	v41 =	vld [tilespmem:$0x1FCD0]  }
0x197: {  	v2 =	vadd.f32 v61, v2;
	v24 =	vld [tilespmem:$0x3A50];
	v61 =	vadd.f32 v54, v14  }
0x198: {  	v14 =	vld [tilespmem:$0x3AD0];
	v23 =	vadd.f32 v23, v29  }
0x199: {  	v42 =	vadd.f32 v35, v61;
	v35 =	vld [tilespmem:$0x3BD0]  }
0x19a: {  	v15 =	vadd.f32 v15, v23;
	[tilespmem:$0x1FD00] =	vst v63;
	v63 =	vld [tilespmem:$0x2B00]  }
0x19b: {  	v61 =	vld [tilespmem:$0x1FD80]  }
0x19c: {  	v5 =	vld [tilespmem:$0x1FD00];
	v15 =	vadd.f32 v31, v15  }
0x19d: {  	v31 =	vld [tilespmem:$0x2E10]  }
0x19e: {  	v12 =	vadd.f32 v12, v15;
	v15 =	vld [tilespmem:$0x2F10]  }
0x19f: {  	[tilespmem:$0x1FD30] =	vst v63;
	v63 =	vld [tilespmem:$0x2B80]  }
0x1a0: {  	v9 =	vadd.f32 v41, v9;
	v12 =	vadd.f32 v13, v12;
	v13 =	vld [tilespmem:$0x3C10]  }
0x1a1: {  	v62 =	vld [tilespmem:$0x1FD30]  }
0x1a2: {  	v9 =	vadd.f32 v5, v9;
	v5 =	vadd.f32 v55, v18;
	v18 =	vld [tilespmem:$0x3B50]  }
0x1a3: {  	v55 =	vld [tilespmem:$0x1FD70];
	v12 =	vadd.f32 v24, v12  }
0x1a4: {  	v24 =	vld [tilespmem:$0x3D10]  }
0x1a5: {  	v12 =	vadd.f32 v14, v12;
	v14 =	vld [tilespmem:$0x3E10]  }
0x1a6: {  	[tilespmem:$0x1FD60] =	vst v63;
	v63 =	vld [tilespmem:$0x3800]  }
0x1a7: {  	v33 =	vadd.f32 v62, v9;
	v9 =	vld [tilespmem:$0x1FD40]  }
0x1a8: {  	v54 =	vld [tilespmem:$0x1FD60]  }
0x1a9: {  	v41 =	vadd.f32 v53, v2;
	v53 =	vadd.f32 v55, v5;
	v55 =	vld [tilespmem:$0x2860]  }
0x1aa: {  	v62 =	vld [tilespmem:$0x1FD90]  }
0x1ab: {  	v5 =	vld [tilespmem:$0x1FDA0]  }
0x1ac: {  	v12 =	vadd.f32 v18, v12;
	v41 =	vadd.f32 v9, v41;
	v9 =	vld [tilespmem:$0x1FDB0]  }
0x1ad: {  	v18 =	vld [tilespmem:$0x3F10]  }
0x1ae: {  	v12 =	vadd.f32 v35, v12;
	v35 =	vld [tilespmem:$0x2CA0];
	v33 =	vadd.f32 v54, v33  }
0x1af: {  	v42 =	vadd.f32 v62, v42;
	v62 =	vld [tilespmem:$0x2960];
	v41 =	vadd.f32 v61, v41  }
0x1b0: {  	v53 =	vadd.f32 v5, v53;
	v5 =	vld [tilespmem:$0x29E0]  }
0x1b1: {  	v33 =	vadd.f32 v63, v33;
	v63 =	vadd.f32 v9, v41;
	v41 =	vld [tilespmem:$0x1FDC0]  }
0x1b2: {  	v61 =	vld [tilespmem:$0x28E0]  }
0x1b3: {  	v9 =	vld [tilespmem:$0x1FDF0]  }
0x1b4: {  	v54 =	vld [tilespmem:$0x1FDE0]  }
0x1b5: {  	v55 =	vadd.f32 $0.0e+00, v55;
	(xrf2) =	vadd.scan.msk.f32 $0xffff, v63;
	v63 =	vld [tilespmem:$0x1FED0]  }
0x1b6: {  	v41 =	vadd.f32 v41, v42;
	v42 =	vld [tilespmem:$0x1FDD0]  }
0x1b7: {  	v21 =	vadd.f32 v61, v55;
	v55 =	vld [tilespmem:$0x2D90]  }
0x1b8: {  	v1 =	vadd.f32 v9, v41;
	v9 =	vld [tilespmem:$0x1FE10]  }
0x1b9: {  	v41 =	vld [tilespmem:$0x1FE00]  }
0x1ba: {  	v61 =	vld [tilespmem:$0x1FFF0]  }
0x1bb: {  	v33 =	vadd.f32 v42, v33;
	v42 =	vadd.f32 v54, v53;
	v53 =	vld [tilespmem:$0x2A60]  }
0x1bc: {  	v54 =	vld [tilespmem:$0x2AE0]  }
0x1bd: {  	v0 =	vadd.f32 v9, v42;
	v42 =	vld [tilespmem:$0x2B60]  }
0x1be: {  	v21 =	vadd.f32 v62, v21;
	v33 =	vadd.f32 v41, v33;
	v41 =	vld [tilespmem:$0x2BE0]  }
0x1bf: {  	v9 =	vld [tilespmem:$0x1FE30]  }
0x1c0: {  	v5 =	vadd.f32 v5, v21;
	v27 =	vadd.f32 v28, v33;
	v33 =	vld [tilespmem:$0x3860]  }
0x1c1: {  	v28 =	vld [tilespmem:$0x1FE50]  }
0x1c2: {  	v5 =	vadd.f32 v53, v5;
	v53 =	vld [tilespmem:$0x2C90]  }
0x1c3: {  	v22 =	vadd.f32 v22, v27;
	v27 =	vld [tilespmem:$0x39E0]  }
0x1c4: {  	v11 =	vadd.f32 v48, v11;
	v0 =	vadd.f32 v9, v0;
	v9 =	vld [tilespmem:$0x1FE80]  }
0x1c5: {  	v5 =	vadd.f32 v54, v5;
	v54 =	vld [tilespmem:$0x2D10];
	v48 =	vadd.f32 v51, v22  }
0x1c6: {  	v22 =	vld [tilespmem:$0x3A60]  }
0x1c7: {  	v10 =	vadd.f32 v10, v48;
	v48 =	vld [tilespmem:$0x1FEA0]  }
0x1c8: {  	v51 =	vld [tilespmem:$0x1FEB0];
	v0 =	vadd.f32 v28, v0  }
0x1c9: {  	v28 =	vld [tilespmem:$0x3960]  }
0x1ca: {  	v5 =	vadd.f32 v42, v5;
	v42 =	vld [tilespmem:$0x3F20];
	v0 =	vadd.f32 v59, v0  }
0x1cb: {  	v11 =	vadd.f32 v9, v11;
	v9 =	vld [tilespmem:$0x1FEE0]  }
0x1cc: {  	v5 =	vadd.f32 v41, v5;
	v41 =	vld [tilespmem:$0x3E30];
	v0 =	vadd.f32 v48, v0  }
0x1cd: {  	v10 =	vadd.f32 v60, v10;
	v60 =	vld [tilespmem:$0x1FEF0]  }
0x1ce: {  	v59 =	vadd.f32 v51, v11;
	v0 =	vadd.f32 v63, v0;
	v63 =	vld [tilespmem:$0x1FF00]  }
0x1cf: {  	v5 =	vadd.f32 v33, v5;
	v33 =	vld [tilespmem:$0x2E90]  }
0x1d0: {  	(xrf2) =	vadd.scan.msk.f32 $0xffff, v1;
	v1 =	vadd.f32 v9, v59;
	v9 =	vld [tilespmem:$0x1FF10]  }
0x1d1: {  	v11 =	vld [tilespmem:$0x3BE0]  }
0x1d2: {  	v51 =	vld [tilespmem:$0x28F0];
	v5 =	vadd.f32 v32, v5;
	v59, _, _ =	vpop (xrf2);
	(xrf2) =	vadd.scan.msk.f32 $0xffff, v10;
	v10 =	vadd.f32 v39, v4  }
0x1d3: {  	v48 =	vld [tilespmem:$0x3B60];
	v0 =	vadd.f32 v60, v0;
	v1 =	vadd.f32 v63, v1  }
0x1d4: {  	v5 =	vadd.f32 v28, v5;
	v28 =	vld [tilespmem:$0x3C90]  }
0x1d5: {  	v3, _, _ =	vpop (xrf2);
	(xrf2) =	vadd.scan.msk.f32 $0xffff, v0;
	v0 =	vadd.f32 v9, v1;
	v1 =	vadd.f32 v6, v10;
	v10 =	vld [tilespmem:$0x1FF30]  }
0x1d6: {  	v39 =	vld [tilespmem:$0x2AF0]  }
0x1d7: {  	v4 =	vld [tilespmem:$0x3870]  }
0x1d8: {  	(v2sf) =	vpush v59, $0xF;
	v59 =	vld [tilespmem:$0x29F0];
	v0 =	vadd.f32 v8, v0  }
0x1d9: {  	v25 =	vadd.f32 $0.0e+00, v25;
	v60 =	vld [tilespmem:$0x2A70]  }
0x1da: {  	(v2sf) =	vpush v3, $0xF;
	v2, _, _ =	vpop (xrf2);
	v0 =	vadd.f32 v10, v0;
	v10 =	vld [tilespmem:$0x1FF40]  }
0x1db: {  	v25 =	vadd.f32 v51, v25;
	v51 =	vld [tilespmem:$0x2C10];
	(v2sf) =	vpush v2, $0xF;
	v9, _, _ =	vpop (xrf2)  }
0x1dc: {  	(v2sf) =	vpush v9, $0xF;
	v9 =	vld [tilespmem:$0x1FF50]  }
0x1dd: {  	v5 =	vadd.f32 v27, v5;
	v2 =	vld [tilespmem:$0x3AF0]  }
0x1de: {  	v62 =	vadd.f32 v43, v25;
	v25 =	vld [tilespmem:$0x3D80]  }
0x1df: {  	v5 =	vadd.f32 v22, v5;
	v22 =	vld [tilespmem:$0x3E90];
	v3, _, _ =	vpop (xrf2);
	v0 =	vadd.f32 v10, v0  }
0x1e0: {  	v43 =	vadd.f32 v50, v45;
	v45 =	vld [tilespmem:$0x2CB0];
	(v2sf) =	vpush v3, $0xF;
	v3, _, _ =	vpop (xrf2)  }
0x1e1: {  	v63 =	vld [tilespmem:$0x2B70];
	(v2sf) =	vpush v3, $0xF;
	v0 =	vadd.f32 v9, v0;
	v9, _, _ =	vpop (xrf2)  }
0x1e2: {  	(v2sf) =	vpush v9, $0xF;
	v9 =	vld [tilespmem:$0x1FF60]  }
0x1e3: {  	v43 =	vadd.f32 v57, v43;
	v57 =	vld [tilespmem:$0x1FFB0];
	v21 =	vadd.f32 v59, v62  }
0x1e4: {  	v6 =	vld [tilespmem:$0x2BF0]  }
0x1e5: {  	v5 =	vadd.f32 v19, v5;
	v59 =	vld [tilespmem:$0x1FFD0];
	v50 =	vadd.f32 v60, v21  }
0x1e6: {  	v29 =	vadd.f32 $0.0e+00, v51;
	v51 =	vld [tilespmem:$0x2D30];
	v43 =	vadd.f32 v58, v43  }
0x1e7: {  	v58 =	vld [tilespmem:$0x1FFC0];
	v39 =	vadd.f32 v39, v50;
	v0 =	vadd.f32 v9, v0;
	v9, _, _ =	vpop (xrf2)  }
0x1e8: {  	v1 =	vadd.f32 v46, v1;
	(v2sf) =	vpush v9, $0xF;
	v9 =	vld [tilespmem:$0x1FF70]  }
0x1e9: {  	v5 =	vadd.f32 v48, v5;
	v48 =	vld [tilespmem:$0x2DA0];
	v39 =	vadd.f32 v63, v39  }
0x1ea: {  	v46 =	vld [tilespmem:$0x38F0];
	v1 =	vadd.f32 v26, v1  }
0x1eb: {  	v8 =	vld [tilespmem:$0x3970];
	v6 =	vadd.f32 v6, v39  }
0x1ec: {  	v26 =	vld [tilespmem:$0x39F0];
	v1 =	vadd.f32 v20, v1  }
0x1ed: {  	v4 =	vadd.f32 v4, v6;
	v0 =	vadd.f32 v9, v0;
	v9 =	vld [tilespmem:$0x1FF80]  }
0x1ee: {  	v43 =	vadd.f32 v56, v43;
	v1 =	vadd.f32 v30, v1;
	v30 =	vld [tilespmem:$0x2C00]  }
0x1ef: {  	v10 =	vld [tilespmem:$0x3A70];
	v4 =	vadd.f32 v46, v4  }
0x1f0: {  	v39 =	vadd.f32 v57, v43;
	v1 =	vadd.f32 v37, v1;
	v37 =	vld [tilespmem:$0x2C80]  }
0x1f1: {  	v60 =	vld [tilespmem:$0x1FFE0];
	v4 =	vadd.f32 v8, v4  }
0x1f2: {  	v32 =	vadd.f32 v58, v39;
	v9 =	vadd.f32 v9, v0;
	v0 =	vld [tilespmem:$0x1FF90]  }
0x1f3: {  	v63 =	vld [tilespmem:$0x2C20];
	v62 =	vadd.f32 $0.0e+00, v30;
	v4 =	vadd.f32 v26, v4  }
0x1f4: {  	v5 =	vadd.f32 v11, v5;
	v20 =	vld [tilespmem:$0x3B70];
	v32 =	vadd.f32 v59, v32  }
0x1f5: {  	v19 =	vadd.f32 v37, v62;
	v37 =	vld [tilespmem:$0x2C30];
	v4 =	vadd.f32 v10, v4  }
0x1f6: {  	v3 =	vld [tilespmem:$0x3BF0];
	v43 =	vadd.f32 v53, v29;
	v27 =	vadd.f32 v60, v32  }
0x1f7: {  	v2 =	vadd.f32 v2, v4;
	v1 =	vadd.f32 v0, v1;
	v0 =	vld [tilespmem:$0x2D80]  }
0x1f8: {  	v56 =	vld [tilespmem:$0x2EA0];
	v50 =	vadd.f32 v54, v43;
	v46 =	vadd.f32 $0.0e+00, v63  }
0x1f9: {  	v39 =	vld [tilespmem:$0x2D20];
	v26 =	vadd.f32 v61, v27;
	v2 =	vadd.f32 v20, v2  }
0x1fa: {  	v57 =	vld [tilespmem:$0x2E30];
	v19 =	vadd.f32 v52, v19;
	v53 =	vadd.f32 $0.0e+00, v37  }
0x1fb: {  	v2 =	vadd.f32 v3, v2;
	v1 =	vadd.f32 v49, v1;
	v49 =	vld [tilespmem:$0x2E80]  }
0x1fc: {  	v54 =	vld [tilespmem:$0x2DB0];
	v3 =	vadd.f32 v35, v46;
	v0 =	vadd.f32 v0, v19  }
0x1fd: {  	v52 =	vld [tilespmem:$0x2E20];
	v19 =	vadd.f32 v55, v50;
	v55 =	vadd.f32 v45, v53  }
0x1fe: {  	v29 =	vld [tilespmem:$0x2FB0];
	v3 =	vadd.f32 v39, v3;
	v0 =	vadd.f32 v47, v0  }
0x1ff: {  	v6 =	vld [tilespmem:$0x2F90];
	v19 =	vadd.f32 v31, v19;
	v11 =	vadd.f32 v51, v55  }
0x200: {  	v59 =	vld [tilespmem:$0x2EB0];
	v3 =	vadd.f32 v48, v3;
	v0 =	vadd.f32 v49, v0  }
0x201: {  	v58 =	vld [tilespmem:$0x2F20];
	v19 =	vadd.f32 v33, v19;
	v60 =	vadd.f32 v54, v11  }
0x202: {  	v62 =	vld [tilespmem:$0x2F30];
	v3 =	vadd.f32 v52, v3;
	v0 =	vadd.f32 v36, v0  }
0x203: {  	v61 =	vld [tilespmem:$0x2FA0];
	v15 =	vadd.f32 v15, v19;
	v4 =	vadd.f32 v57, v60  }
0x204: {  	v63 =	vld [tilespmem:$0x3C20];
	v3 =	vadd.f32 v56, v3;
	v0 =	vadd.f32 v44, v0  }
0x205: {  	v30 =	vld [tilespmem:$0x3CA0];
	v6 =	vadd.f32 v6, v15;
	v4 =	vadd.f32 v59, v4  }
0x206: {  	v3 =	vadd.f32 v58, v3;
	v31 =	vld [tilespmem:$0x3C30];
	v0 =	vadd.f32 v38, v0  }
0x207: {  	v8 =	vld [tilespmem:$0x3D90];
	v6 =	vadd.f32 v13, v6;
	v4 =	vadd.f32 v62, v4  }
0x208: {  	v3 =	vadd.f32 v61, v3;
	v33 =	vld [tilespmem:$0x3CB0];
	v0 =	vadd.f32 v40, v0  }
0x209: {  	v32 =	vld [tilespmem:$0x3D20];
	v6 =	vadd.f32 v28, v6;
	v4 =	vadd.f32 v29, v4  }
0x20a: {  	v35 =	vld [tilespmem:$0x3D30];
	(xrf2) =	vadd.scan.msk.f32 $0xffff, v9;
	v3 =	vadd.f32 v63, v3;
	v0 =	vadd.f32 v34, v0  }
0x20b: {  	v34 =	vld [tilespmem:$0x3DA0];
	v6 =	vadd.f32 v24, v6;
	v37 =	vadd.f32 v31, v4  }
0x20c: {  	v39 =	vld [tilespmem:$0x3DB0];
	(xrf2) =	vadd.scan.msk.f32 $0xffff, v1;
	v36 =	vadd.f32 v30, v3;
	v0 =	vadd.f32 v25, v0  }
0x20d: {  	v38 =	vld [tilespmem:$0x3E20];
	v6 =	vadd.f32 v8, v6;
	v3 =	vadd.f32 v33, v37  }
0x20e: {  	v21 =	vld [tilespmem:$0x3F80];
	(xrf2) =	vadd.scan.msk.f32 $0xffff, v26;
	v1 =	vadd.f32 v32, v36;
	v0 =	vadd.f32 v16, v0  }
0x20f: {  	v40 =	vld [tilespmem:$0x3EA0];
	v6 =	vadd.f32 v14, v6;
	v3 =	vadd.f32 v35, v3  }
0x210: {  	v10 =	vld [tilespmem:$0x3F90];
	(xrf2) =	vadd.scan.msk.f32 $0xffff, v12;
	v1 =	vadd.f32 v34, v1;
	v0 =	vadd.f32 v17, v0  }
0x211: {  	s9 =	spop (v2sf);
	v43 =	vld [tilespmem:$0x3EB0];
	v6 =	vadd.f32 v22, v6;
	v3 =	vadd.f32 v39, v3  }
0x212: {  	s10 =	spop (v2sf);
	v46 =	vld [tilespmem:$0x3F30];
	(xrf2) =	vadd.scan.msk.f32 $0xffff, v5;
	v1 =	vadd.f32 v38, v1;
	v0 =	vadd.f32 v7, v0  }
0x213: {  	s3 =	sand.u32 $0x7FFFFFFF, s9;
	s4 =	sand.u32 $0x7FFFFFFF, s10;
	v44 =	vld [tilespmem:$0x3FA0];
	v45 =	vadd.f32 v18, v6;
	v48 =	vadd.f32 v41, v3  }
0x214: {  	s3 =	sadd.f32 s4, s3;
	s11 =	spop (v2sf);
	v47, _, _ =	vpop (xrf2);
	(xrf2) =	vadd.scan.msk.f32 $0xffff, v2;
	v1 =	vadd.f32 v40, v1;
	v0 =	vadd.f32 v21, v0  }
0x215: {  	s4 =	sand.u32 $0x7FFFFFFF, s11;
	v50 =	vld [tilespmem:$0x3FB0];
	(v2sf) =	vpush v47, $0xF;
	v49 =	vadd.f32 v10, v45  }
0x216: {  	s12 =	spop (v2sf);
	s3 =	sadd.f32 s4, s3;
	v51, _, _ =	vpop (xrf2);
	v53 =	vadd.f32 v43, v48;
	v52 =	vadd.f32 v42, v1;
	(xrf2) =	vadd.scan.msk.f32 $0xffff, v0  }
0x217: {  	s4 =	sand.u32 $0x7FFFFFFF, s12;
	(v2sf) =	vpush v51, $0xF  }
0x218: {  	s13 =	spop (v2sf);
	s3 =	sadd.f32 s4, s3;
	v54, _, _ =	vpop (xrf2);
	v1 =	vadd.f32 v46, v53;
	(xrf2) =	vadd.scan.msk.f32 $0xffff, v49;
	v0 =	vadd.f32 v44, v52  }
0x219: {  	s4 =	sand.u32 $0x7FFFFFFF, s13;
	(v2sf) =	vpush v54, $0xF  }
0x21a: {  	s3 =	sadd.f32 s4, s3;
	s14 =	spop (v2sf);
	v55, _, _ =	vpop (xrf2);
	v56 =	vadd.f32 v50, v1;
	(xrf2) =	vadd.scan.msk.f32 $0xffff, v0  }
0x21b: {  	s4 =	sand.u32 $0x7FFFFFFF, s14;
	(v2sf) =	vpush v55, $0xF  }
0x21c: {  	s15 =	spop (v2sf);
	s3 =	sadd.f32 s4, s3;
	v57, _, _ =	vpop (xrf2);
	(xrf2) =	vadd.scan.msk.f32 $0xffff, v56  }
0x21d: {  	s4 =	sand.u32 $0x7FFFFFFF, s15;
	(v2sf) =	vpush v57, $0xF  }
0x21e: {  	s16 =	spop (v2sf);
	s3 =	sadd.f32 s4, s3;
	v58, _, _ =	vpop (xrf2)  }
0x21f: {  	s4 =	sand.u32 $0x7FFFFFFF, s16;
	(v2sf) =	vpush v58, $0xF  }
0x220: {  	s3 =	sadd.f32 s4, s3;
	s17 =	spop (v2sf);
	v59, _, _ =	vpop (xrf2)  }
0x221: {  	s4 =	sand.u32 $0x7FFFFFFF, s17;
	(v2sf) =	vpush v59, $0xF  }
0x222: {  	s3 =	sadd.f32 s4, s3;
	s18 =	spop (v2sf);
	v60, _, _ =	vpop (xrf2)  }
0x223: {  	s4 =	sand.u32 $0x7FFFFFFF, s18;
	(v2sf) =	vpush v60, $0xF  }
0x224: {  	s3 =	sadd.f32 s4, s3;
	s19 =	spop (v2sf);
	v61, _, _ =	vpop (xrf2)  }
0x225: {  	s4 =	sand.u32 $0x7FFFFFFF, s19;
	(v2sf) =	vpush v61, $0xF  }
0x226: {  	s3 =	sadd.f32 s4, s3;
	s20 =	spop (v2sf);
	v62, _, _ =	vpop (xrf2)  }
0x227: {  	s4 =	sand.u32 $0x7FFFFFFF, s20;
	(v2sf) =	vpush v62, $0xF  }
0x228: {  	s21 =	spop (v2sf);
	s3 =	sadd.f32 s4, s3  }
0x229: {  	s4 =	sand.u32 $0x7FFFFFFF, s21  }
0x22a: {  	s22 =	spop (v2sf);
	s3 =	sadd.f32 s4, s3  }
0x22b: {  	s4 =	sand.u32 $0x7FFFFFFF, s22  }
0x22c: {  	s23 =	spop (v2sf);
	s3 =	sadd.f32 s4, s3  }
0x22d: {  	s4 =	sand.u32 $0x7FFFFFFF, s23  }
0x22e: {  	s24 =	spop (v2sf);
	s3 =	sadd.f32 s4, s3  }
0x22f: {  	s4 =	sand.u32 $0x7FFFFFFF, s24  }
0x230: {  	s3 =	sadd.f32 s4, s3;
	s25 =	spop (v2sf)  }
0x231: {  	s4 =	sand.u32 $0x7FFFFFFF, s25  }
0x232: {  	s26 =	spop (v2sf);
	s3 =	sadd.f32 s4, s3  }
0x233: {  	s4 =	sand.u32 $0x7FFFFFFF, s26  }
0x234: {  	s28 =	spop (v2sf);
	s3 =	sadd.f32 s4, s3  }
0x235: {  	s4 =	sand.u32 $0x7FFFFFFF, s28  }
0x236: {  	s29 =	spop (v2sf);
	s3 =	sadd.f32 s4, s3  }
0x237: {  	s4 =	sand.u32 $0x7FFFFFFF, s29  }
0x238: {  	s3 =	sadd.f32 s4, s3;
	_ =	sdelay $0x1  }
0x239: {  	s3 =	smul.f32 $1.525878910e-05, s3;
	_ =	sdelay $0x1  }
0x23a: {  	v63 =	vmov s3  }
0x23b: {  	s30 =	simm.s32 $0x0;
	s31 =	simm.s32 $0x4400;
	[tilespmem:$0x4400] =	vst v63  }
0x23c: {  	[hbm4b:s1+s30] =	stream.linear.scatter [tilespmem:s31], [sflag:$0x1], $0x80, $0x38;
	[tilespmem:$0x4480] =	vst v63  }
0x23d: {  	_ =	swait.ge [sflag:s2], $0x80  }
0x23e: {  	[sflag:s2] =	ssyncset.done $0x0  }
0x23f: {  	[sflag:s2] =	ssyncadd.s32 $0xFFFFFF80  }
0x240: {  	_ =	sfence.sel $0x180000  }
0x241: {  	[bflag:$0x0] =	sbarrier.arrive $0xFFFF  }
0x242: {  	_ =	strace $0x90000047  }
0x243: {  	s0 =	sadd.s32 $0x100000, s0;
	[bflag:$0x2] =	sbarrier.arrive $0xFFFF  }
0x244: {  	[sflag:s0] =	ssyncadd.tile.s32 $0x1;
	_ =	shalt  }
.Lfunc_end2:
_tile_overlayer_lowered:
.L_overlay_start_2:
0x245: {  	(tag) =	ssettag $0x2  }
0x246: {  	s0 =	rddreg [dreg:$0x0];
	s2 =	stileid.u32  }
0x247: {  	s1 =	rddreg [dreg:$0x1];
	p0 =	sne.s32 s2, $0x0  }
0x248: {  	s3 =	rddreg [dreg:$0x2];
	[bflag:$0x3] =	sbarrier.arrive $0xFFFF;
	s2 =	simm.s32 @!p0 $0x1C01  }
0x249: {  	[timem:s3], [sflag:s2] =	dma.local @!p0 [hbm:s0], s1  }
0x24a: {  	s0 =	simm.s32 @!p0 $0x1  }
0x24b: {  	_ =	swait.ge @!p0 [sflag:s0], s1  }
0x24c: {  	s1 =	ssub.s32 @!p0 $0x0, s1;
	[sflag:s0] =	ssyncset.done @!p0 $0x0  }
0x24d: {  	[sflag:s0] =	ssyncadd.s32 @!p0 s1  }
0x24e: {  	[bflag:$0x3] =	sbarrier.arrive $0xFFFF  }
0x24f: {  	_ =	shalt  }

</sc_bundles>
